<compile_context>
chip_gen: v7x
topology: tpu7x:2x2x1
jax: 0.10.2.dev20260603
libtpu: 0.0.44.dev20260713+nightly
codegen_flags: <defaults>
</compile_context>

<pallas_src>
import functools

import jax
import jax.numpy as jnp
from jax import lax
from jax.experimental import pallas as pl
from jax.experimental.pallas import tpu as pltpu
from jax.experimental.pallas import tpu_sc as plsc

N = 10000
E = 320000
D = 128
L = 2
EPS = 1e-5

NP = 10240
DH = D // 2
CHUNK = 128
T_DEG = 80
T_AGG = 160
EPAD = 32 * T_DEG * CHUNK
ROWS_PER_TILE = NP // 16
ZCOPIES = ROWS_PER_TILE // CHUNK
NBUF = 4

_mesh = plsc.VectorSubcoreMesh(core_axis_name="c", subcore_axis_name="s")
_sc_params = pltpu.CompilerParams(use_tc_tiling_on_sc=False)


@functools.partial(
    pl.kernel,
    out_type=jax.ShapeDtypeStruct((2, NP, 16), jnp.float32),
    mesh=_mesh,
    compiler_params=_sc_params,
    scratch_types=[
        pltpu.VMEM((T_DEG, CHUNK), jnp.int32),
        pltpu.VMEM((CHUNK, 16), jnp.float32),
        pltpu.VMEM((CHUNK, 16), jnp.float32),
        pltpu.VMEM_SHARED((NP, 16), jnp.float32),
        pltpu.SemaphoreType.DMA,
    ],
)
def _sc_degree(dst_hbm, ones_hbm, zeros_hbm, out_hbm,
               idx_d, ones_v, zero_v, acc_sh, sem):
  cid = lax.axis_index("c")
  sid = lax.axis_index("s")
  wid = cid * 16 + sid
  pltpu.sync_copy(dst_hbm.at[wid], idx_d)
  pltpu.sync_copy(ones_hbm, ones_v)
  pltpu.sync_copy(zeros_hbm, zero_v)
  base = sid * ROWS_PER_TILE
  for k in range(ZCOPIES):
    pltpu.sync_copy(zero_v, acc_sh.at[pl.ds(base + k * CHUNK, CHUNK)])
  plsc.subcore_barrier()

  @pl.loop(0, T_DEG, step=NBUF)
  def _(t0):
    cps = [
        pltpu.async_copy(ones_v, acc_sh.at[idx_d.at[t0 + i]], sem, add=True)
        for i in range(NBUF)
    ]
    for cp in cps:
      cp.wait()

  plsc.subcore_barrier()
  for k in range(ZCOPIES):
    r = base + k * CHUNK
    pltpu.sync_copy(acc_sh.at[pl.ds(r, CHUNK)], out_hbm.at[cid, pl.ds(r, CHUNK)])


@functools.partial(
    pl.kernel,
    out_type=jax.ShapeDtypeStruct((2, NP, DH), jnp.float32),
    mesh=_mesh,
    compiler_params=_sc_params,
    scratch_types=[
        pltpu.VMEM((T_AGG, CHUNK), jnp.int32),
        pltpu.VMEM((T_AGG, CHUNK), jnp.int32),
        pltpu.VMEM((NBUF, CHUNK, DH), jnp.float32),
        pltpu.VMEM((CHUNK, DH), jnp.float32),
        pltpu.VMEM_SHARED((NP, DH), jnp.float32),
        pltpu.SemaphoreType.DMA,
        pltpu.SemaphoreType.DMA,
    ],
)
def _sc_aggregate(g2_hbm, srcx_hbm, dstx_hbm, zeros_hbm, out_hbm,
                  idx_s, idx_d, rows_v, zero_v, acc_sh, gsem, ssem):
  cid = lax.axis_index("c")
  sid = lax.axis_index("s")
  pltpu.sync_copy(srcx_hbm.at[cid, sid], idx_s)
  pltpu.sync_copy(dstx_hbm.at[sid], idx_d)
  pltpu.sync_copy(zeros_hbm, zero_v)
  base = sid * ROWS_PER_TILE
  for k in range(ZCOPIES):
    pltpu.sync_copy(zero_v, acc_sh.at[pl.ds(base + k * CHUNK, CHUNK)])
  plsc.subcore_barrier()

  @pl.loop(0, T_AGG, step=NBUF)
  def _(t0):
    for i in range(NBUF):
      pltpu.async_copy(g2_hbm.at[idx_s.at[t0 + i]], rows_v.at[i], gsem)
    scps = []
    for i in range(NBUF):
      pltpu.make_async_copy(g2_hbm.at[idx_s.at[t0 + i]], rows_v.at[i],
                            gsem).wait()
      scps.append(
          pltpu.async_copy(rows_v.at[i], acc_sh.at[idx_d.at[t0 + i]], ssem,
                           add=True))
    for cp in scps:
      cp.wait()

  plsc.subcore_barrier()
  for k in range(ZCOPIES):
    r = base + k * CHUNK
    pltpu.sync_copy(acc_sh.at[pl.ds(r, CHUNK)], out_hbm.at[cid, pl.ds(r, CHUNK)])


TC_BLK = 2048


def _dinv_block(degp):
  deg = degp[0, :, 0:1] + degp[1, :, 0:1]
  return jnp.where(deg > 0, lax.rsqrt(jnp.maximum(deg, 1e-12)), 0.0)


def _tc_first_body(x_ref, w_ref, degp_ref, g_ref):
  dinv = _dinv_block(degp_ref[...])
  g_ref[...] = dinv * jnp.dot(x_ref[...], w_ref[...],
                              preferred_element_type=jnp.float32)


def _tc_mid_body(agg_ref, degp_ref, bias_ref, w_ref, g_ref):
  dinv = _dinv_block(degp_ref[...])
  agg = jnp.concatenate([agg_ref[0], agg_ref[1]], axis=1)
  h = jnp.maximum(dinv * agg + bias_ref[...], 0.0)
  g_ref[...] = dinv * jnp.dot(h, w_ref[...], preferred_element_type=jnp.float32)


def _tc_last_body(agg_ref, degp_ref, bias_ref, out_ref):
  dinv = _dinv_block(degp_ref[...])
  agg = jnp.concatenate([agg_ref[0], agg_ref[1]], axis=1)
  out_ref[...] = jnp.maximum(dinv * agg + bias_ref[...], 0.0)


_row_spec = pl.BlockSpec((TC_BLK, D), lambda i: (i, 0))
_split_spec = pl.BlockSpec((2, TC_BLK, DH), lambda i: (0, i, 0))
_degp_spec = pl.BlockSpec((2, TC_BLK, 16), lambda i: (0, i, 0))
_w_spec = pl.BlockSpec((D, D), lambda i: (0, 0))
_bias_spec = pl.BlockSpec((1, D), lambda i: (0, 0))
_out_struct = jax.ShapeDtypeStruct((NP, D), jnp.float32)

_tc_first = pl.pallas_call(
    _tc_first_body, grid=(NP // TC_BLK,),
    in_specs=[_row_spec, _w_spec, _degp_spec],
    out_specs=_row_spec, out_shape=_out_struct)

_tc_mid = pl.pallas_call(
    _tc_mid_body, grid=(NP // TC_BLK,),
    in_specs=[_split_spec, _degp_spec, _bias_spec, _w_spec],
    out_specs=_row_spec, out_shape=_out_struct)

_tc_last = pl.pallas_call(
    _tc_last_body, grid=(NP // TC_BLK,),
    in_specs=[_split_spec, _degp_spec, _bias_spec],
    out_specs=_row_spec, out_shape=_out_struct)


@jax.jit
def _run(x, edge_index, W, b, gamma, beta, running_mean, running_var):
  s = gamma * lax.rsqrt(running_var + EPS)
  t = beta - running_mean * s
  W_eff = W * s[:, None, :]
  bias_eff = (b * s + t)[:, None, :]

  pad = EPAD - E
  src = jnp.concatenate([edge_index[0], jnp.zeros((pad,), jnp.int32)])
  dst = jnp.concatenate([edge_index[1], jnp.full((pad,), N, jnp.int32)])
  src2 = src * 2
  srcx = jnp.stack([src2, src2 + 1]).reshape(2, 16, T_AGG, CHUNK)
  dstx = dst.reshape(16, T_AGG, CHUNK)
  dst_deg = dst.reshape(32, T_DEG, CHUNK)

  xp = jnp.zeros((NP, D), jnp.float32).at[:N].set(x)
  ones16 = jnp.ones((CHUNK, 16), jnp.float32)
  zeros16 = jnp.zeros((CHUNK, 16), jnp.float32)
  zerosdh = jnp.zeros((CHUNK, DH), jnp.float32)

  degp = _sc_degree(dst_deg, ones16, zeros16)
  g = _tc_first(xp, W_eff[0], degp)
  agg = _sc_aggregate(g.reshape(2 * NP, DH), srcx, dstx, zerosdh)
  g = _tc_mid(agg, degp, bias_eff[0], W_eff[1])
  agg = _sc_aggregate(g.reshape(2 * NP, DH), srcx, dstx, zerosdh)
  out = _tc_last(agg, degp, bias_eff[1])
  return out[:N]


def kernel(x, edge_index, W, b, gamma, beta, running_mean, running_var):
  return _run(x, edge_index, W, b, gamma, beta, running_mean, running_var)

# --- scband reference (transcript-rebuilt; emitter-appended) ---
"""Pipeline reference for scband-homo-gcn-11914239279715 (READ-ONLY COPY).

The authoritative reference and input builder live on the scoring server;
editing this copy changes nothing except your own understanding.
"""

import jax, jax.numpy as jnp
import numpy as np

N = 10000
E = 320000
D = 128
L = 2
EPS = 1e-5


def setup_inputs(seed: int = 0) -> dict:
    key = jax.random.key(seed)
    ks = jax.random.split(key, 4)
    x = jax.random.normal(ks[0], (N, D), dtype=jnp.float32)
    edge_index = jax.random.randint(ks[1], (2, E), 0, N, dtype=jnp.int32)
    # learned parameters for L GCN layers (PyG GCNConv: glorot-like lin weight, zero bias)
    W = jax.random.normal(ks[2], (L, D, D), dtype=jnp.float32) * (1.0 / np.sqrt(D))
    b = jnp.zeros((L, D), dtype=jnp.float32)
    # BatchNorm1d params / running stats (eval mode)
    gamma = jnp.ones((L, D), dtype=jnp.float32)
    beta = jnp.zeros((L, D), dtype=jnp.float32)
    running_mean = jnp.zeros((L, D), dtype=jnp.float32)
    running_var = jnp.ones((L, D), dtype=jnp.float32)
    return {
        'x': x,
        'edge_index': edge_index,
        'W': W,
        'b': b,
        'gamma': gamma,
        'beta': beta,
        'running_mean': running_mean,
        'running_var': running_var,
    }


def _gcn_conv(x, src, dst, W_l, b_l):
    # gcn_norm with add_self_loops=False, edge_weight=1:
    # deg[j] = number of incoming edges at dst j
    deg = jax.ops.segment_sum(jnp.ones((E,), dtype=x.dtype), dst, num_segments=N)
    deg_inv_sqrt = jnp.where(deg > 0, jax.lax.rsqrt(jnp.maximum(deg, 1e-12)), 0.0)
    norm = deg_inv_sqrt[src] * deg_inv_sqrt[dst]
    h = x @ W_l
    msg = norm[:, None] * jnp.take(h, src, axis=0)
    out = jax.ops.segment_sum(msg, dst, num_segments=N)
    return out + b_l


def _bn_eval(x, gamma_l, beta_l, rm_l, rv_l):
    return (x - rm_l) * jax.lax.rsqrt(rv_l + EPS) * gamma_l + beta_l


def reference(x, edge_index, W, b, gamma, beta, running_mean, running_var):
    src = edge_index[0]
    dst = edge_index[1]
    h = x
    for l in range(L):
        h = _gcn_conv(h, src, dst, W[l], b[l])
        h = _bn_eval(h, gamma[l], beta[l], running_mean[l], running_var[l])
        h = jax.nn.relu(h)
        # dropout: eval mode -> identity
    return h

if __name__ == "__main__":
    import jax
    _d = setup_inputs()
    print(jax.jit(kernel)(*tuple(_d.values())))

</pallas_src>

<mosaic_0001>
#map = affine_map<(d0, d1) -> (0, 0)>
#map1 = affine_map<(d0, d1) -> (0, 0, 0, 0)>
#map2 = affine_map<(d0, d1) -> (0, 0, 0)>
module attributes {stable_mosaic.version = 14 : i64} {
  func.func @_sc_aggregate(%arg0: i32, %arg1: i32, %arg2: memref<20480x64xf32, #tpu.memory_space<hbm>>, %arg3: memref<2x16x160x128xi32, #tpu.memory_space<hbm>>, %arg4: memref<16x160x128xi32, #tpu.memory_space<hbm>>, %arg5: memref<128x64xf32, #tpu.memory_space<hbm>>, %arg6: memref<2x10240x64xf32, #tpu.memory_space<hbm>>, %arg7: memref<160x128xi32, #tpu.memory_space<vmem>>, %arg8: memref<160x128xi32, #tpu.memory_space<vmem>>, %arg9: memref<4x128x64xf32, #tpu.memory_space<vmem>>, %arg10: memref<128x64xf32, #tpu.memory_space<vmem>>, %arg11: memref<10240x64xf32, #tpu.memory_space<vmem_shared>>, %arg12: memref<!tpu.dma_semaphore, #tpu.memory_space<semaphore_mem>>, %arg13: memref<!tpu.dma_semaphore, #tpu.memory_space<semaphore_mem>>) attributes {dimension_semantics = [#tpu.dimension_semantics<core_parallel>, #tpu.dimension_semantics<subcore_parallel>], iteration_bounds = array<i64: 2, 16>, scalar_prefetch = 0 : i64, scratch_operands = 7 : i64, tpu.core_type = #tpu.core_type<sc_vector_subcore>, window_params = [{transform_indices = #map}, {transform_indices = #map1}, {transform_indices = #map2}, {transform_indices = #map}, {transform_indices = #map2}]} {
    "tpu.region"() ({
      %run_scoped3A = tpu.sem_alloc : memref<!tpu.dma_semaphore, #tpu.memory_space<semaphore_mem>>
      %dma_start3A = arith.constant 0 : i32
      %dma_start3A_25 = arith.constant 0 : i32
      %dma_start3A_26 = tpu.memref_slice %arg3[%arg0, %arg1, %dma_start3A, %dma_start3A_25] : memref<2x16x160x128xi32, #tpu.memory_space<hbm>> -> memref<1x1x160x128xi32, #tpu.memory_space<hbm>>
      %dma_start3A_27 = tpu.memref_squeeze %dma_start3A_26 : memref<1x1x160x128xi32, #tpu.memory_space<hbm>> -> memref<160x128xi32, #tpu.memory_space<hbm>>
      %dma_start3A_28 = arith.constant 0 : i32
      %dma_start3A_29 = arith.constant 0 : i32
      %dma_start3A_30 = tpu.memref_slice %arg3[%arg0, %arg1, %dma_start3A_28, %dma_start3A_29] : memref<2x16x160x128xi32, #tpu.memory_space<hbm>> -> memref<1x1x160x128xi32, #tpu.memory_space<hbm>>
      %dma_start3A_31 = tpu.memref_squeeze %dma_start3A_30 : memref<1x1x160x128xi32, #tpu.memory_space<hbm>> -> memref<160x128xi32, #tpu.memory_space<hbm>>
      tpu.enqueue_dma source(%dma_start3A_31 : memref<160x128xi32, #tpu.memory_space<hbm>>) target(%arg7 : memref<160x128xi32, #tpu.memory_space<vmem>>) target_semaphore(%run_scoped3A : memref<!tpu.dma_semaphore, #tpu.memory_space<semaphore_mem>>)
      %dma_wait3A = arith.constant 0 : i32
      %dma_wait3A_32 = arith.constant 0 : i32
      %dma_wait3A_33 = tpu.memref_slice %arg3[%arg0, %arg1, %dma_wait3A, %dma_wait3A_32] : memref<2x16x160x128xi32, #tpu.memory_space<hbm>> -> memref<1x1x160x128xi32, #tpu.memory_space<hbm>>
      %dma_wait3A_34 = tpu.memref_squeeze %dma_wait3A_33 : memref<1x1x160x128xi32, #tpu.memory_space<hbm>> -> memref<160x128xi32, #tpu.memory_space<hbm>>
      %dma_wait3A_35 = arith.constant 0 : i32
      %dma_wait3A_36 = arith.constant 0 : i32
      %dma_wait3A_37 = tpu.memref_slice %arg3[%arg0, %arg1, %dma_wait3A_35, %dma_wait3A_36] : memref<2x16x160x128xi32, #tpu.memory_space<hbm>> -> memref<1x1x160x128xi32, #tpu.memory_space<hbm>>
      %dma_wait3A_38 = tpu.memref_squeeze %dma_wait3A_37 : memref<1x1x160x128xi32, #tpu.memory_space<hbm>> -> memref<160x128xi32, #tpu.memory_space<hbm>>
      tpu.wait_dma2 semaphore(%run_scoped3A : memref<!tpu.dma_semaphore, #tpu.memory_space<semaphore_mem>>) src(%dma_wait3A_38 : memref<160x128xi32, #tpu.memory_space<hbm>>) dst(%arg7 : memref<160x128xi32, #tpu.memory_space<vmem>>)
      tpu.yield
    }) : () -> ()
    "tpu.region"() ({
      %run_scoped3A = tpu.sem_alloc : memref<!tpu.dma_semaphore, #tpu.memory_space<semaphore_mem>>
      %dma_start3A = arith.constant 0 : i32
      %dma_start3A_25 = arith.constant 0 : i32
      %dma_start3A_26 = tpu.memref_slice %arg4[%arg1, %dma_start3A, %dma_start3A_25] : memref<16x160x128xi32, #tpu.memory_space<hbm>> -> memref<1x160x128xi32, #tpu.memory_space<hbm>>
      %dma_start3A_27 = tpu.memref_squeeze %dma_start3A_26 : memref<1x160x128xi32, #tpu.memory_space<hbm>> -> memref<160x128xi32, #tpu.memory_space<hbm>>
      %dma_start3A_28 = arith.constant 0 : i32
      %dma_start3A_29 = arith.constant 0 : i32
      %dma_start3A_30 = tpu.memref_slice %arg4[%arg1, %dma_start3A_28, %dma_start3A_29] : memref<16x160x128xi32, #tpu.memory_space<hbm>> -> memref<1x160x128xi32, #tpu.memory_space<hbm>>
      %dma_start3A_31 = tpu.memref_squeeze %dma_start3A_30 : memref<1x160x128xi32, #tpu.memory_space<hbm>> -> memref<160x128xi32, #tpu.memory_space<hbm>>
      tpu.enqueue_dma source(%dma_start3A_31 : memref<160x128xi32, #tpu.memory_space<hbm>>) target(%arg8 : memref<160x128xi32, #tpu.memory_space<vmem>>) target_semaphore(%run_scoped3A : memref<!tpu.dma_semaphore, #tpu.memory_space<semaphore_mem>>)
      %dma_wait3A = arith.constant 0 : i32
      %dma_wait3A_32 = arith.constant 0 : i32
      %dma_wait3A_33 = tpu.memref_slice %arg4[%arg1, %dma_wait3A, %dma_wait3A_32] : memref<16x160x128xi32, #tpu.memory_space<hbm>> -> memref<1x160x128xi32, #tpu.memory_space<hbm>>
      %dma_wait3A_34 = tpu.memref_squeeze %dma_wait3A_33 : memref<1x160x128xi32, #tpu.memory_space<hbm>> -> memref<160x128xi32, #tpu.memory_space<hbm>>
      %dma_wait3A_35 = arith.constant 0 : i32
      %dma_wait3A_36 = arith.constant 0 : i32
      %dma_wait3A_37 = tpu.memref_slice %arg4[%arg1, %dma_wait3A_35, %dma_wait3A_36] : memref<16x160x128xi32, #tpu.memory_space<hbm>> -> memref<1x160x128xi32, #tpu.memory_space<hbm>>
      %dma_wait3A_38 = tpu.memref_squeeze %dma_wait3A_37 : memref<1x160x128xi32, #tpu.memory_space<hbm>> -> memref<160x128xi32, #tpu.memory_space<hbm>>
      tpu.wait_dma2 semaphore(%run_scoped3A : memref<!tpu.dma_semaphore, #tpu.memory_space<semaphore_mem>>) src(%dma_wait3A_38 : memref<160x128xi32, #tpu.memory_space<hbm>>) dst(%arg8 : memref<160x128xi32, #tpu.memory_space<vmem>>)
      tpu.yield
    }) : () -> ()
    "tpu.region"() ({
      %run_scoped3A = tpu.sem_alloc : memref<!tpu.dma_semaphore, #tpu.memory_space<semaphore_mem>>
      tpu.enqueue_dma source(%arg5 : memref<128x64xf32, #tpu.memory_space<hbm>>) target(%arg10 : memref<128x64xf32, #tpu.memory_space<vmem>>) target_semaphore(%run_scoped3A : memref<!tpu.dma_semaphore, #tpu.memory_space<semaphore_mem>>)
      tpu.wait_dma2 semaphore(%run_scoped3A : memref<!tpu.dma_semaphore, #tpu.memory_space<semaphore_mem>>) src(%arg5 : memref<128x64xf32, #tpu.memory_space<hbm>>) dst(%arg10 : memref<128x64xf32, #tpu.memory_space<vmem>>)
      tpu.yield
    }) : () -> ()
    %mul3A = arith.constant 640 : i32
    %mul3A_0 = arith.muli %arg1, %mul3A : i32
    %add3A = arith.constant 0 : i32
    %add3A_1 = arith.addi %mul3A_0, %add3A : i32
    "tpu.region"() ({
      %run_scoped3A = tpu.sem_alloc : memref<!tpu.dma_semaphore, #tpu.memory_space<semaphore_mem>>
      %dma_start3A = arith.constant 0 : i32
      %dma_start3A_25 = tpu.memref_slice %arg11[%add3A_1, %dma_start3A] : memref<10240x64xf32, #tpu.memory_space<vmem_shared>> -> memref<128x64xf32, #tpu.memory_space<vmem_shared>>
      %dma_start3A_26 = arith.constant 0 : i32
      %dma_start3A_27 = tpu.memref_slice %arg11[%add3A_1, %dma_start3A_26] : memref<10240x64xf32, #tpu.memory_space<vmem_shared>> -> memref<128x64xf32, #tpu.memory_space<vmem_shared>>
      tpu.enqueue_dma source(%arg10 : memref<128x64xf32, #tpu.memory_space<vmem>>) target(%dma_start3A_27 : memref<128x64xf32, #tpu.memory_space<vmem_shared>>) target_semaphore(%run_scoped3A : memref<!tpu.dma_semaphore, #tpu.memory_space<semaphore_mem>>)
      %dma_wait3A = arith.constant 0 : i32
      %dma_wait3A_28 = tpu.memref_slice %arg11[%add3A_1, %dma_wait3A] : memref<10240x64xf32, #tpu.memory_space<vmem_shared>> -> memref<128x64xf32, #tpu.memory_space<vmem_shared>>
      %dma_wait3A_29 = arith.constant 0 : i32
      %dma_wait3A_30 = tpu.memref_slice %arg11[%add3A_1, %dma_wait3A_29] : memref<10240x64xf32, #tpu.memory_space<vmem_shared>> -> memref<128x64xf32, #tpu.memory_space<vmem_shared>>
      tpu.wait_dma2 semaphore(%run_scoped3A : memref<!tpu.dma_semaphore, #tpu.memory_space<semaphore_mem>>) src(%arg10 : memref<128x64xf32, #tpu.memory_space<vmem>>) dst(%dma_wait3A_30 : memref<128x64xf32, #tpu.memory_space<vmem_shared>>)
      tpu.yield
    }) : () -> ()
    %add3A_2 = arith.constant 128 : i32
    %add3A_3 = arith.addi %mul3A_0, %add3A_2 : i32
    "tpu.region"() ({
      %run_scoped3A = tpu.sem_alloc : memref<!tpu.dma_semaphore, #tpu.memory_space<semaphore_mem>>
      %dma_start3A = arith.constant 0 : i32
      %dma_start3A_25 = tpu.memref_slice %arg11[%add3A_3, %dma_start3A] : memref<10240x64xf32, #tpu.memory_space<vmem_shared>> -> memref<128x64xf32, #tpu.memory_space<vmem_shared>>
      %dma_start3A_26 = arith.constant 0 : i32
      %dma_start3A_27 = tpu.memref_slice %arg11[%add3A_3, %dma_start3A_26] : memref<10240x64xf32, #tpu.memory_space<vmem_shared>> -> memref<128x64xf32, #tpu.memory_space<vmem_shared>>
      tpu.enqueue_dma source(%arg10 : memref<128x64xf32, #tpu.memory_space<vmem>>) target(%dma_start3A_27 : memref<128x64xf32, #tpu.memory_space<vmem_shared>>) target_semaphore(%run_scoped3A : memref<!tpu.dma_semaphore, #tpu.memory_space<semaphore_mem>>)
      %dma_wait3A = arith.constant 0 : i32
      %dma_wait3A_28 = tpu.memref_slice %arg11[%add3A_3, %dma_wait3A] : memref<10240x64xf32, #tpu.memory_space<vmem_shared>> -> memref<128x64xf32, #tpu.memory_space<vmem_shared>>
      %dma_wait3A_29 = arith.constant 0 : i32
      %dma_wait3A_30 = tpu.memref_slice %arg11[%add3A_3, %dma_wait3A_29] : memref<10240x64xf32, #tpu.memory_space<vmem_shared>> -> memref<128x64xf32, #tpu.memory_space<vmem_shared>>
      tpu.wait_dma2 semaphore(%run_scoped3A : memref<!tpu.dma_semaphore, #tpu.memory_space<semaphore_mem>>) src(%arg10 : memref<128x64xf32, #tpu.memory_space<vmem>>) dst(%dma_wait3A_30 : memref<128x64xf32, #tpu.memory_space<vmem_shared>>)
      tpu.yield
    }) : () -> ()
    %add3A_4 = arith.constant 256 : i32
    %add3A_5 = arith.addi %mul3A_0, %add3A_4 : i32
    "tpu.region"() ({
      %run_scoped3A = tpu.sem_alloc : memref<!tpu.dma_semaphore, #tpu.memory_space<semaphore_mem>>
      %dma_start3A = arith.constant 0 : i32
      %dma_start3A_25 = tpu.memref_slice %arg11[%add3A_5, %dma_start3A] : memref<10240x64xf32, #tpu.memory_space<vmem_shared>> -> memref<128x64xf32, #tpu.memory_space<vmem_shared>>
      %dma_start3A_26 = arith.constant 0 : i32
      %dma_start3A_27 = tpu.memref_slice %arg11[%add3A_5, %dma_start3A_26] : memref<10240x64xf32, #tpu.memory_space<vmem_shared>> -> memref<128x64xf32, #tpu.memory_space<vmem_shared>>
      tpu.enqueue_dma source(%arg10 : memref<128x64xf32, #tpu.memory_space<vmem>>) target(%dma_start3A_27 : memref<128x64xf32, #tpu.memory_space<vmem_shared>>) target_semaphore(%run_scoped3A : memref<!tpu.dma_semaphore, #tpu.memory_space<semaphore_mem>>)
      %dma_wait3A = arith.constant 0 : i32
      %dma_wait3A_28 = tpu.memref_slice %arg11[%add3A_5, %dma_wait3A] : memref<10240x64xf32, #tpu.memory_space<vmem_shared>> -> memref<128x64xf32, #tpu.memory_space<vmem_shared>>
      %dma_wait3A_29 = arith.constant 0 : i32
      %dma_wait3A_30 = tpu.memref_slice %arg11[%add3A_5, %dma_wait3A_29] : memref<10240x64xf32, #tpu.memory_space<vmem_shared>> -> memref<128x64xf32, #tpu.memory_space<vmem_shared>>
      tpu.wait_dma2 semaphore(%run_scoped3A : memref<!tpu.dma_semaphore, #tpu.memory_space<semaphore_mem>>) src(%arg10 : memref<128x64xf32, #tpu.memory_space<vmem>>) dst(%dma_wait3A_30 : memref<128x64xf32, #tpu.memory_space<vmem_shared>>)
      tpu.yield
    }) : () -> ()
    %add3A_6 = arith.constant 384 : i32
    %add3A_7 = arith.addi %mul3A_0, %add3A_6 : i32
    "tpu.region"() ({
      %run_scoped3A = tpu.sem_alloc : memref<!tpu.dma_semaphore, #tpu.memory_space<semaphore_mem>>
      %dma_start3A = arith.constant 0 : i32
      %dma_start3A_25 = tpu.memref_slice %arg11[%add3A_7, %dma_start3A] : memref<10240x64xf32, #tpu.memory_space<vmem_shared>> -> memref<128x64xf32, #tpu.memory_space<vmem_shared>>
      %dma_start3A_26 = arith.constant 0 : i32
      %dma_start3A_27 = tpu.memref_slice %arg11[%add3A_7, %dma_start3A_26] : memref<10240x64xf32, #tpu.memory_space<vmem_shared>> -> memref<128x64xf32, #tpu.memory_space<vmem_shared>>
      tpu.enqueue_dma source(%arg10 : memref<128x64xf32, #tpu.memory_space<vmem>>) target(%dma_start3A_27 : memref<128x64xf32, #tpu.memory_space<vmem_shared>>) target_semaphore(%run_scoped3A : memref<!tpu.dma_semaphore, #tpu.memory_space<semaphore_mem>>)
      %dma_wait3A = arith.constant 0 : i32
      %dma_wait3A_28 = tpu.memref_slice %arg11[%add3A_7, %dma_wait3A] : memref<10240x64xf32, #tpu.memory_space<vmem_shared>> -> memref<128x64xf32, #tpu.memory_space<vmem_shared>>
      %dma_wait3A_29 = arith.constant 0 : i32
      %dma_wait3A_30 = tpu.memref_slice %arg11[%add3A_7, %dma_wait3A_29] : memref<10240x64xf32, #tpu.memory_space<vmem_shared>> -> memref<128x64xf32, #tpu.memory_space<vmem_shared>>
      tpu.wait_dma2 semaphore(%run_scoped3A : memref<!tpu.dma_semaphore, #tpu.memory_space<semaphore_mem>>) src(%arg10 : memref<128x64xf32, #tpu.memory_space<vmem>>) dst(%dma_wait3A_30 : memref<128x64xf32, #tpu.memory_space<vmem_shared>>)
      tpu.yield
    }) : () -> ()
    %add3A_8 = arith.constant 512 : i32
    %add3A_9 = arith.addi %mul3A_0, %add3A_8 : i32
    "tpu.region"() ({
      %run_scoped3A = tpu.sem_alloc : memref<!tpu.dma_semaphore, #tpu.memory_space<semaphore_mem>>
      %dma_start3A = arith.constant 0 : i32
      %dma_start3A_25 = tpu.memref_slice %arg11[%add3A_9, %dma_start3A] : memref<10240x64xf32, #tpu.memory_space<vmem_shared>> -> memref<128x64xf32, #tpu.memory_space<vmem_shared>>
      %dma_start3A_26 = arith.constant 0 : i32
      %dma_start3A_27 = tpu.memref_slice %arg11[%add3A_9, %dma_start3A_26] : memref<10240x64xf32, #tpu.memory_space<vmem_shared>> -> memref<128x64xf32, #tpu.memory_space<vmem_shared>>
      tpu.enqueue_dma source(%arg10 : memref<128x64xf32, #tpu.memory_space<vmem>>) target(%dma_start3A_27 : memref<128x64xf32, #tpu.memory_space<vmem_shared>>) target_semaphore(%run_scoped3A : memref<!tpu.dma_semaphore, #tpu.memory_space<semaphore_mem>>)
      %dma_wait3A = arith.constant 0 : i32
      %dma_wait3A_28 = tpu.memref_slice %arg11[%add3A_9, %dma_wait3A] : memref<10240x64xf32, #tpu.memory_space<vmem_shared>> -> memref<128x64xf32, #tpu.memory_space<vmem_shared>>
      %dma_wait3A_29 = arith.constant 0 : i32
      %dma_wait3A_30 = tpu.memref_slice %arg11[%add3A_9, %dma_wait3A_29] : memref<10240x64xf32, #tpu.memory_space<vmem_shared>> -> memref<128x64xf32, #tpu.memory_space<vmem_shared>>
      tpu.wait_dma2 semaphore(%run_scoped3A : memref<!tpu.dma_semaphore, #tpu.memory_space<semaphore_mem>>) src(%arg10 : memref<128x64xf32, #tpu.memory_space<vmem>>) dst(%dma_wait3A_30 : memref<128x64xf32, #tpu.memory_space<vmem_shared>>)
      tpu.yield
    }) : () -> ()
    %barrier3A = arith.constant 0 : index
    tpu.barrier barrier_id(%barrier3A)
    %scan3A = arith.constant 0 : i32
    %scan3A_10 = arith.constant 40 : i32
    %scan3A_11 = arith.addi %scan3A, %scan3A_10 : i32
    %scan3A_12 = arith.constant 1 : i32
    scf.for %scan3A_25 = %scan3A to %scan3A_11 step %scan3A_12  : i32 {
      %mul3A_26 = arith.constant 4 : i32
      %mul3A_27 = arith.muli %scan3A_25, %mul3A_26 : i32
      %add3A_28 = arith.constant 0 : i32
      %add3A_29 = arith.addi %add3A_28, %mul3A_27 : i32
      %add3A_30 = arith.constant 0 : i32
      %add3A_31 = arith.addi %add3A_29, %add3A_30 : i32
      %dma_start3A = arith.constant 0 : i32
      %dma_start3A_32 = arith.constant 0 : i32
      %dma_start3A_33 = arith.constant 0 : i32
      %dma_start3A_34 = tpu.memref_slice %arg9[%dma_start3A, %dma_start3A_32, %dma_start3A_33] : memref<4x128x64xf32, #tpu.memory_space<vmem>> -> memref<1x128x64xf32, #tpu.memory_space<vmem>>
      %dma_start3A_35 = tpu.memref_squeeze %dma_start3A_34 : memref<1x128x64xf32, #tpu.memory_space<vmem>> -> memref<128x64xf32, #tpu.memory_space<vmem>>
      %dma_start3A_36 = arith.constant 0 : i32
      %dma_start3A_37 = tpu.memref_slice %arg7[%add3A_31, %dma_start3A_36] : memref<160x128xi32, #tpu.memory_space<vmem>> -> memref<1x128xi32, #tpu.memory_space<vmem>>
      %dma_start3A_38 = tpu.memref_squeeze %dma_start3A_37 : memref<1x128xi32, #tpu.memory_space<vmem>> -> memref<128xi32, #tpu.memory_space<vmem>>
      %dma_start3A_39 = arith.constant 0 : i32
      %dma_start3A_40 = arith.constant 0 : i32
      %dma_start3A_41 = tpu.memref_slice %arg2[%dma_start3A_39, %dma_start3A_40] : memref<20480x64xf32, #tpu.memory_space<hbm>> -> memref<20480x64xf32, #tpu.memory_space<hbm>>
      tpu.enqueue_indirect_dma source(%dma_start3A_41 : memref<20480x64xf32, #tpu.memory_space<hbm>>) target(%dma_start3A_35 : memref<128x64xf32, #tpu.memory_space<vmem>>) offsets(%dma_start3A_38 : memref<128xi32, #tpu.memory_space<vmem>>) semaphore(%arg12 : memref<!tpu.dma_semaphore, #tpu.memory_space<semaphore_mem>>)
      %add3A_42 = arith.constant 1 : i32
      %add3A_43 = arith.addi %add3A_29, %add3A_42 : i32
      %dma_start3A_44 = arith.constant 1 : i32
      %dma_start3A_45 = arith.constant 0 : i32
      %dma_start3A_46 = arith.constant 0 : i32
      %dma_start3A_47 = tpu.memref_slice %arg9[%dma_start3A_44, %dma_start3A_45, %dma_start3A_46] : memref<4x128x64xf32, #tpu.memory_space<vmem>> -> memref<1x128x64xf32, #tpu.memory_space<vmem>>
      %dma_start3A_48 = tpu.memref_squeeze %dma_start3A_47 : memref<1x128x64xf32, #tpu.memory_space<vmem>> -> memref<128x64xf32, #tpu.memory_space<vmem>>
      %dma_start3A_49 = arith.constant 0 : i32
      %dma_start3A_50 = tpu.memref_slice %arg7[%add3A_43, %dma_start3A_49] : memref<160x128xi32, #tpu.memory_space<vmem>> -> memref<1x128xi32, #tpu.memory_space<vmem>>
      %dma_start3A_51 = tpu.memref_squeeze %dma_start3A_50 : memref<1x128xi32, #tpu.memory_space<vmem>> -> memref<128xi32, #tpu.memory_space<vmem>>
      %dma_start3A_52 = arith.constant 0 : i32
      %dma_start3A_53 = arith.constant 0 : i32
      %dma_start3A_54 = tpu.memref_slice %arg2[%dma_start3A_52, %dma_start3A_53] : memref<20480x64xf32, #tpu.memory_space<hbm>> -> memref<20480x64xf32, #tpu.memory_space<hbm>>
      tpu.enqueue_indirect_dma source(%dma_start3A_54 : memref<20480x64xf32, #tpu.memory_space<hbm>>) target(%dma_start3A_48 : memref<128x64xf32, #tpu.memory_space<vmem>>) offsets(%dma_start3A_51 : memref<128xi32, #tpu.memory_space<vmem>>) semaphore(%arg12 : memref<!tpu.dma_semaphore, #tpu.memory_space<semaphore_mem>>)
      %add3A_55 = arith.constant 2 : i32
      %add3A_56 = arith.addi %add3A_29, %add3A_55 : i32
      %dma_start3A_57 = arith.constant 2 : i32
      %dma_start3A_58 = arith.constant 0 : i32
      %dma_start3A_59 = arith.constant 0 : i32
      %dma_start3A_60 = tpu.memref_slice %arg9[%dma_start3A_57, %dma_start3A_58, %dma_start3A_59] : memref<4x128x64xf32, #tpu.memory_space<vmem>> -> memref<1x128x64xf32, #tpu.memory_space<vmem>>
      %dma_start3A_61 = tpu.memref_squeeze %dma_start3A_60 : memref<1x128x64xf32, #tpu.memory_space<vmem>> -> memref<128x64xf32, #tpu.memory_space<vmem>>
      %dma_start3A_62 = arith.constant 0 : i32
      %dma_start3A_63 = tpu.memref_slice %arg7[%add3A_56, %dma_start3A_62] : memref<160x128xi32, #tpu.memory_space<vmem>> -> memref<1x128xi32, #tpu.memory_space<vmem>>
      %dma_start3A_64 = tpu.memref_squeeze %dma_start3A_63 : memref<1x128xi32, #tpu.memory_space<vmem>> -> memref<128xi32, #tpu.memory_space<vmem>>
      %dma_start3A_65 = arith.constant 0 : i32
      %dma_start3A_66 = arith.constant 0 : i32
      %dma_start3A_67 = tpu.memref_slice %arg2[%dma_start3A_65, %dma_start3A_66] : memref<20480x64xf32, #tpu.memory_space<hbm>> -> memref<20480x64xf32, #tpu.memory_space<hbm>>
      tpu.enqueue_indirect_dma source(%dma_start3A_67 : memref<20480x64xf32, #tpu.memory_space<hbm>>) target(%dma_start3A_61 : memref<128x64xf32, #tpu.memory_space<vmem>>) offsets(%dma_start3A_64 : memref<128xi32, #tpu.memory_space<vmem>>) semaphore(%arg12 : memref<!tpu.dma_semaphore, #tpu.memory_space<semaphore_mem>>)
      %add3A_68 = arith.constant 3 : i32
      %add3A_69 = arith.addi %add3A_29, %add3A_68 : i32
      %dma_start3A_70 = arith.constant 3 : i32
      %dma_start3A_71 = arith.constant 0 : i32
      %dma_start3A_72 = arith.constant 0 : i32
      %dma_start3A_73 = tpu.memref_slice %arg9[%dma_start3A_70, %dma_start3A_71, %dma_start3A_72] : memref<4x128x64xf32, #tpu.memory_space<vmem>> -> memref<1x128x64xf32, #tpu.memory_space<vmem>>
      %dma_start3A_74 = tpu.memref_squeeze %dma_start3A_73 : memref<1x128x64xf32, #tpu.memory_space<vmem>> -> memref<128x64xf32, #tpu.memory_space<vmem>>
      %dma_start3A_75 = arith.constant 0 : i32
      %dma_start3A_76 = tpu.memref_slice %arg7[%add3A_69, %dma_start3A_75] : memref<160x128xi32, #tpu.memory_space<vmem>> -> memref<1x128xi32, #tpu.memory_space<vmem>>
      %dma_start3A_77 = tpu.memref_squeeze %dma_start3A_76 : memref<1x128xi32, #tpu.memory_space<vmem>> -> memref<128xi32, #tpu.memory_space<vmem>>
      %dma_start3A_78 = arith.constant 0 : i32
      %dma_start3A_79 = arith.constant 0 : i32
      %dma_start3A_80 = tpu.memref_slice %arg2[%dma_start3A_78, %dma_start3A_79] : memref<20480x64xf32, #tpu.memory_space<hbm>> -> memref<20480x64xf32, #tpu.memory_space<hbm>>
      tpu.enqueue_indirect_dma source(%dma_start3A_80 : memref<20480x64xf32, #tpu.memory_space<hbm>>) target(%dma_start3A_74 : memref<128x64xf32, #tpu.memory_space<vmem>>) offsets(%dma_start3A_77 : memref<128xi32, #tpu.memory_space<vmem>>) semaphore(%arg12 : memref<!tpu.dma_semaphore, #tpu.memory_space<semaphore_mem>>)
      %add3A_81 = arith.constant 0 : i32
      %add3A_82 = arith.addi %add3A_29, %add3A_81 : i32
      %dma_wait3A = arith.constant 0 : i32
      %dma_wait3A_83 = arith.constant 0 : i32
      %dma_wait3A_84 = arith.constant 0 : i32
      %dma_wait3A_85 = tpu.memref_slice %arg9[%dma_wait3A, %dma_wait3A_83, %dma_wait3A_84] : memref<4x128x64xf32, #tpu.memory_space<vmem>> -> memref<1x128x64xf32, #tpu.memory_space<vmem>>
      %dma_wait3A_86 = tpu.memref_squeeze %dma_wait3A_85 : memref<1x128x64xf32, #tpu.memory_space<vmem>> -> memref<128x64xf32, #tpu.memory_space<vmem>>
      %dma_wait3A_87 = arith.constant 0 : i32
      %dma_wait3A_88 = tpu.memref_slice %arg7[%add3A_82, %dma_wait3A_87] : memref<160x128xi32, #tpu.memory_space<vmem>> -> memref<1x128xi32, #tpu.memory_space<vmem>>
      %dma_wait3A_89 = tpu.memref_squeeze %dma_wait3A_88 : memref<1x128xi32, #tpu.memory_space<vmem>> -> memref<128xi32, #tpu.memory_space<vmem>>
      %dma_wait3A_90 = arith.constant 0 : i32
      %dma_wait3A_91 = arith.constant 0 : i32
      %dma_wait3A_92 = tpu.memref_slice %arg2[%dma_wait3A_90, %dma_wait3A_91] : memref<20480x64xf32, #tpu.memory_space<hbm>> -> memref<20480x64xf32, #tpu.memory_space<hbm>>
      tpu.wait_indirect_dma semaphore(%arg12 : memref<!tpu.dma_semaphore, #tpu.memory_space<semaphore_mem>>) src(%dma_wait3A_92 : memref<20480x64xf32, #tpu.memory_space<hbm>>) dst(%dma_wait3A_86 : memref<128x64xf32, #tpu.memory_space<vmem>>)
      %add3A_93 = arith.constant 0 : i32
      %add3A_94 = arith.addi %add3A_29, %add3A_93 : i32
      %dma_start3A_95 = arith.constant 0 : i32
      %dma_start3A_96 = arith.constant 0 : i32
      %dma_start3A_97 = arith.constant 0 : i32
      %dma_start3A_98 = tpu.memref_slice %arg9[%dma_start3A_95, %dma_start3A_96, %dma_start3A_97] : memref<4x128x64xf32, #tpu.memory_space<vmem>> -> memref<1x128x64xf32, #tpu.memory_space<vmem>>
      %dma_start3A_99 = tpu.memref_squeeze %dma_start3A_98 : memref<1x128x64xf32, #tpu.memory_space<vmem>> -> memref<128x64xf32, #tpu.memory_space<vmem>>
      %dma_start3A_100 = arith.constant 0 : i32
      %dma_start3A_101 = tpu.memref_slice %arg8[%add3A_94, %dma_start3A_100] : memref<160x128xi32, #tpu.memory_space<vmem>> -> memref<1x128xi32, #tpu.memory_space<vmem>>
      %dma_start3A_102 = tpu.memref_squeeze %dma_start3A_101 : memref<1x128xi32, #tpu.memory_space<vmem>> -> memref<128xi32, #tpu.memory_space<vmem>>
      %dma_start3A_103 = arith.constant 0 : i32
      %dma_start3A_104 = arith.constant 0 : i32
      %dma_start3A_105 = tpu.memref_slice %arg11[%dma_start3A_103, %dma_start3A_104] : memref<10240x64xf32, #tpu.memory_space<vmem_shared>> -> memref<10240x64xf32, #tpu.memory_space<vmem_shared>>
      tpu.enqueue_indirect_dma source(%dma_start3A_99 : memref<128x64xf32, #tpu.memory_space<vmem>>) target(%dma_start3A_105 : memref<10240x64xf32, #tpu.memory_space<vmem_shared>>) offsets(%dma_start3A_102 : memref<128xi32, #tpu.memory_space<vmem>>) semaphore(%arg13 : memref<!tpu.dma_semaphore, #tpu.memory_space<semaphore_mem>>) {add = true}
      %add3A_106 = arith.constant 1 : i32
      %add3A_107 = arith.addi %add3A_29, %add3A_106 : i32
      %dma_wait3A_108 = arith.constant 1 : i32
      %dma_wait3A_109 = arith.constant 0 : i32
      %dma_wait3A_110 = arith.constant 0 : i32
      %dma_wait3A_111 = tpu.memref_slice %arg9[%dma_wait3A_108, %dma_wait3A_109, %dma_wait3A_110] : memref<4x128x64xf32, #tpu.memory_space<vmem>> -> memref<1x128x64xf32, #tpu.memory_space<vmem>>
      %dma_wait3A_112 = tpu.memref_squeeze %dma_wait3A_111 : memref<1x128x64xf32, #tpu.memory_space<vmem>> -> memref<128x64xf32, #tpu.memory_space<vmem>>
      %dma_wait3A_113 = arith.constant 0 : i32
      %dma_wait3A_114 = tpu.memref_slice %arg7[%add3A_107, %dma_wait3A_113] : memref<160x128xi32, #tpu.memory_space<vmem>> -> memref<1x128xi32, #tpu.memory_space<vmem>>
      %dma_wait3A_115 = tpu.memref_squeeze %dma_wait3A_114 : memref<1x128xi32, #tpu.memory_space<vmem>> -> memref<128xi32, #tpu.memory_space<vmem>>
      %dma_wait3A_116 = arith.constant 0 : i32
      %dma_wait3A_117 = arith.constant 0 : i32
      %dma_wait3A_118 = tpu.memref_slice %arg2[%dma_wait3A_116, %dma_wait3A_117] : memref<20480x64xf32, #tpu.memory_space<hbm>> -> memref<20480x64xf32, #tpu.memory_space<hbm>>
      tpu.wait_indirect_dma semaphore(%arg12 : memref<!tpu.dma_semaphore, #tpu.memory_space<semaphore_mem>>) src(%dma_wait3A_118 : memref<20480x64xf32, #tpu.memory_space<hbm>>) dst(%dma_wait3A_112 : memref<128x64xf32, #tpu.memory_space<vmem>>)
      %add3A_119 = arith.constant 1 : i32
      %add3A_120 = arith.addi %add3A_29, %add3A_119 : i32
      %dma_start3A_121 = arith.constant 1 : i32
      %dma_start3A_122 = arith.constant 0 : i32
      %dma_start3A_123 = arith.constant 0 : i32
      %dma_start3A_124 = tpu.memref_slice %arg9[%dma_start3A_121, %dma_start3A_122, %dma_start3A_123] : memref<4x128x64xf32, #tpu.memory_space<vmem>> -> memref<1x128x64xf32, #tpu.memory_space<vmem>>
      %dma_start3A_125 = tpu.memref_squeeze %dma_start3A_124 : memref<1x128x64xf32, #tpu.memory_space<vmem>> -> memref<128x64xf32, #tpu.memory_space<vmem>>
      %dma_start3A_126 = arith.constant 0 : i32
      %dma_start3A_127 = tpu.memref_slice %arg8[%add3A_120, %dma_start3A_126] : memref<160x128xi32, #tpu.memory_space<vmem>> -> memref<1x128xi32, #tpu.memory_space<vmem>>
      %dma_start3A_128 = tpu.memref_squeeze %dma_start3A_127 : memref<1x128xi32, #tpu.memory_space<vmem>> -> memref<128xi32, #tpu.memory_space<vmem>>
      %dma_start3A_129 = arith.constant 0 : i32
      %dma_start3A_130 = arith.constant 0 : i32
      %dma_start3A_131 = tpu.memref_slice %arg11[%dma_start3A_129, %dma_start3A_130] : memref<10240x64xf32, #tpu.memory_space<vmem_shared>> -> memref<10240x64xf32, #tpu.memory_space<vmem_shared>>
      tpu.enqueue_indirect_dma source(%dma_start3A_125 : memref<128x64xf32, #tpu.memory_space<vmem>>) target(%dma_start3A_131 : memref<10240x64xf32, #tpu.memory_space<vmem_shared>>) offsets(%dma_start3A_128 : memref<128xi32, #tpu.memory_space<vmem>>) semaphore(%arg13 : memref<!tpu.dma_semaphore, #tpu.memory_space<semaphore_mem>>) {add = true}
      %add3A_132 = arith.constant 2 : i32
      %add3A_133 = arith.addi %add3A_29, %add3A_132 : i32
      %dma_wait3A_134 = arith.constant 2 : i32
      %dma_wait3A_135 = arith.constant 0 : i32
      %dma_wait3A_136 = arith.constant 0 : i32
      %dma_wait3A_137 = tpu.memref_slice %arg9[%dma_wait3A_134, %dma_wait3A_135, %dma_wait3A_136] : memref<4x128x64xf32, #tpu.memory_space<vmem>> -> memref<1x128x64xf32, #tpu.memory_space<vmem>>
      %dma_wait3A_138 = tpu.memref_squeeze %dma_wait3A_137 : memref<1x128x64xf32, #tpu.memory_space<vmem>> -> memref<128x64xf32, #tpu.memory_space<vmem>>
      %dma_wait3A_139 = arith.constant 0 : i32
      %dma_wait3A_140 = tpu.memref_slice %arg7[%add3A_133, %dma_wait3A_139] : memref<160x128xi32, #tpu.memory_space<vmem>> -> memref<1x128xi32, #tpu.memory_space<vmem>>
      %dma_wait3A_141 = tpu.memref_squeeze %dma_wait3A_140 : memref<1x128xi32, #tpu.memory_space<vmem>> -> memref<128xi32, #tpu.memory_space<vmem>>
      %dma_wait3A_142 = arith.constant 0 : i32
      %dma_wait3A_143 = arith.constant 0 : i32
      %dma_wait3A_144 = tpu.memref_slice %arg2[%dma_wait3A_142, %dma_wait3A_143] : memref<20480x64xf32, #tpu.memory_space<hbm>> -> memref<20480x64xf32, #tpu.memory_space<hbm>>
      tpu.wait_indirect_dma semaphore(%arg12 : memref<!tpu.dma_semaphore, #tpu.memory_space<semaphore_mem>>) src(%dma_wait3A_144 : memref<20480x64xf32, #tpu.memory_space<hbm>>) dst(%dma_wait3A_138 : memref<128x64xf32, #tpu.memory_space<vmem>>)
      %add3A_145 = arith.constant 2 : i32
      %add3A_146 = arith.addi %add3A_29, %add3A_145 : i32
      %dma_start3A_147 = arith.constant 2 : i32
      %dma_start3A_148 = arith.constant 0 : i32
      %dma_start3A_149 = arith.constant 0 : i32
      %dma_start3A_150 = tpu.memref_slice %arg9[%dma_start3A_147, %dma_start3A_148, %dma_start3A_149] : memref<4x128x64xf32, #tpu.memory_space<vmem>> -> memref<1x128x64xf32, #tpu.memory_space<vmem>>
      %dma_start3A_151 = tpu.memref_squeeze %dma_start3A_150 : memref<1x128x64xf32, #tpu.memory_space<vmem>> -> memref<128x64xf32, #tpu.memory_space<vmem>>
      %dma_start3A_152 = arith.constant 0 : i32
      %dma_start3A_153 = tpu.memref_slice %arg8[%add3A_146, %dma_start3A_152] : memref<160x128xi32, #tpu.memory_space<vmem>> -> memref<1x128xi32, #tpu.memory_space<vmem>>
      %dma_start3A_154 = tpu.memref_squeeze %dma_start3A_153 : memref<1x128xi32, #tpu.memory_space<vmem>> -> memref<128xi32, #tpu.memory_space<vmem>>
      %dma_start3A_155 = arith.constant 0 : i32
      %dma_start3A_156 = arith.constant 0 : i32
      %dma_start3A_157 = tpu.memref_slice %arg11[%dma_start3A_155, %dma_start3A_156] : memref<10240x64xf32, #tpu.memory_space<vmem_shared>> -> memref<10240x64xf32, #tpu.memory_space<vmem_shared>>
      tpu.enqueue_indirect_dma source(%dma_start3A_151 : memref<128x64xf32, #tpu.memory_space<vmem>>) target(%dma_start3A_157 : memref<10240x64xf32, #tpu.memory_space<vmem_shared>>) offsets(%dma_start3A_154 : memref<128xi32, #tpu.memory_space<vmem>>) semaphore(%arg13 : memref<!tpu.dma_semaphore, #tpu.memory_space<semaphore_mem>>) {add = true}
      %add3A_158 = arith.constant 3 : i32
      %add3A_159 = arith.addi %add3A_29, %add3A_158 : i32
      %dma_wait3A_160 = arith.constant 3 : i32
      %dma_wait3A_161 = arith.constant 0 : i32
      %dma_wait3A_162 = arith.constant 0 : i32
      %dma_wait3A_163 = tpu.memref_slice %arg9[%dma_wait3A_160, %dma_wait3A_161, %dma_wait3A_162] : memref<4x128x64xf32, #tpu.memory_space<vmem>> -> memref<1x128x64xf32, #tpu.memory_space<vmem>>
      %dma_wait3A_164 = tpu.memref_squeeze %dma_wait3A_163 : memref<1x128x64xf32, #tpu.memory_space<vmem>> -> memref<128x64xf32, #tpu.memory_space<vmem>>
      %dma_wait3A_165 = arith.constant 0 : i32
      %dma_wait3A_166 = tpu.memref_slice %arg7[%add3A_159, %dma_wait3A_165] : memref<160x128xi32, #tpu.memory_space<vmem>> -> memref<1x128xi32, #tpu.memory_space<vmem>>
      %dma_wait3A_167 = tpu.memref_squeeze %dma_wait3A_166 : memref<1x128xi32, #tpu.memory_space<vmem>> -> memref<128xi32, #tpu.memory_space<vmem>>
      %dma_wait3A_168 = arith.constant 0 : i32
      %dma_wait3A_169 = arith.constant 0 : i32
      %dma_wait3A_170 = tpu.memref_slice %arg2[%dma_wait3A_168, %dma_wait3A_169] : memref<20480x64xf32, #tpu.memory_space<hbm>> -> memref<20480x64xf32, #tpu.memory_space<hbm>>
      tpu.wait_indirect_dma semaphore(%arg12 : memref<!tpu.dma_semaphore, #tpu.memory_space<semaphore_mem>>) src(%dma_wait3A_170 : memref<20480x64xf32, #tpu.memory_space<hbm>>) dst(%dma_wait3A_164 : memref<128x64xf32, #tpu.memory_space<vmem>>)
      %add3A_171 = arith.constant 3 : i32
      %add3A_172 = arith.addi %add3A_29, %add3A_171 : i32
      %dma_start3A_173 = arith.constant 3 : i32
      %dma_start3A_174 = arith.constant 0 : i32
      %dma_start3A_175 = arith.constant 0 : i32
      %dma_start3A_176 = tpu.memref_slice %arg9[%dma_start3A_173, %dma_start3A_174, %dma_start3A_175] : memref<4x128x64xf32, #tpu.memory_space<vmem>> -> memref<1x128x64xf32, #tpu.memory_space<vmem>>
      %dma_start3A_177 = tpu.memref_squeeze %dma_start3A_176 : memref<1x128x64xf32, #tpu.memory_space<vmem>> -> memref<128x64xf32, #tpu.memory_space<vmem>>
      %dma_start3A_178 = arith.constant 0 : i32
      %dma_start3A_179 = tpu.memref_slice %arg8[%add3A_172, %dma_start3A_178] : memref<160x128xi32, #tpu.memory_space<vmem>> -> memref<1x128xi32, #tpu.memory_space<vmem>>
      %dma_start3A_180 = tpu.memref_squeeze %dma_start3A_179 : memref<1x128xi32, #tpu.memory_space<vmem>> -> memref<128xi32, #tpu.memory_space<vmem>>
      %dma_start3A_181 = arith.constant 0 : i32
      %dma_start3A_182 = arith.constant 0 : i32
      %dma_start3A_183 = tpu.memref_slice %arg11[%dma_start3A_181, %dma_start3A_182] : memref<10240x64xf32, #tpu.memory_space<vmem_shared>> -> memref<10240x64xf32, #tpu.memory_space<vmem_shared>>
      tpu.enqueue_indirect_dma source(%dma_start3A_177 : memref<128x64xf32, #tpu.memory_space<vmem>>) target(%dma_start3A_183 : memref<10240x64xf32, #tpu.memory_space<vmem_shared>>) offsets(%dma_start3A_180 : memref<128xi32, #tpu.memory_space<vmem>>) semaphore(%arg13 : memref<!tpu.dma_semaphore, #tpu.memory_space<semaphore_mem>>) {add = true}
      %dma_wait3A_184 = arith.constant 0 : i32
      %dma_wait3A_185 = arith.constant 0 : i32
      %dma_wait3A_186 = arith.constant 0 : i32
      %dma_wait3A_187 = tpu.memref_slice %arg9[%dma_wait3A_184, %dma_wait3A_185, %dma_wait3A_186] : memref<4x128x64xf32, #tpu.memory_space<vmem>> -> memref<1x128x64xf32, #tpu.memory_space<vmem>>
      %dma_wait3A_188 = tpu.memref_squeeze %dma_wait3A_187 : memref<1x128x64xf32, #tpu.memory_space<vmem>> -> memref<128x64xf32, #tpu.memory_space<vmem>>
      %dma_wait3A_189 = arith.constant 0 : i32
      %dma_wait3A_190 = tpu.memref_slice %arg8[%add3A_94, %dma_wait3A_189] : memref<160x128xi32, #tpu.memory_space<vmem>> -> memref<1x128xi32, #tpu.memory_space<vmem>>
      %dma_wait3A_191 = tpu.memref_squeeze %dma_wait3A_190 : memref<1x128xi32, #tpu.memory_space<vmem>> -> memref<128xi32, #tpu.memory_space<vmem>>
      %dma_wait3A_192 = arith.constant 0 : i32
      %dma_wait3A_193 = arith.constant 0 : i32
      %dma_wait3A_194 = tpu.memref_slice %arg11[%dma_wait3A_192, %dma_wait3A_193] : memref<10240x64xf32, #tpu.memory_space<vmem_shared>> -> memref<10240x64xf32, #tpu.memory_space<vmem_shared>>
      tpu.wait_indirect_dma semaphore(%arg13 : memref<!tpu.dma_semaphore, #tpu.memory_space<semaphore_mem>>) src(%dma_wait3A_188 : memref<128x64xf32, #tpu.memory_space<vmem>>) dst(%dma_wait3A_194 : memref<10240x64xf32, #tpu.memory_space<vmem_shared>>)
      %dma_wait3A_195 = arith.constant 1 : i32
      %dma_wait3A_196 = arith.constant 0 : i32
      %dma_wait3A_197 = arith.constant 0 : i32
      %dma_wait3A_198 = tpu.memref_slice %arg9[%dma_wait3A_195, %dma_wait3A_196, %dma_wait3A_197] : memref<4x128x64xf32, #tpu.memory_space<vmem>> -> memref<1x128x64xf32, #tpu.memory_space<vmem>>
      %dma_wait3A_199 = tpu.memref_squeeze %dma_wait3A_198 : memref<1x128x64xf32, #tpu.memory_space<vmem>> -> memref<128x64xf32, #tpu.memory_space<vmem>>
      %dma_wait3A_200 = arith.constant 0 : i32
      %dma_wait3A_201 = tpu.memref_slice %arg8[%add3A_120, %dma_wait3A_200] : memref<160x128xi32, #tpu.memory_space<vmem>> -> memref<1x128xi32, #tpu.memory_space<vmem>>
      %dma_wait3A_202 = tpu.memref_squeeze %dma_wait3A_201 : memref<1x128xi32, #tpu.memory_space<vmem>> -> memref<128xi32, #tpu.memory_space<vmem>>
      %dma_wait3A_203 = arith.constant 0 : i32
      %dma_wait3A_204 = arith.constant 0 : i32
      %dma_wait3A_205 = tpu.memref_slice %arg11[%dma_wait3A_203, %dma_wait3A_204] : memref<10240x64xf32, #tpu.memory_space<vmem_shared>> -> memref<10240x64xf32, #tpu.memory_space<vmem_shared>>
      tpu.wait_indirect_dma semaphore(%arg13 : memref<!tpu.dma_semaphore, #tpu.memory_space<semaphore_mem>>) src(%dma_wait3A_199 : memref<128x64xf32, #tpu.memory_space<vmem>>) dst(%dma_wait3A_205 : memref<10240x64xf32, #tpu.memory_space<vmem_shared>>)
      %dma_wait3A_206 = arith.constant 2 : i32
      %dma_wait3A_207 = arith.constant 0 : i32
      %dma_wait3A_208 = arith.constant 0 : i32
      %dma_wait3A_209 = tpu.memref_slice %arg9[%dma_wait3A_206, %dma_wait3A_207, %dma_wait3A_208] : memref<4x128x64xf32, #tpu.memory_space<vmem>> -> memref<1x128x64xf32, #tpu.memory_space<vmem>>
      %dma_wait3A_210 = tpu.memref_squeeze %dma_wait3A_209 : memref<1x128x64xf32, #tpu.memory_space<vmem>> -> memref<128x64xf32, #tpu.memory_space<vmem>>
      %dma_wait3A_211 = arith.constant 0 : i32
      %dma_wait3A_212 = tpu.memref_slice %arg8[%add3A_146, %dma_wait3A_211] : memref<160x128xi32, #tpu.memory_space<vmem>> -> memref<1x128xi32, #tpu.memory_space<vmem>>
      %dma_wait3A_213 = tpu.memref_squeeze %dma_wait3A_212 : memref<1x128xi32, #tpu.memory_space<vmem>> -> memref<128xi32, #tpu.memory_space<vmem>>
      %dma_wait3A_214 = arith.constant 0 : i32
      %dma_wait3A_215 = arith.constant 0 : i32
      %dma_wait3A_216 = tpu.memref_slice %arg11[%dma_wait3A_214, %dma_wait3A_215] : memref<10240x64xf32, #tpu.memory_space<vmem_shared>> -> memref<10240x64xf32, #tpu.memory_space<vmem_shared>>
      tpu.wait_indirect_dma semaphore(%arg13 : memref<!tpu.dma_semaphore, #tpu.memory_space<semaphore_mem>>) src(%dma_wait3A_210 : memref<128x64xf32, #tpu.memory_space<vmem>>) dst(%dma_wait3A_216 : memref<10240x64xf32, #tpu.memory_space<vmem_shared>>)
      %dma_wait3A_217 = arith.constant 3 : i32
      %dma_wait3A_218 = arith.constant 0 : i32
      %dma_wait3A_219 = arith.constant 0 : i32
      %dma_wait3A_220 = tpu.memref_slice %arg9[%dma_wait3A_217, %dma_wait3A_218, %dma_wait3A_219] : memref<4x128x64xf32, #tpu.memory_space<vmem>> -> memref<1x128x64xf32, #tpu.memory_space<vmem>>
      %dma_wait3A_221 = tpu.memref_squeeze %dma_wait3A_220 : memref<1x128x64xf32, #tpu.memory_space<vmem>> -> memref<128x64xf32, #tpu.memory_space<vmem>>
      %dma_wait3A_222 = arith.constant 0 : i32
      %dma_wait3A_223 = tpu.memref_slice %arg8[%add3A_172, %dma_wait3A_222] : memref<160x128xi32, #tpu.memory_space<vmem>> -> memref<1x128xi32, #tpu.memory_space<vmem>>
      %dma_wait3A_224 = tpu.memref_squeeze %dma_wait3A_223 : memref<1x128xi32, #tpu.memory_space<vmem>> -> memref<128xi32, #tpu.memory_space<vmem>>
      %dma_wait3A_225 = arith.constant 0 : i32
      %dma_wait3A_226 = arith.constant 0 : i32
      %dma_wait3A_227 = tpu.memref_slice %arg11[%dma_wait3A_225, %dma_wait3A_226] : memref<10240x64xf32, #tpu.memory_space<vmem_shared>> -> memref<10240x64xf32, #tpu.memory_space<vmem_shared>>
      tpu.wait_indirect_dma semaphore(%arg13 : memref<!tpu.dma_semaphore, #tpu.memory_space<semaphore_mem>>) src(%dma_wait3A_221 : memref<128x64xf32, #tpu.memory_space<vmem>>) dst(%dma_wait3A_227 : memref<10240x64xf32, #tpu.memory_space<vmem_shared>>)
    }
    %scan3A_13 = arith.constant 40 : i32
    %barrier3A_14 = arith.constant 0 : index
    tpu.barrier barrier_id(%barrier3A_14)
    %add3A_15 = arith.constant 0 : i32
    %add3A_16 = arith.addi %mul3A_0, %add3A_15 : i32
    "tpu.region"() ({
      %run_scoped3A = tpu.sem_alloc : memref<!tpu.dma_semaphore, #tpu.memory_space<semaphore_mem>>
      %dma_start3A = arith.constant 0 : i32
      %dma_start3A_25 = tpu.memref_slice %arg6[%arg0, %add3A_16, %dma_start3A] : memref<2x10240x64xf32, #tpu.memory_space<hbm>> -> memref<1x128x64xf32, #tpu.memory_space<hbm>>
      %dma_start3A_26 = tpu.memref_squeeze %dma_start3A_25 : memref<1x128x64xf32, #tpu.memory_space<hbm>> -> memref<128x64xf32, #tpu.memory_space<hbm>>
      %dma_start3A_27 = arith.constant 0 : i32
      %dma_start3A_28 = tpu.memref_slice %arg11[%add3A_16, %dma_start3A_27] : memref<10240x64xf32, #tpu.memory_space<vmem_shared>> -> memref<128x64xf32, #tpu.memory_space<vmem_shared>>
      tpu.enqueue_dma source(%dma_start3A_28 : memref<128x64xf32, #tpu.memory_space<vmem_shared>>) target(%dma_start3A_26 : memref<128x64xf32, #tpu.memory_space<hbm>>) target_semaphore(%run_scoped3A : memref<!tpu.dma_semaphore, #tpu.memory_space<semaphore_mem>>)
      %dma_wait3A = arith.constant 0 : i32
      %dma_wait3A_29 = tpu.memref_slice %arg6[%arg0, %add3A_16, %dma_wait3A] : memref<2x10240x64xf32, #tpu.memory_space<hbm>> -> memref<1x128x64xf32, #tpu.memory_space<hbm>>
      %dma_wait3A_30 = tpu.memref_squeeze %dma_wait3A_29 : memref<1x128x64xf32, #tpu.memory_space<hbm>> -> memref<128x64xf32, #tpu.memory_space<hbm>>
      %dma_wait3A_31 = arith.constant 0 : i32
      %dma_wait3A_32 = tpu.memref_slice %arg11[%add3A_16, %dma_wait3A_31] : memref<10240x64xf32, #tpu.memory_space<vmem_shared>> -> memref<128x64xf32, #tpu.memory_space<vmem_shared>>
      tpu.wait_dma2 semaphore(%run_scoped3A : memref<!tpu.dma_semaphore, #tpu.memory_space<semaphore_mem>>) src(%dma_wait3A_32 : memref<128x64xf32, #tpu.memory_space<vmem_shared>>) dst(%dma_wait3A_30 : memref<128x64xf32, #tpu.memory_space<hbm>>)
      tpu.yield
    }) : () -> ()
    %add3A_17 = arith.constant 128 : i32
    %add3A_18 = arith.addi %mul3A_0, %add3A_17 : i32
    "tpu.region"() ({
      %run_scoped3A = tpu.sem_alloc : memref<!tpu.dma_semaphore, #tpu.memory_space<semaphore_mem>>
      %dma_start3A = arith.constant 0 : i32
      %dma_start3A_25 = tpu.memref_slice %arg6[%arg0, %add3A_18, %dma_start3A] : memref<2x10240x64xf32, #tpu.memory_space<hbm>> -> memref<1x128x64xf32, #tpu.memory_space<hbm>>
      %dma_start3A_26 = tpu.memref_squeeze %dma_start3A_25 : memref<1x128x64xf32, #tpu.memory_space<hbm>> -> memref<128x64xf32, #tpu.memory_space<hbm>>
      %dma_start3A_27 = arith.constant 0 : i32
      %dma_start3A_28 = tpu.memref_slice %arg11[%add3A_18, %dma_start3A_27] : memref<10240x64xf32, #tpu.memory_space<vmem_shared>> -> memref<128x64xf32, #tpu.memory_space<vmem_shared>>
      tpu.enqueue_dma source(%dma_start3A_28 : memref<128x64xf32, #tpu.memory_space<vmem_shared>>) target(%dma_start3A_26 : memref<128x64xf32, #tpu.memory_space<hbm>>) target_semaphore(%run_scoped3A : memref<!tpu.dma_semaphore, #tpu.memory_space<semaphore_mem>>)
      %dma_wait3A = arith.constant 0 : i32
      %dma_wait3A_29 = tpu.memref_slice %arg6[%arg0, %add3A_18, %dma_wait3A] : memref<2x10240x64xf32, #tpu.memory_space<hbm>> -> memref<1x128x64xf32, #tpu.memory_space<hbm>>
      %dma_wait3A_30 = tpu.memref_squeeze %dma_wait3A_29 : memref<1x128x64xf32, #tpu.memory_space<hbm>> -> memref<128x64xf32, #tpu.memory_space<hbm>>
      %dma_wait3A_31 = arith.constant 0 : i32
      %dma_wait3A_32 = tpu.memref_slice %arg11[%add3A_18, %dma_wait3A_31] : memref<10240x64xf32, #tpu.memory_space<vmem_shared>> -> memref<128x64xf32, #tpu.memory_space<vmem_shared>>
      tpu.wait_dma2 semaphore(%run_scoped3A : memref<!tpu.dma_semaphore, #tpu.memory_space<semaphore_mem>>) src(%dma_wait3A_32 : memref<128x64xf32, #tpu.memory_space<vmem_shared>>) dst(%dma_wait3A_30 : memref<128x64xf32, #tpu.memory_space<hbm>>)
      tpu.yield
    }) : () -> ()
    %add3A_19 = arith.constant 256 : i32
    %add3A_20 = arith.addi %mul3A_0, %add3A_19 : i32
    "tpu.region"() ({
      %run_scoped3A = tpu.sem_alloc : memref<!tpu.dma_semaphore, #tpu.memory_space<semaphore_mem>>
      %dma_start3A = arith.constant 0 : i32
      %dma_start3A_25 = tpu.memref_slice %arg6[%arg0, %add3A_20, %dma_start3A] : memref<2x10240x64xf32, #tpu.memory_space<hbm>> -> memref<1x128x64xf32, #tpu.memory_space<hbm>>
      %dma_start3A_26 = tpu.memref_squeeze %dma_start3A_25 : memref<1x128x64xf32, #tpu.memory_space<hbm>> -> memref<128x64xf32, #tpu.memory_space<hbm>>
      %dma_start3A_27 = arith.constant 0 : i32
      %dma_start3A_28 = tpu.memref_slice %arg11[%add3A_20, %dma_start3A_27] : memref<10240x64xf32, #tpu.memory_space<vmem_shared>> -> memref<128x64xf32, #tpu.memory_space<vmem_shared>>
      tpu.enqueue_dma source(%dma_start3A_28 : memref<128x64xf32, #tpu.memory_space<vmem_shared>>) target(%dma_start3A_26 : memref<128x64xf32, #tpu.memory_space<hbm>>) target_semaphore(%run_scoped3A : memref<!tpu.dma_semaphore, #tpu.memory_space<semaphore_mem>>)
      %dma_wait3A = arith.constant 0 : i32
      %dma_wait3A_29 = tpu.memref_slice %arg6[%arg0, %add3A_20, %dma_wait3A] : memref<2x10240x64xf32, #tpu.memory_space<hbm>> -> memref<1x128x64xf32, #tpu.memory_space<hbm>>
      %dma_wait3A_30 = tpu.memref_squeeze %dma_wait3A_29 : memref<1x128x64xf32, #tpu.memory_space<hbm>> -> memref<128x64xf32, #tpu.memory_space<hbm>>
      %dma_wait3A_31 = arith.constant 0 : i32
      %dma_wait3A_32 = tpu.memref_slice %arg11[%add3A_20, %dma_wait3A_31] : memref<10240x64xf32, #tpu.memory_space<vmem_shared>> -> memref<128x64xf32, #tpu.memory_space<vmem_shared>>
      tpu.wait_dma2 semaphore(%run_scoped3A : memref<!tpu.dma_semaphore, #tpu.memory_space<semaphore_mem>>) src(%dma_wait3A_32 : memref<128x64xf32, #tpu.memory_space<vmem_shared>>) dst(%dma_wait3A_30 : memref<128x64xf32, #tpu.memory_space<hbm>>)
      tpu.yield
    }) : () -> ()
    %add3A_21 = arith.constant 384 : i32
    %add3A_22 = arith.addi %mul3A_0, %add3A_21 : i32
    "tpu.region"() ({
      %run_scoped3A = tpu.sem_alloc : memref<!tpu.dma_semaphore, #tpu.memory_space<semaphore_mem>>
      %dma_start3A = arith.constant 0 : i32
      %dma_start3A_25 = tpu.memref_slice %arg6[%arg0, %add3A_22, %dma_start3A] : memref<2x10240x64xf32, #tpu.memory_space<hbm>> -> memref<1x128x64xf32, #tpu.memory_space<hbm>>
      %dma_start3A_26 = tpu.memref_squeeze %dma_start3A_25 : memref<1x128x64xf32, #tpu.memory_space<hbm>> -> memref<128x64xf32, #tpu.memory_space<hbm>>
      %dma_start3A_27 = arith.constant 0 : i32
      %dma_start3A_28 = tpu.memref_slice %arg11[%add3A_22, %dma_start3A_27] : memref<10240x64xf32, #tpu.memory_space<vmem_shared>> -> memref<128x64xf32, #tpu.memory_space<vmem_shared>>
      tpu.enqueue_dma source(%dma_start3A_28 : memref<128x64xf32, #tpu.memory_space<vmem_shared>>) target(%dma_start3A_26 : memref<128x64xf32, #tpu.memory_space<hbm>>) target_semaphore(%run_scoped3A : memref<!tpu.dma_semaphore, #tpu.memory_space<semaphore_mem>>)
      %dma_wait3A = arith.constant 0 : i32
      %dma_wait3A_29 = tpu.memref_slice %arg6[%arg0, %add3A_22, %dma_wait3A] : memref<2x10240x64xf32, #tpu.memory_space<hbm>> -> memref<1x128x64xf32, #tpu.memory_space<hbm>>
      %dma_wait3A_30 = tpu.memref_squeeze %dma_wait3A_29 : memref<1x128x64xf32, #tpu.memory_space<hbm>> -> memref<128x64xf32, #tpu.memory_space<hbm>>
      %dma_wait3A_31 = arith.constant 0 : i32
      %dma_wait3A_32 = tpu.memref_slice %arg11[%add3A_22, %dma_wait3A_31] : memref<10240x64xf32, #tpu.memory_space<vmem_shared>> -> memref<128x64xf32, #tpu.memory_space<vmem_shared>>
      tpu.wait_dma2 semaphore(%run_scoped3A : memref<!tpu.dma_semaphore, #tpu.memory_space<semaphore_mem>>) src(%dma_wait3A_32 : memref<128x64xf32, #tpu.memory_space<vmem_shared>>) dst(%dma_wait3A_30 : memref<128x64xf32, #tpu.memory_space<hbm>>)
      tpu.yield
    }) : () -> ()
    %add3A_23 = arith.constant 512 : i32
    %add3A_24 = arith.addi %mul3A_0, %add3A_23 : i32
    "tpu.region"() ({
      %run_scoped3A = tpu.sem_alloc : memref<!tpu.dma_semaphore, #tpu.memory_space<semaphore_mem>>
      %dma_start3A = arith.constant 0 : i32
      %dma_start3A_25 = tpu.memref_slice %arg6[%arg0, %add3A_24, %dma_start3A] : memref<2x10240x64xf32, #tpu.memory_space<hbm>> -> memref<1x128x64xf32, #tpu.memory_space<hbm>>
      %dma_start3A_26 = tpu.memref_squeeze %dma_start3A_25 : memref<1x128x64xf32, #tpu.memory_space<hbm>> -> memref<128x64xf32, #tpu.memory_space<hbm>>
      %dma_start3A_27 = arith.constant 0 : i32
      %dma_start3A_28 = tpu.memref_slice %arg11[%add3A_24, %dma_start3A_27] : memref<10240x64xf32, #tpu.memory_space<vmem_shared>> -> memref<128x64xf32, #tpu.memory_space<vmem_shared>>
      tpu.enqueue_dma source(%dma_start3A_28 : memref<128x64xf32, #tpu.memory_space<vmem_shared>>) target(%dma_start3A_26 : memref<128x64xf32, #tpu.memory_space<hbm>>) target_semaphore(%run_scoped3A : memref<!tpu.dma_semaphore, #tpu.memory_space<semaphore_mem>>)
      %dma_wait3A = arith.constant 0 : i32
      %dma_wait3A_29 = tpu.memref_slice %arg6[%arg0, %add3A_24, %dma_wait3A] : memref<2x10240x64xf32, #tpu.memory_space<hbm>> -> memref<1x128x64xf32, #tpu.memory_space<hbm>>
      %dma_wait3A_30 = tpu.memref_squeeze %dma_wait3A_29 : memref<1x128x64xf32, #tpu.memory_space<hbm>> -> memref<128x64xf32, #tpu.memory_space<hbm>>
      %dma_wait3A_31 = arith.constant 0 : i32
      %dma_wait3A_32 = tpu.memref_slice %arg11[%add3A_24, %dma_wait3A_31] : memref<10240x64xf32, #tpu.memory_space<vmem_shared>> -> memref<128x64xf32, #tpu.memory_space<vmem_shared>>
      tpu.wait_dma2 semaphore(%run_scoped3A : memref<!tpu.dma_semaphore, #tpu.memory_space<semaphore_mem>>) src(%dma_wait3A_32 : memref<128x64xf32, #tpu.memory_space<vmem_shared>>) dst(%dma_wait3A_30 : memref<128x64xf32, #tpu.memory_space<hbm>>)
      tpu.yield
    }) : () -> ()
    return
  }
}

#map = affine_map<(d0, d1) -> (0, 0)>
#map1 = affine_map<(d0, d1) -> (0, 0, 0, 0)>
#map2 = affine_map<(d0, d1) -> (0, 0, 0)>
module attributes {stable_mosaic.version = 14 : i64} {
  func.func @_sc_aggregate(%arg0: i32, %arg1: i32, %arg2: memref<20480x64xf32, #tpu.memory_space<hbm>>, %arg3: memref<2x16x160x128xi32, #tpu.memory_space<hbm>>, %arg4: memref<16x160x128xi32, #tpu.memory_space<hbm>>, %arg5: memref<128x64xf32, #tpu.memory_space<hbm>>, %arg6: memref<2x10240x64xf32, #tpu.memory_space<hbm>>, %arg7: memref<160x128xi32, #tpu.memory_space<vmem>>, %arg8: memref<160x128xi32, #tpu.memory_space<vmem>>, %arg9: memref<4x128x64xf32, #tpu.memory_space<vmem>>, %arg10: memref<128x64xf32, #tpu.memory_space<vmem>>, %arg11: memref<10240x64xf32, #tpu.memory_space<vmem_shared>>, %arg12: memref<!tpu.dma_semaphore, #tpu.memory_space<semaphore_mem>>, %arg13: memref<!tpu.dma_semaphore, #tpu.memory_space<semaphore_mem>>) attributes {dimension_semantics = [#tpu.dimension_semantics<core_parallel>, #tpu.dimension_semantics<subcore_parallel>], iteration_bounds = array<i64: 2, 16>, scalar_prefetch = 0 : i64, scratch_operands = 7 : i64, tpu.core_type = #tpu.core_type<sc_vector_subcore>, window_params = [{transform_indices = #map}, {transform_indices = #map1}, {transform_indices = #map2}, {transform_indices = #map}, {transform_indices = #map2}]} {
    "tpu.region"() ({
      %run_scoped3A = tpu.sem_alloc : memref<!tpu.dma_semaphore, #tpu.memory_space<semaphore_mem>>
      %dma_start3A = arith.constant 0 : i32
      %dma_start3A_25 = arith.constant 0 : i32
      %dma_start3A_26 = tpu.memref_slice %arg3[%arg0, %arg1, %dma_start3A, %dma_start3A_25] : memref<2x16x160x128xi32, #tpu.memory_space<hbm>> -> memref<1x1x160x128xi32, #tpu.memory_space<hbm>>
      %dma_start3A_27 = tpu.memref_squeeze %dma_start3A_26 : memref<1x1x160x128xi32, #tpu.memory_space<hbm>> -> memref<160x128xi32, #tpu.memory_space<hbm>>
      %dma_start3A_28 = arith.constant 0 : i32
      %dma_start3A_29 = arith.constant 0 : i32
      %dma_start3A_30 = tpu.memref_slice %arg3[%arg0, %arg1, %dma_start3A_28, %dma_start3A_29] : memref<2x16x160x128xi32, #tpu.memory_space<hbm>> -> memref<1x1x160x128xi32, #tpu.memory_space<hbm>>
      %dma_start3A_31 = tpu.memref_squeeze %dma_start3A_30 : memref<1x1x160x128xi32, #tpu.memory_space<hbm>> -> memref<160x128xi32, #tpu.memory_space<hbm>>
      tpu.enqueue_dma source(%dma_start3A_31 : memref<160x128xi32, #tpu.memory_space<hbm>>) target(%arg7 : memref<160x128xi32, #tpu.memory_space<vmem>>) target_semaphore(%run_scoped3A : memref<!tpu.dma_semaphore, #tpu.memory_space<semaphore_mem>>)
      %dma_wait3A = arith.constant 0 : i32
      %dma_wait3A_32 = arith.constant 0 : i32
      %dma_wait3A_33 = tpu.memref_slice %arg3[%arg0, %arg1, %dma_wait3A, %dma_wait3A_32] : memref<2x16x160x128xi32, #tpu.memory_space<hbm>> -> memref<1x1x160x128xi32, #tpu.memory_space<hbm>>
      %dma_wait3A_34 = tpu.memref_squeeze %dma_wait3A_33 : memref<1x1x160x128xi32, #tpu.memory_space<hbm>> -> memref<160x128xi32, #tpu.memory_space<hbm>>
      %dma_wait3A_35 = arith.constant 0 : i32
      %dma_wait3A_36 = arith.constant 0 : i32
      %dma_wait3A_37 = tpu.memref_slice %arg3[%arg0, %arg1, %dma_wait3A_35, %dma_wait3A_36] : memref<2x16x160x128xi32, #tpu.memory_space<hbm>> -> memref<1x1x160x128xi32, #tpu.memory_space<hbm>>
      %dma_wait3A_38 = tpu.memref_squeeze %dma_wait3A_37 : memref<1x1x160x128xi32, #tpu.memory_space<hbm>> -> memref<160x128xi32, #tpu.memory_space<hbm>>
      tpu.wait_dma2 semaphore(%run_scoped3A : memref<!tpu.dma_semaphore, #tpu.memory_space<semaphore_mem>>) src(%dma_wait3A_38 : memref<160x128xi32, #tpu.memory_space<hbm>>) dst(%arg7 : memref<160x128xi32, #tpu.memory_space<vmem>>)
      tpu.yield
    }) : () -> ()
    "tpu.region"() ({
      %run_scoped3A = tpu.sem_alloc : memref<!tpu.dma_semaphore, #tpu.memory_space<semaphore_mem>>
      %dma_start3A = arith.constant 0 : i32
      %dma_start3A_25 = arith.constant 0 : i32
      %dma_start3A_26 = tpu.memref_slice %arg4[%arg1, %dma_start3A, %dma_start3A_25] : memref<16x160x128xi32, #tpu.memory_space<hbm>> -> memref<1x160x128xi32, #tpu.memory_space<hbm>>
      %dma_start3A_27 = tpu.memref_squeeze %dma_start3A_26 : memref<1x160x128xi32, #tpu.memory_space<hbm>> -> memref<160x128xi32, #tpu.memory_space<hbm>>
      %dma_start3A_28 = arith.constant 0 : i32
      %dma_start3A_29 = arith.constant 0 : i32
      %dma_start3A_30 = tpu.memref_slice %arg4[%arg1, %dma_start3A_28, %dma_start3A_29] : memref<16x160x128xi32, #tpu.memory_space<hbm>> -> memref<1x160x128xi32, #tpu.memory_space<hbm>>
      %dma_start3A_31 = tpu.memref_squeeze %dma_start3A_30 : memref<1x160x128xi32, #tpu.memory_space<hbm>> -> memref<160x128xi32, #tpu.memory_space<hbm>>
      tpu.enqueue_dma source(%dma_start3A_31 : memref<160x128xi32, #tpu.memory_space<hbm>>) target(%arg8 : memref<160x128xi32, #tpu.memory_space<vmem>>) target_semaphore(%run_scoped3A : memref<!tpu.dma_semaphore, #tpu.memory_space<semaphore_mem>>)
      %dma_wait3A = arith.constant 0 : i32
      %dma_wait3A_32 = arith.constant 0 : i32
      %dma_wait3A_33 = tpu.memref_slice %arg4[%arg1, %dma_wait3A, %dma_wait3A_32] : memref<16x160x128xi32, #tpu.memory_space<hbm>> -> memref<1x160x128xi32, #tpu.memory_space<hbm>>
      %dma_wait3A_34 = tpu.memref_squeeze %dma_wait3A_33 : memref<1x160x128xi32, #tpu.memory_space<hbm>> -> memref<160x128xi32, #tpu.memory_space<hbm>>
      %dma_wait3A_35 = arith.constant 0 : i32
      %dma_wait3A_36 = arith.constant 0 : i32
      %dma_wait3A_37 = tpu.memref_slice %arg4[%arg1, %dma_wait3A_35, %dma_wait3A_36] : memref<16x160x128xi32, #tpu.memory_space<hbm>> -> memref<1x160x128xi32, #tpu.memory_space<hbm>>
      %dma_wait3A_38 = tpu.memref_squeeze %dma_wait3A_37 : memref<1x160x128xi32, #tpu.memory_space<hbm>> -> memref<160x128xi32, #tpu.memory_space<hbm>>
      tpu.wait_dma2 semaphore(%run_scoped3A : memref<!tpu.dma_semaphore, #tpu.memory_space<semaphore_mem>>) src(%dma_wait3A_38 : memref<160x128xi32, #tpu.memory_space<hbm>>) dst(%arg8 : memref<160x128xi32, #tpu.memory_space<vmem>>)
      tpu.yield
    }) : () -> ()
    "tpu.region"() ({
      %run_scoped3A = tpu.sem_alloc : memref<!tpu.dma_semaphore, #tpu.memory_space<semaphore_mem>>
      tpu.enqueue_dma source(%arg5 : memref<128x64xf32, #tpu.memory_space<hbm>>) target(%arg10 : memref<128x64xf32, #tpu.memory_space<vmem>>) target_semaphore(%run_scoped3A : memref<!tpu.dma_semaphore, #tpu.memory_space<semaphore_mem>>)
      tpu.wait_dma2 semaphore(%run_scoped3A : memref<!tpu.dma_semaphore, #tpu.memory_space<semaphore_mem>>) src(%arg5 : memref<128x64xf32, #tpu.memory_space<hbm>>) dst(%arg10 : memref<128x64xf32, #tpu.memory_space<vmem>>)
      tpu.yield
    }) : () -> ()
    %mul3A = arith.constant 640 : i32
    %mul3A_0 = arith.muli %arg1, %mul3A : i32
    %add3A = arith.constant 0 : i32
    %add3A_1 = arith.addi %mul3A_0, %add3A : i32
    "tpu.region"() ({
      %run_scoped3A = tpu.sem_alloc : memref<!tpu.dma_semaphore, #tpu.memory_space<semaphore_mem>>
      %dma_start3A = arith.constant 0 : i32
      %dma_start3A_25 = tpu.memref_slice %arg11[%add3A_1, %dma_start3A] : memref<10240x64xf32, #tpu.memory_space<vmem_shared>> -> memref<128x64xf32, #tpu.memory_space<vmem_shared>>
      %dma_start3A_26 = arith.constant 0 : i32
      %dma_start3A_27 = tpu.memref_slice %arg11[%add3A_1, %dma_start3A_26] : memref<10240x64xf32, #tpu.memory_space<vmem_shared>> -> memref<128x64xf32, #tpu.memory_space<vmem_shared>>
      tpu.enqueue_dma source(%arg10 : memref<128x64xf32, #tpu.memory_space<vmem>>) target(%dma_start3A_27 : memref<128x64xf32, #tpu.memory_space<vmem_shared>>) target_semaphore(%run_scoped3A : memref<!tpu.dma_semaphore, #tpu.memory_space<semaphore_mem>>)
      %dma_wait3A = arith.constant 0 : i32
      %dma_wait3A_28 = tpu.memref_slice %arg11[%add3A_1, %dma_wait3A] : memref<10240x64xf32, #tpu.memory_space<vmem_shared>> -> memref<128x64xf32, #tpu.memory_space<vmem_shared>>
      %dma_wait3A_29 = arith.constant 0 : i32
      %dma_wait3A_30 = tpu.memref_slice %arg11[%add3A_1, %dma_wait3A_29] : memref<10240x64xf32, #tpu.memory_space<vmem_shared>> -> memref<128x64xf32, #tpu.memory_space<vmem_shared>>
      tpu.wait_dma2 semaphore(%run_scoped3A : memref<!tpu.dma_semaphore, #tpu.memory_space<semaphore_mem>>) src(%arg10 : memref<128x64xf32, #tpu.memory_space<vmem>>) dst(%dma_wait3A_30 : memref<128x64xf32, #tpu.memory_space<vmem_shared>>)
      tpu.yield
    }) : () -> ()
    %add3A_2 = arith.constant 128 : i32
    %add3A_3 = arith.addi %mul3A_0, %add3A_2 : i32
    "tpu.region"() ({
      %run_scoped3A = tpu.sem_alloc : memref<!tpu.dma_semaphore, #tpu.memory_space<semaphore_mem>>
      %dma_start3A = arith.constant 0 : i32
      %dma_start3A_25 = tpu.memref_slice %arg11[%add3A_3, %dma_start3A] : memref<10240x64xf32, #tpu.memory_space<vmem_shared>> -> memref<128x64xf32, #tpu.memory_space<vmem_shared>>
      %dma_start3A_26 = arith.constant 0 : i32
      %dma_start3A_27 = tpu.memref_slice %arg11[%add3A_3, %dma_start3A_26] : memref<10240x64xf32, #tpu.memory_space<vmem_shared>> -> memref<128x64xf32, #tpu.memory_space<vmem_shared>>
      tpu.enqueue_dma source(%arg10 : memref<128x64xf32, #tpu.memory_space<vmem>>) target(%dma_start3A_27 : memref<128x64xf32, #tpu.memory_space<vmem_shared>>) target_semaphore(%run_scoped3A : memref<!tpu.dma_semaphore, #tpu.memory_space<semaphore_mem>>)
      %dma_wait3A = arith.constant 0 : i32
      %dma_wait3A_28 = tpu.memref_slice %arg11[%add3A_3, %dma_wait3A] : memref<10240x64xf32, #tpu.memory_space<vmem_shared>> -> memref<128x64xf32, #tpu.memory_space<vmem_shared>>
      %dma_wait3A_29 = arith.constant 0 : i32
      %dma_wait3A_30 = tpu.memref_slice %arg11[%add3A_3, %dma_wait3A_29] : memref<10240x64xf32, #tpu.memory_space<vmem_shared>> -> memref<128x64xf32, #tpu.memory_space<vmem_shared>>
      tpu.wait_dma2 semaphore(%run_scoped3A : memref<!tpu.dma_semaphore, #tpu.memory_space<semaphore_mem>>) src(%arg10 : memref<128x64xf32, #tpu.memory_space<vmem>>) dst(%dma_wait3A_30 : memref<128x64xf32, #tpu.memory_space<vmem_shared>>)
      tpu.yield
    }) : () -> ()
    %add3A_4 = arith.constant 256 : i32
    %add3A_5 = arith.addi %mul3A_0, %add3A_4 : i32
    "tpu.region"() ({
      %run_scoped3A = tpu.sem_alloc : memref<!tpu.dma_semaphore, #tpu.memory_space<semaphore_mem>>
      %dma_start3A = arith.constant 0 : i32
      %dma_start3A_25 = tpu.memref_slice %arg11[%add3A_5, %dma_start3A] : memref<10240x64xf32, #tpu.memory_space<vmem_shared>> -> memref<128x64xf32, #tpu.memory_space<vmem_shared>>
      %dma_start3A_26 = arith.constant 0 : i32
      %dma_start3A_27 = tpu.memref_slice %arg11[%add3A_5, %dma_start3A_26] : memref<10240x64xf32, #tpu.memory_space<vmem_shared>> -> memref<128x64xf32, #tpu.memory_space<vmem_shared>>
      tpu.enqueue_dma source(%arg10 : memref<128x64xf32, #tpu.memory_space<vmem>>) target(%dma_start3A_27 : memref<128x64xf32, #tpu.memory_space<vmem_shared>>) target_semaphore(%run_scoped3A : memref<!tpu.dma_semaphore, #tpu.memory_space<semaphore_mem>>)
      %dma_wait3A = arith.constant 0 : i32
      %dma_wait3A_28 = tpu.memref_slice %arg11[%add3A_5, %dma_wait3A] : memref<10240x64xf32, #tpu.memory_space<vmem_shared>> -> memref<128x64xf32, #tpu.memory_space<vmem_shared>>
      %dma_wait3A_29 = arith.constant 0 : i32
      %dma_wait3A_30 = tpu.memref_slice %arg11[%add3A_5, %dma_wait3A_29] : memref<10240x64xf32, #tpu.memory_space<vmem_shared>> -> memref<128x64xf32, #tpu.memory_space<vmem_shared>>
      tpu.wait_dma2 semaphore(%run_scoped3A : memref<!tpu.dma_semaphore, #tpu.memory_space<semaphore_mem>>) src(%arg10 : memref<128x64xf32, #tpu.memory_space<vmem>>) dst(%dma_wait3A_30 : memref<128x64xf32, #tpu.memory_space<vmem_shared>>)
      tpu.yield
    }) : () -> ()
    %add3A_6 = arith.constant 384 : i32
    %add3A_7 = arith.addi %mul3A_0, %add3A_6 : i32
    "tpu.region"() ({
      %run_scoped3A = tpu.sem_alloc : memref<!tpu.dma_semaphore, #tpu.memory_space<semaphore_mem>>
      %dma_start3A = arith.constant 0 : i32
      %dma_start3A_25 = tpu.memref_slice %arg11[%add3A_7, %dma_start3A] : memref<10240x64xf32, #tpu.memory_space<vmem_shared>> -> memref<128x64xf32, #tpu.memory_space<vmem_shared>>
      %dma_start3A_26 = arith.constant 0 : i32
      %dma_start3A_27 = tpu.memref_slice %arg11[%add3A_7, %dma_start3A_26] : memref<10240x64xf32, #tpu.memory_space<vmem_shared>> -> memref<128x64xf32, #tpu.memory_space<vmem_shared>>
      tpu.enqueue_dma source(%arg10 : memref<128x64xf32, #tpu.memory_space<vmem>>) target(%dma_start3A_27 : memref<128x64xf32, #tpu.memory_space<vmem_shared>>) target_semaphore(%run_scoped3A : memref<!tpu.dma_semaphore, #tpu.memory_space<semaphore_mem>>)
      %dma_wait3A = arith.constant 0 : i32
      %dma_wait3A_28 = tpu.memref_slice %arg11[%add3A_7, %dma_wait3A] : memref<10240x64xf32, #tpu.memory_space<vmem_shared>> -> memref<128x64xf32, #tpu.memory_space<vmem_shared>>
      %dma_wait3A_29 = arith.constant 0 : i32
      %dma_wait3A_30 = tpu.memref_slice %arg11[%add3A_7, %dma_wait3A_29] : memref<10240x64xf32, #tpu.memory_space<vmem_shared>> -> memref<128x64xf32, #tpu.memory_space<vmem_shared>>
      tpu.wait_dma2 semaphore(%run_scoped3A : memref<!tpu.dma_semaphore, #tpu.memory_space<semaphore_mem>>) src(%arg10 : memref<128x64xf32, #tpu.memory_space<vmem>>) dst(%dma_wait3A_30 : memref<128x64xf32, #tpu.memory_space<vmem_shared>>)
      tpu.yield
    }) : () -> ()
    %add3A_8 = arith.constant 512 : i32
    %add3A_9 = arith.addi %mul3A_0, %add3A_8 : i32
    "tpu.region"() ({
      %run_scoped3A = tpu.sem_alloc : memref<!tpu.dma_semaphore, #tpu.memory_space<semaphore_mem>>
      %dma_start3A = arith.constant 0 : i32
      %dma_start3A_25 = tpu.memref_slice %arg11[%add3A_9, %dma_start3A] : memref<10240x64xf32, #tpu.memory_space<vmem_shared>> -> memref<128x64xf32, #tpu.memory_space<vmem_shared>>
      %dma_start3A_26 = arith.constant 0 : i32
      %dma_start3A_27 = tpu.memref_slice %arg11[%add3A_9, %dma_start3A_26] : memref<10240x64xf32, #tpu.memory_space<vmem_shared>> -> memref<128x64xf32, #tpu.memory_space<vmem_shared>>
      tpu.enqueue_dma source(%arg10 : memref<128x64xf32, #tpu.memory_space<vmem>>) target(%dma_start3A_27 : memref<128x64xf32, #tpu.memory_space<vmem_shared>>) target_semaphore(%run_scoped3A : memref<!tpu.dma_semaphore, #tpu.memory_space<semaphore_mem>>)
      %dma_wait3A = arith.constant 0 : i32
      %dma_wait3A_28 = tpu.memref_slice %arg11[%add3A_9, %dma_wait3A] : memref<10240x64xf32, #tpu.memory_space<vmem_shared>> -> memref<128x64xf32, #tpu.memory_space<vmem_shared>>
      %dma_wait3A_29 = arith.constant 0 : i32
      %dma_wait3A_30 = tpu.memref_slice %arg11[%add3A_9, %dma_wait3A_29] : memref<10240x64xf32, #tpu.memory_space<vmem_shared>> -> memref<128x64xf32, #tpu.memory_space<vmem_shared>>
      tpu.wait_dma2 semaphore(%run_scoped3A : memref<!tpu.dma_semaphore, #tpu.memory_space<semaphore_mem>>) src(%arg10 : memref<128x64xf32, #tpu.memory_space<vmem>>) dst(%dma_wait3A_30 : memref<128x64xf32, #tpu.memory_space<vmem_shared>>)
      tpu.yield
    }) : () -> ()
    %barrier3A = arith.constant 0 : index
    tpu.barrier barrier_id(%barrier3A)
    %scan3A = arith.constant 0 : i32
    %scan3A_10 = arith.constant 40 : i32
    %scan3A_11 = arith.addi %scan3A, %scan3A_10 : i32
    %scan3A_12 = arith.constant 1 : i32
    scf.for %scan3A_25 = %scan3A to %scan3A_11 step %scan3A_12  : i32 {
      %mul3A_26 = arith.constant 4 : i32
      %mul3A_27 = arith.muli %scan3A_25, %mul3A_26 : i32
      %add3A_28 = arith.constant 0 : i32
      %add3A_29 = arith.addi %add3A_28, %mul3A_27 : i32
      %add3A_30 = arith.constant 0 : i32
      %add3A_31 = arith.addi %add3A_29, %add3A_30 : i32
      %dma_start3A = arith.constant 0 : i32
      %dma_start3A_32 = arith.constant 0 : i32
      %dma_start3A_33 = arith.constant 0 : i32
      %dma_start3A_34 = tpu.memref_slice %arg9[%dma_start3A, %dma_start3A_32, %dma_start3A_33] : memref<4x128x64xf32, #tpu.memory_space<vmem>> -> memref<1x128x64xf32, #tpu.memory_space<vmem>>
      %dma_start3A_35 = tpu.memref_squeeze %dma_start3A_34 : memref<1x128x64xf32, #tpu.memory_space<vmem>> -> memref<128x64xf32, #tpu.memory_space<vmem>>
      %dma_start3A_36 = arith.constant 0 : i32
      %dma_start3A_37 = tpu.memref_slice %arg7[%add3A_31, %dma_start3A_36] : memref<160x128xi32, #tpu.memory_space<vmem>> -> memref<1x128xi32, #tpu.memory_space<vmem>>
      %dma_start3A_38 = tpu.memref_squeeze %dma_start3A_37 : memref<1x128xi32, #tpu.memory_space<vmem>> -> memref<128xi32, #tpu.memory_space<vmem>>
      %dma_start3A_39 = arith.constant 0 : i32
      %dma_start3A_40 = arith.constant 0 : i32
      %dma_start3A_41 = tpu.memref_slice %arg2[%dma_start3A_39, %dma_start3A_40] : memref<20480x64xf32, #tpu.memory_space<hbm>> -> memref<20480x64xf32, #tpu.memory_space<hbm>>
      tpu.enqueue_indirect_dma source(%dma_start3A_41 : memref<20480x64xf32, #tpu.memory_space<hbm>>) target(%dma_start3A_35 : memref<128x64xf32, #tpu.memory_space<vmem>>) offsets(%dma_start3A_38 : memref<128xi32, #tpu.memory_space<vmem>>) semaphore(%arg12 : memref<!tpu.dma_semaphore, #tpu.memory_space<semaphore_mem>>)
      %add3A_42 = arith.constant 1 : i32
      %add3A_43 = arith.addi %add3A_29, %add3A_42 : i32
      %dma_start3A_44 = arith.constant 1 : i32
      %dma_start3A_45 = arith.constant 0 : i32
      %dma_start3A_46 = arith.constant 0 : i32
      %dma_start3A_47 = tpu.memref_slice %arg9[%dma_start3A_44, %dma_start3A_45, %dma_start3A_46] : memref<4x128x64xf32, #tpu.memory_space<vmem>> -> memref<1x128x64xf32, #tpu.memory_space<vmem>>
      %dma_start3A_48 = tpu.memref_squeeze %dma_start3A_47 : memref<1x128x64xf32, #tpu.memory_space<vmem>> -> memref<128x64xf32, #tpu.memory_space<vmem>>
      %dma_start3A_49 = arith.constant 0 : i32
      %dma_start3A_50 = tpu.memref_slice %arg7[%add3A_43, %dma_start3A_49] : memref<160x128xi32, #tpu.memory_space<vmem>> -> memref<1x128xi32, #tpu.memory_space<vmem>>
      %dma_start3A_51 = tpu.memref_squeeze %dma_start3A_50 : memref<1x128xi32, #tpu.memory_space<vmem>> -> memref<128xi32, #tpu.memory_space<vmem>>
      %dma_start3A_52 = arith.constant 0 : i32
      %dma_start3A_53 = arith.constant 0 : i32
      %dma_start3A_54 = tpu.memref_slice %arg2[%dma_start3A_52, %dma_start3A_53] : memref<20480x64xf32, #tpu.memory_space<hbm>> -> memref<20480x64xf32, #tpu.memory_space<hbm>>
      tpu.enqueue_indirect_dma source(%dma_start3A_54 : memref<20480x64xf32, #tpu.memory_space<hbm>>) target(%dma_start3A_48 : memref<128x64xf32, #tpu.memory_space<vmem>>) offsets(%dma_start3A_51 : memref<128xi32, #tpu.memory_space<vmem>>) semaphore(%arg12 : memref<!tpu.dma_semaphore, #tpu.memory_space<semaphore_mem>>)
      %add3A_55 = arith.constant 2 : i32
      %add3A_56 = arith.addi %add3A_29, %add3A_55 : i32
      %dma_start3A_57 = arith.constant 2 : i32
      %dma_start3A_58 = arith.constant 0 : i32
      %dma_start3A_59 = arith.constant 0 : i32
      %dma_start3A_60 = tpu.memref_slice %arg9[%dma_start3A_57, %dma_start3A_58, %dma_start3A_59] : memref<4x128x64xf32, #tpu.memory_space<vmem>> -> memref<1x128x64xf32, #tpu.memory_space<vmem>>
      %dma_start3A_61 = tpu.memref_squeeze %dma_start3A_60 : memref<1x128x64xf32, #tpu.memory_space<vmem>> -> memref<128x64xf32, #tpu.memory_space<vmem>>
      %dma_start3A_62 = arith.constant 0 : i32
      %dma_start3A_63 = tpu.memref_slice %arg7[%add3A_56, %dma_start3A_62] : memref<160x128xi32, #tpu.memory_space<vmem>> -> memref<1x128xi32, #tpu.memory_space<vmem>>
      %dma_start3A_64 = tpu.memref_squeeze %dma_start3A_63 : memref<1x128xi32, #tpu.memory_space<vmem>> -> memref<128xi32, #tpu.memory_space<vmem>>
      %dma_start3A_65 = arith.constant 0 : i32
      %dma_start3A_66 = arith.constant 0 : i32
      %dma_start3A_67 = tpu.memref_slice %arg2[%dma_start3A_65, %dma_start3A_66] : memref<20480x64xf32, #tpu.memory_space<hbm>> -> memref<20480x64xf32, #tpu.memory_space<hbm>>
      tpu.enqueue_indirect_dma source(%dma_start3A_67 : memref<20480x64xf32, #tpu.memory_space<hbm>>) target(%dma_start3A_61 : memref<128x64xf32, #tpu.memory_space<vmem>>) offsets(%dma_start3A_64 : memref<128xi32, #tpu.memory_space<vmem>>) semaphore(%arg12 : memref<!tpu.dma_semaphore, #tpu.memory_space<semaphore_mem>>)
      %add3A_68 = arith.constant 3 : i32
      %add3A_69 = arith.addi %add3A_29, %add3A_68 : i32
      %dma_start3A_70 = arith.constant 3 : i32
      %dma_start3A_71 = arith.constant 0 : i32
      %dma_start3A_72 = arith.constant 0 : i32
      %dma_start3A_73 = tpu.memref_slice %arg9[%dma_start3A_70, %dma_start3A_71, %dma_start3A_72] : memref<4x128x64xf32, #tpu.memory_space<vmem>> -> memref<1x128x64xf32, #tpu.memory_space<vmem>>
      %dma_start3A_74 = tpu.memref_squeeze %dma_start3A_73 : memref<1x128x64xf32, #tpu.memory_space<vmem>> -> memref<128x64xf32, #tpu.memory_space<vmem>>
      %dma_start3A_75 = arith.constant 0 : i32
      %dma_start3A_76 = tpu.memref_slice %arg7[%add3A_69, %dma_start3A_75] : memref<160x128xi32, #tpu.memory_space<vmem>> -> memref<1x128xi32, #tpu.memory_space<vmem>>
      %dma_start3A_77 = tpu.memref_squeeze %dma_start3A_76 : memref<1x128xi32, #tpu.memory_space<vmem>> -> memref<128xi32, #tpu.memory_space<vmem>>
      %dma_start3A_78 = arith.constant 0 : i32
      %dma_start3A_79 = arith.constant 0 : i32
      %dma_start3A_80 = tpu.memref_slice %arg2[%dma_start3A_78, %dma_start3A_79] : memref<20480x64xf32, #tpu.memory_space<hbm>> -> memref<20480x64xf32, #tpu.memory_space<hbm>>
      tpu.enqueue_indirect_dma source(%dma_start3A_80 : memref<20480x64xf32, #tpu.memory_space<hbm>>) target(%dma_start3A_74 : memref<128x64xf32, #tpu.memory_space<vmem>>) offsets(%dma_start3A_77 : memref<128xi32, #tpu.memory_space<vmem>>) semaphore(%arg12 : memref<!tpu.dma_semaphore, #tpu.memory_space<semaphore_mem>>)
      %add3A_81 = arith.constant 0 : i32
      %add3A_82 = arith.addi %add3A_29, %add3A_81 : i32
      %dma_wait3A = arith.constant 0 : i32
      %dma_wait3A_83 = arith.constant 0 : i32
      %dma_wait3A_84 = arith.constant 0 : i32
      %dma_wait3A_85 = tpu.memref_slice %arg9[%dma_wait3A, %dma_wait3A_83, %dma_wait3A_84] : memref<4x128x64xf32, #tpu.memory_space<vmem>> -> memref<1x128x64xf32, #tpu.memory_space<vmem>>
      %dma_wait3A_86 = tpu.memref_squeeze %dma_wait3A_85 : memref<1x128x64xf32, #tpu.memory_space<vmem>> -> memref<128x64xf32, #tpu.memory_space<vmem>>
      %dma_wait3A_87 = arith.constant 0 : i32
      %dma_wait3A_88 = tpu.memref_slice %arg7[%add3A_82, %dma_wait3A_87] : memref<160x128xi32, #tpu.memory_space<vmem>> -> memref<1x128xi32, #tpu.memory_space<vmem>>
      %dma_wait3A_89 = tpu.memref_squeeze %dma_wait3A_88 : memref<1x128xi32, #tpu.memory_space<vmem>> -> memref<128xi32, #tpu.memory_space<vmem>>
      %dma_wait3A_90 = arith.constant 0 : i32
      %dma_wait3A_91 = arith.constant 0 : i32
      %dma_wait3A_92 = tpu.memref_slice %arg2[%dma_wait3A_90, %dma_wait3A_91] : memref<20480x64xf32, #tpu.memory_space<hbm>> -> memref<20480x64xf32, #tpu.memory_space<hbm>>
      tpu.wait_indirect_dma semaphore(%arg12 : memref<!tpu.dma_semaphore, #tpu.memory_space<semaphore_mem>>) src(%dma_wait3A_92 : memref<20480x64xf32, #tpu.memory_space<hbm>>) dst(%dma_wait3A_86 : memref<128x64xf32, #tpu.memory_space<vmem>>)
      %add3A_93 = arith.constant 0 : i32
      %add3A_94 = arith.addi %add3A_29, %add3A_93 : i32
      %dma_start3A_95 = arith.constant 0 : i32
      %dma_start3A_96 = arith.constant 0 : i32
      %dma_start3A_97 = arith.constant 0 : i32
      %dma_start3A_98 = tpu.memref_slice %arg9[%dma_start3A_95, %dma_start3A_96, %dma_start3A_97] : memref<4x128x64xf32, #tpu.memory_space<vmem>> -> memref<1x128x64xf32, #tpu.memory_space<vmem>>
      %dma_start3A_99 = tpu.memref_squeeze %dma_start3A_98 : memref<1x128x64xf32, #tpu.memory_space<vmem>> -> memref<128x64xf32, #tpu.memory_space<vmem>>
      %dma_start3A_100 = arith.constant 0 : i32
      %dma_start3A_101 = tpu.memref_slice %arg8[%add3A_94, %dma_start3A_100] : memref<160x128xi32, #tpu.memory_space<vmem>> -> memref<1x128xi32, #tpu.memory_space<vmem>>
      %dma_start3A_102 = tpu.memref_squeeze %dma_start3A_101 : memref<1x128xi32, #tpu.memory_space<vmem>> -> memref<128xi32, #tpu.memory_space<vmem>>
      %dma_start3A_103 = arith.constant 0 : i32
      %dma_start3A_104 = arith.constant 0 : i32
      %dma_start3A_105 = tpu.memref_slice %arg11[%dma_start3A_103, %dma_start3A_104] : memref<10240x64xf32, #tpu.memory_space<vmem_shared>> -> memref<10240x64xf32, #tpu.memory_space<vmem_shared>>
      tpu.enqueue_indirect_dma source(%dma_start3A_99 : memref<128x64xf32, #tpu.memory_space<vmem>>) target(%dma_start3A_105 : memref<10240x64xf32, #tpu.memory_space<vmem_shared>>) offsets(%dma_start3A_102 : memref<128xi32, #tpu.memory_space<vmem>>) semaphore(%arg13 : memref<!tpu.dma_semaphore, #tpu.memory_space<semaphore_mem>>) {add = true}
      %add3A_106 = arith.constant 1 : i32
      %add3A_107 = arith.addi %add3A_29, %add3A_106 : i32
      %dma_wait3A_108 = arith.constant 1 : i32
      %dma_wait3A_109 = arith.constant 0 : i32
      %dma_wait3A_110 = arith.constant 0 : i32
      %dma_wait3A_111 = tpu.memref_slice %arg9[%dma_wait3A_108, %dma_wait3A_109, %dma_wait3A_110] : memref<4x128x64xf32, #tpu.memory_space<vmem>> -> memref<1x128x64xf32, #tpu.memory_space<vmem>>
      %dma_wait3A_112 = tpu.memref_squeeze %dma_wait3A_111 : memref<1x128x64xf32, #tpu.memory_space<vmem>> -> memref<128x64xf32, #tpu.memory_space<vmem>>
      %dma_wait3A_113 = arith.constant 0 : i32
      %dma_wait3A_114 = tpu.memref_slice %arg7[%add3A_107, %dma_wait3A_113] : memref<160x128xi32, #tpu.memory_space<vmem>> -> memref<1x128xi32, #tpu.memory_space<vmem>>
      %dma_wait3A_115 = tpu.memref_squeeze %dma_wait3A_114 : memref<1x128xi32, #tpu.memory_space<vmem>> -> memref<128xi32, #tpu.memory_space<vmem>>
      %dma_wait3A_116 = arith.constant 0 : i32
      %dma_wait3A_117 = arith.constant 0 : i32
      %dma_wait3A_118 = tpu.memref_slice %arg2[%dma_wait3A_116, %dma_wait3A_117] : memref<20480x64xf32, #tpu.memory_space<hbm>> -> memref<20480x64xf32, #tpu.memory_space<hbm>>
      tpu.wait_indirect_dma semaphore(%arg12 : memref<!tpu.dma_semaphore, #tpu.memory_space<semaphore_mem>>) src(%dma_wait3A_118 : memref<20480x64xf32, #tpu.memory_space<hbm>>) dst(%dma_wait3A_112 : memref<128x64xf32, #tpu.memory_space<vmem>>)
      %add3A_119 = arith.constant 1 : i32
      %add3A_120 = arith.addi %add3A_29, %add3A_119 : i32
      %dma_start3A_121 = arith.constant 1 : i32
      %dma_start3A_122 = arith.constant 0 : i32
      %dma_start3A_123 = arith.constant 0 : i32
      %dma_start3A_124 = tpu.memref_slice %arg9[%dma_start3A_121, %dma_start3A_122, %dma_start3A_123] : memref<4x128x64xf32, #tpu.memory_space<vmem>> -> memref<1x128x64xf32, #tpu.memory_space<vmem>>
      %dma_start3A_125 = tpu.memref_squeeze %dma_start3A_124 : memref<1x128x64xf32, #tpu.memory_space<vmem>> -> memref<128x64xf32, #tpu.memory_space<vmem>>
      %dma_start3A_126 = arith.constant 0 : i32
      %dma_start3A_127 = tpu.memref_slice %arg8[%add3A_120, %dma_start3A_126] : memref<160x128xi32, #tpu.memory_space<vmem>> -> memref<1x128xi32, #tpu.memory_space<vmem>>
      %dma_start3A_128 = tpu.memref_squeeze %dma_start3A_127 : memref<1x128xi32, #tpu.memory_space<vmem>> -> memref<128xi32, #tpu.memory_space<vmem>>
      %dma_start3A_129 = arith.constant 0 : i32
      %dma_start3A_130 = arith.constant 0 : i32
      %dma_start3A_131 = tpu.memref_slice %arg11[%dma_start3A_129, %dma_start3A_130] : memref<10240x64xf32, #tpu.memory_space<vmem_shared>> -> memref<10240x64xf32, #tpu.memory_space<vmem_shared>>
      tpu.enqueue_indirect_dma source(%dma_start3A_125 : memref<128x64xf32, #tpu.memory_space<vmem>>) target(%dma_start3A_131 : memref<10240x64xf32, #tpu.memory_space<vmem_shared>>) offsets(%dma_start3A_128 : memref<128xi32, #tpu.memory_space<vmem>>) semaphore(%arg13 : memref<!tpu.dma_semaphore, #tpu.memory_space<semaphore_mem>>) {add = true}
      %add3A_132 = arith.constant 2 : i32
      %add3A_133 = arith.addi %add3A_29, %add3A_132 : i32
      %dma_wait3A_134 = arith.constant 2 : i32
      %dma_wait3A_135 = arith.constant 0 : i32
      %dma_wait3A_136 = arith.constant 0 : i32
      %dma_wait3A_137 = tpu.memref_slice %arg9[%dma_wait3A_134, %dma_wait3A_135, %dma_wait3A_136] : memref<4x128x64xf32, #tpu.memory_space<vmem>> -> memref<1x128x64xf32, #tpu.memory_space<vmem>>
      %dma_wait3A_138 = tpu.memref_squeeze %dma_wait3A_137 : memref<1x128x64xf32, #tpu.memory_space<vmem>> -> memref<128x64xf32, #tpu.memory_space<vmem>>
      %dma_wait3A_139 = arith.constant 0 : i32
      %dma_wait3A_140 = tpu.memref_slice %arg7[%add3A_133, %dma_wait3A_139] : memref<160x128xi32, #tpu.memory_space<vmem>> -> memref<1x128xi32, #tpu.memory_space<vmem>>
      %dma_wait3A_141 = tpu.memref_squeeze %dma_wait3A_140 : memref<1x128xi32, #tpu.memory_space<vmem>> -> memref<128xi32, #tpu.memory_space<vmem>>
      %dma_wait3A_142 = arith.constant 0 : i32
      %dma_wait3A_143 = arith.constant 0 : i32
      %dma_wait3A_144 = tpu.memref_slice %arg2[%dma_wait3A_142, %dma_wait3A_143] : memref<20480x64xf32, #tpu.memory_space<hbm>> -> memref<20480x64xf32, #tpu.memory_space<hbm>>
      tpu.wait_indirect_dma semaphore(%arg12 : memref<!tpu.dma_semaphore, #tpu.memory_space<semaphore_mem>>) src(%dma_wait3A_144 : memref<20480x64xf32, #tpu.memory_space<hbm>>) dst(%dma_wait3A_138 : memref<128x64xf32, #tpu.memory_space<vmem>>)
      %add3A_145 = arith.constant 2 : i32
      %add3A_146 = arith.addi %add3A_29, %add3A_145 : i32
      %dma_start3A_147 = arith.constant 2 : i32
      %dma_start3A_148 = arith.constant 0 : i32
      %dma_start3A_149 = arith.constant 0 : i32
      %dma_start3A_150 = tpu.memref_slice %arg9[%dma_start3A_147, %dma_start3A_148, %dma_start3A_149] : memref<4x128x64xf32, #tpu.memory_space<vmem>> -> memref<1x128x64xf32, #tpu.memory_space<vmem>>
      %dma_start3A_151 = tpu.memref_squeeze %dma_start3A_150 : memref<1x128x64xf32, #tpu.memory_space<vmem>> -> memref<128x64xf32, #tpu.memory_space<vmem>>
      %dma_start3A_152 = arith.constant 0 : i32
      %dma_start3A_153 = tpu.memref_slice %arg8[%add3A_146, %dma_start3A_152] : memref<160x128xi32, #tpu.memory_space<vmem>> -> memref<1x128xi32, #tpu.memory_space<vmem>>
      %dma_start3A_154 = tpu.memref_squeeze %dma_start3A_153 : memref<1x128xi32, #tpu.memory_space<vmem>> -> memref<128xi32, #tpu.memory_space<vmem>>
      %dma_start3A_155 = arith.constant 0 : i32
      %dma_start3A_156 = arith.constant 0 : i32
      %dma_start3A_157 = tpu.memref_slice %arg11[%dma_start3A_155, %dma_start3A_156] : memref<10240x64xf32, #tpu.memory_space<vmem_shared>> -> memref<10240x64xf32, #tpu.memory_space<vmem_shared>>
      tpu.enqueue_indirect_dma source(%dma_start3A_151 : memref<128x64xf32, #tpu.memory_space<vmem>>) target(%dma_start3A_157 : memref<10240x64xf32, #tpu.memory_space<vmem_shared>>) offsets(%dma_start3A_154 : memref<128xi32, #tpu.memory_space<vmem>>) semaphore(%arg13 : memref<!tpu.dma_semaphore, #tpu.memory_space<semaphore_mem>>) {add = true}
      %add3A_158 = arith.constant 3 : i32
      %add3A_159 = arith.addi %add3A_29, %add3A_158 : i32
      %dma_wait3A_160 = arith.constant 3 : i32
      %dma_wait3A_161 = arith.constant 0 : i32
      %dma_wait3A_162 = arith.constant 0 : i32
      %dma_wait3A_163 = tpu.memref_slice %arg9[%dma_wait3A_160, %dma_wait3A_161, %dma_wait3A_162] : memref<4x128x64xf32, #tpu.memory_space<vmem>> -> memref<1x128x64xf32, #tpu.memory_space<vmem>>
      %dma_wait3A_164 = tpu.memref_squeeze %dma_wait3A_163 : memref<1x128x64xf32, #tpu.memory_space<vmem>> -> memref<128x64xf32, #tpu.memory_space<vmem>>
      %dma_wait3A_165 = arith.constant 0 : i32
      %dma_wait3A_166 = tpu.memref_slice %arg7[%add3A_159, %dma_wait3A_165] : memref<160x128xi32, #tpu.memory_space<vmem>> -> memref<1x128xi32, #tpu.memory_space<vmem>>
      %dma_wait3A_167 = tpu.memref_squeeze %dma_wait3A_166 : memref<1x128xi32, #tpu.memory_space<vmem>> -> memref<128xi32, #tpu.memory_space<vmem>>
      %dma_wait3A_168 = arith.constant 0 : i32
      %dma_wait3A_169 = arith.constant 0 : i32
      %dma_wait3A_170 = tpu.memref_slice %arg2[%dma_wait3A_168, %dma_wait3A_169] : memref<20480x64xf32, #tpu.memory_space<hbm>> -> memref<20480x64xf32, #tpu.memory_space<hbm>>
      tpu.wait_indirect_dma semaphore(%arg12 : memref<!tpu.dma_semaphore, #tpu.memory_space<semaphore_mem>>) src(%dma_wait3A_170 : memref<20480x64xf32, #tpu.memory_space<hbm>>) dst(%dma_wait3A_164 : memref<128x64xf32, #tpu.memory_space<vmem>>)
      %add3A_171 = arith.constant 3 : i32
      %add3A_172 = arith.addi %add3A_29, %add3A_171 : i32
      %dma_start3A_173 = arith.constant 3 : i32
      %dma_start3A_174 = arith.constant 0 : i32
      %dma_start3A_175 = arith.constant 0 : i32
      %dma_start3A_176 = tpu.memref_slice %arg9[%dma_start3A_173, %dma_start3A_174, %dma_start3A_175] : memref<4x128x64xf32, #tpu.memory_space<vmem>> -> memref<1x128x64xf32, #tpu.memory_space<vmem>>
      %dma_start3A_177 = tpu.memref_squeeze %dma_start3A_176 : memref<1x128x64xf32, #tpu.memory_space<vmem>> -> memref<128x64xf32, #tpu.memory_space<vmem>>
      %dma_start3A_178 = arith.constant 0 : i32
      %dma_start3A_179 = tpu.memref_slice %arg8[%add3A_172, %dma_start3A_178] : memref<160x128xi32, #tpu.memory_space<vmem>> -> memref<1x128xi32, #tpu.memory_space<vmem>>
      %dma_start3A_180 = tpu.memref_squeeze %dma_start3A_179 : memref<1x128xi32, #tpu.memory_space<vmem>> -> memref<128xi32, #tpu.memory_space<vmem>>
      %dma_start3A_181 = arith.constant 0 : i32
      %dma_start3A_182 = arith.constant 0 : i32
      %dma_start3A_183 = tpu.memref_slice %arg11[%dma_start3A_181, %dma_start3A_182] : memref<10240x64xf32, #tpu.memory_space<vmem_shared>> -> memref<10240x64xf32, #tpu.memory_space<vmem_shared>>
      tpu.enqueue_indirect_dma source(%dma_start3A_177 : memref<128x64xf32, #tpu.memory_space<vmem>>) target(%dma_start3A_183 : memref<10240x64xf32, #tpu.memory_space<vmem_shared>>) offsets(%dma_start3A_180 : memref<128xi32, #tpu.memory_space<vmem>>) semaphore(%arg13 : memref<!tpu.dma_semaphore, #tpu.memory_space<semaphore_mem>>) {add = true}
      %dma_wait3A_184 = arith.constant 0 : i32
      %dma_wait3A_185 = arith.constant 0 : i32
      %dma_wait3A_186 = arith.constant 0 : i32
      %dma_wait3A_187 = tpu.memref_slice %arg9[%dma_wait3A_184, %dma_wait3A_185, %dma_wait3A_186] : memref<4x128x64xf32, #tpu.memory_space<vmem>> -> memref<1x128x64xf32, #tpu.memory_space<vmem>>
      %dma_wait3A_188 = tpu.memref_squeeze %dma_wait3A_187 : memref<1x128x64xf32, #tpu.memory_space<vmem>> -> memref<128x64xf32, #tpu.memory_space<vmem>>
      %dma_wait3A_189 = arith.constant 0 : i32
      %dma_wait3A_190 = tpu.memref_slice %arg8[%add3A_94, %dma_wait3A_189] : memref<160x128xi32, #tpu.memory_space<vmem>> -> memref<1x128xi32, #tpu.memory_space<vmem>>
      %dma_wait3A_191 = tpu.memref_squeeze %dma_wait3A_190 : memref<1x128xi32, #tpu.memory_space<vmem>> -> memref<128xi32, #tpu.memory_space<vmem>>
      %dma_wait3A_192 = arith.constant 0 : i32
      %dma_wait3A_193 = arith.constant 0 : i32
      %dma_wait3A_194 = tpu.memref_slice %arg11[%dma_wait3A_192, %dma_wait3A_193] : memref<10240x64xf32, #tpu.memory_space<vmem_shared>> -> memref<10240x64xf32, #tpu.memory_space<vmem_shared>>
      tpu.wait_indirect_dma semaphore(%arg13 : memref<!tpu.dma_semaphore, #tpu.memory_space<semaphore_mem>>) src(%dma_wait3A_188 : memref<128x64xf32, #tpu.memory_space<vmem>>) dst(%dma_wait3A_194 : memref<10240x64xf32, #tpu.memory_space<vmem_shared>>)
      %dma_wait3A_195 = arith.constant 1 : i32
      %dma_wait3A_196 = arith.constant 0 : i32
      %dma_wait3A_197 = arith.constant 0 : i32
      %dma_wait3A_198 = tpu.memref_slice %arg9[%dma_wait3A_195, %dma_wait3A_196, %dma_wait3A_197] : memref<4x128x64xf32, #tpu.memory_space<vmem>> -> memref<1x128x64xf32, #tpu.memory_space<vmem>>
      %dma_wait3A_199 = tpu.memref_squeeze %dma_wait3A_198 : memref<1x128x64xf32, #tpu.memory_space<vmem>> -> memref<128x64xf32, #tpu.memory_space<vmem>>
      %dma_wait3A_200 = arith.constant 0 : i32
      %dma_wait3A_201 = tpu.memref_slice %arg8[%add3A_120, %dma_wait3A_200] : memref<160x128xi32, #tpu.memory_space<vmem>> -> memref<1x128xi32, #tpu.memory_space<vmem>>
      %dma_wait3A_202 = tpu.memref_squeeze %dma_wait3A_201 : memref<1x128xi32, #tpu.memory_space<vmem>> -> memref<128xi32, #tpu.memory_space<vmem>>
      %dma_wait3A_203 = arith.constant 0 : i32
      %dma_wait3A_204 = arith.constant 0 : i32
      %dma_wait3A_205 = tpu.memref_slice %arg11[%dma_wait3A_203, %dma_wait3A_204] : memref<10240x64xf32, #tpu.memory_space<vmem_shared>> -> memref<10240x64xf32, #tpu.memory_space<vmem_shared>>
      tpu.wait_indirect_dma semaphore(%arg13 : memref<!tpu.dma_semaphore, #tpu.memory_space<semaphore_mem>>) src(%dma_wait3A_199 : memref<128x64xf32, #tpu.memory_space<vmem>>) dst(%dma_wait3A_205 : memref<10240x64xf32, #tpu.memory_space<vmem_shared>>)
      %dma_wait3A_206 = arith.constant 2 : i32
      %dma_wait3A_207 = arith.constant 0 : i32
      %dma_wait3A_208 = arith.constant 0 : i32
      %dma_wait3A_209 = tpu.memref_slice %arg9[%dma_wait3A_206, %dma_wait3A_207, %dma_wait3A_208] : memref<4x128x64xf32, #tpu.memory_space<vmem>> -> memref<1x128x64xf32, #tpu.memory_space<vmem>>
      %dma_wait3A_210 = tpu.memref_squeeze %dma_wait3A_209 : memref<1x128x64xf32, #tpu.memory_space<vmem>> -> memref<128x64xf32, #tpu.memory_space<vmem>>
      %dma_wait3A_211 = arith.constant 0 : i32
      %dma_wait3A_212 = tpu.memref_slice %arg8[%add3A_146, %dma_wait3A_211] : memref<160x128xi32, #tpu.memory_space<vmem>> -> memref<1x128xi32, #tpu.memory_space<vmem>>
      %dma_wait3A_213 = tpu.memref_squeeze %dma_wait3A_212 : memref<1x128xi32, #tpu.memory_space<vmem>> -> memref<128xi32, #tpu.memory_space<vmem>>
      %dma_wait3A_214 = arith.constant 0 : i32
      %dma_wait3A_215 = arith.constant 0 : i32
      %dma_wait3A_216 = tpu.memref_slice %arg11[%dma_wait3A_214, %dma_wait3A_215] : memref<10240x64xf32, #tpu.memory_space<vmem_shared>> -> memref<10240x64xf32, #tpu.memory_space<vmem_shared>>
      tpu.wait_indirect_dma semaphore(%arg13 : memref<!tpu.dma_semaphore, #tpu.memory_space<semaphore_mem>>) src(%dma_wait3A_210 : memref<128x64xf32, #tpu.memory_space<vmem>>) dst(%dma_wait3A_216 : memref<10240x64xf32, #tpu.memory_space<vmem_shared>>)
      %dma_wait3A_217 = arith.constant 3 : i32
      %dma_wait3A_218 = arith.constant 0 : i32
      %dma_wait3A_219 = arith.constant 0 : i32
      %dma_wait3A_220 = tpu.memref_slice %arg9[%dma_wait3A_217, %dma_wait3A_218, %dma_wait3A_219] : memref<4x128x64xf32, #tpu.memory_space<vmem>> -> memref<1x128x64xf32, #tpu.memory_space<vmem>>
      %dma_wait3A_221 = tpu.memref_squeeze %dma_wait3A_220 : memref<1x128x64xf32, #tpu.memory_space<vmem>> -> memref<128x64xf32, #tpu.memory_space<vmem>>
      %dma_wait3A_222 = arith.constant 0 : i32
      %dma_wait3A_223 = tpu.memref_slice %arg8[%add3A_172, %dma_wait3A_222] : memref<160x128xi32, #tpu.memory_space<vmem>> -> memref<1x128xi32, #tpu.memory_space<vmem>>
      %dma_wait3A_224 = tpu.memref_squeeze %dma_wait3A_223 : memref<1x128xi32, #tpu.memory_space<vmem>> -> memref<128xi32, #tpu.memory_space<vmem>>
      %dma_wait3A_225 = arith.constant 0 : i32
      %dma_wait3A_226 = arith.constant 0 : i32
      %dma_wait3A_227 = tpu.memref_slice %arg11[%dma_wait3A_225, %dma_wait3A_226] : memref<10240x64xf32, #tpu.memory_space<vmem_shared>> -> memref<10240x64xf32, #tpu.memory_space<vmem_shared>>
      tpu.wait_indirect_dma semaphore(%arg13 : memref<!tpu.dma_semaphore, #tpu.memory_space<semaphore_mem>>) src(%dma_wait3A_221 : memref<128x64xf32, #tpu.memory_space<vmem>>) dst(%dma_wait3A_227 : memref<10240x64xf32, #tpu.memory_space<vmem_shared>>)
    }
    %scan3A_13 = arith.constant 40 : i32
    %barrier3A_14 = arith.constant 0 : index
    tpu.barrier barrier_id(%barrier3A_14)
    %add3A_15 = arith.constant 0 : i32
    %add3A_16 = arith.addi %mul3A_0, %add3A_15 : i32
    "tpu.region"() ({
      %run_scoped3A = tpu.sem_alloc : memref<!tpu.dma_semaphore, #tpu.memory_space<semaphore_mem>>
      %dma_start3A = arith.constant 0 : i32
      %dma_start3A_25 = tpu.memref_slice %arg6[%arg0, %add3A_16, %dma_start3A] : memref<2x10240x64xf32, #tpu.memory_space<hbm>> -> memref<1x128x64xf32, #tpu.memory_space<hbm>>
      %dma_start3A_26 = tpu.memref_squeeze %dma_start3A_25 : memref<1x128x64xf32, #tpu.memory_space<hbm>> -> memref<128x64xf32, #tpu.memory_space<hbm>>
      %dma_start3A_27 = arith.constant 0 : i32
      %dma_start3A_28 = tpu.memref_slice %arg11[%add3A_16, %dma_start3A_27] : memref<10240x64xf32, #tpu.memory_space<vmem_shared>> -> memref<128x64xf32, #tpu.memory_space<vmem_shared>>
      tpu.enqueue_dma source(%dma_start3A_28 : memref<128x64xf32, #tpu.memory_space<vmem_shared>>) target(%dma_start3A_26 : memref<128x64xf32, #tpu.memory_space<hbm>>) target_semaphore(%run_scoped3A : memref<!tpu.dma_semaphore, #tpu.memory_space<semaphore_mem>>)
      %dma_wait3A = arith.constant 0 : i32
      %dma_wait3A_29 = tpu.memref_slice %arg6[%arg0, %add3A_16, %dma_wait3A] : memref<2x10240x64xf32, #tpu.memory_space<hbm>> -> memref<1x128x64xf32, #tpu.memory_space<hbm>>
      %dma_wait3A_30 = tpu.memref_squeeze %dma_wait3A_29 : memref<1x128x64xf32, #tpu.memory_space<hbm>> -> memref<128x64xf32, #tpu.memory_space<hbm>>
      %dma_wait3A_31 = arith.constant 0 : i32
      %dma_wait3A_32 = tpu.memref_slice %arg11[%add3A_16, %dma_wait3A_31] : memref<10240x64xf32, #tpu.memory_space<vmem_shared>> -> memref<128x64xf32, #tpu.memory_space<vmem_shared>>
      tpu.wait_dma2 semaphore(%run_scoped3A : memref<!tpu.dma_semaphore, #tpu.memory_space<semaphore_mem>>) src(%dma_wait3A_32 : memref<128x64xf32, #tpu.memory_space<vmem_shared>>) dst(%dma_wait3A_30 : memref<128x64xf32, #tpu.memory_space<hbm>>)
      tpu.yield
    }) : () -> ()
    %add3A_17 = arith.constant 128 : i32
    %add3A_18 = arith.addi %mul3A_0, %add3A_17 : i32
    "tpu.region"() ({
      %run_scoped3A = tpu.sem_alloc : memref<!tpu.dma_semaphore, #tpu.memory_space<semaphore_mem>>
      %dma_start3A = arith.constant 0 : i32
      %dma_start3A_25 = tpu.memref_slice %arg6[%arg0, %add3A_18, %dma_start3A] : memref<2x10240x64xf32, #tpu.memory_space<hbm>> -> memref<1x128x64xf32, #tpu.memory_space<hbm>>
      %dma_start3A_26 = tpu.memref_squeeze %dma_start3A_25 : memref<1x128x64xf32, #tpu.memory_space<hbm>> -> memref<128x64xf32, #tpu.memory_space<hbm>>
      %dma_start3A_27 = arith.constant 0 : i32
      %dma_start3A_28 = tpu.memref_slice %arg11[%add3A_18, %dma_start3A_27] : memref<10240x64xf32, #tpu.memory_space<vmem_shared>> -> memref<128x64xf32, #tpu.memory_space<vmem_shared>>
      tpu.enqueue_dma source(%dma_start3A_28 : memref<128x64xf32, #tpu.memory_space<vmem_shared>>) target(%dma_start3A_26 : memref<128x64xf32, #tpu.memory_space<hbm>>) target_semaphore(%run_scoped3A : memref<!tpu.dma_semaphore, #tpu.memory_space<semaphore_mem>>)
      %dma_wait3A = arith.constant 0 : i32
      %dma_wait3A_29 = tpu.memref_slice %arg6[%arg0, %add3A_18, %dma_wait3A] : memref<2x10240x64xf32, #tpu.memory_space<hbm>> -> memref<1x128x64xf32, #tpu.memory_space<hbm>>
      %dma_wait3A_30 = tpu.memref_squeeze %dma_wait3A_29 : memref<1x128x64xf32, #tpu.memory_space<hbm>> -> memref<128x64xf32, #tpu.memory_space<hbm>>
      %dma_wait3A_31 = arith.constant 0 : i32
      %dma_wait3A_32 = tpu.memref_slice %arg11[%add3A_18, %dma_wait3A_31] : memref<10240x64xf32, #tpu.memory_space<vmem_shared>> -> memref<128x64xf32, #tpu.memory_space<vmem_shared>>
      tpu.wait_dma2 semaphore(%run_scoped3A : memref<!tpu.dma_semaphore, #tpu.memory_space<semaphore_mem>>) src(%dma_wait3A_32 : memref<128x64xf32, #tpu.memory_space<vmem_shared>>) dst(%dma_wait3A_30 : memref<128x64xf32, #tpu.memory_space<hbm>>)
      tpu.yield
    }) : () -> ()
    %add3A_19 = arith.constant 256 : i32
    %add3A_20 = arith.addi %mul3A_0, %add3A_19 : i32
    "tpu.region"() ({
      %run_scoped3A = tpu.sem_alloc : memref<!tpu.dma_semaphore, #tpu.memory_space<semaphore_mem>>
      %dma_start3A = arith.constant 0 : i32
      %dma_start3A_25 = tpu.memref_slice %arg6[%arg0, %add3A_20, %dma_start3A] : memref<2x10240x64xf32, #tpu.memory_space<hbm>> -> memref<1x128x64xf32, #tpu.memory_space<hbm>>
      %dma_start3A_26 = tpu.memref_squeeze %dma_start3A_25 : memref<1x128x64xf32, #tpu.memory_space<hbm>> -> memref<128x64xf32, #tpu.memory_space<hbm>>
      %dma_start3A_27 = arith.constant 0 : i32
      %dma_start3A_28 = tpu.memref_slice %arg11[%add3A_20, %dma_start3A_27] : memref<10240x64xf32, #tpu.memory_space<vmem_shared>> -> memref<128x64xf32, #tpu.memory_space<vmem_shared>>
      tpu.enqueue_dma source(%dma_start3A_28 : memref<128x64xf32, #tpu.memory_space<vmem_shared>>) target(%dma_start3A_26 : memref<128x64xf32, #tpu.memory_space<hbm>>) target_semaphore(%run_scoped3A : memref<!tpu.dma_semaphore, #tpu.memory_space<semaphore_mem>>)
      %dma_wait3A = arith.constant 0 : i32
      %dma_wait3A_29 = tpu.memref_slice %arg6[%arg0, %add3A_20, %dma_wait3A] : memref<2x10240x64xf32, #tpu.memory_space<hbm>> -> memref<1x128x64xf32, #tpu.memory_space<hbm>>
      %dma_wait3A_30 = tpu.memref_squeeze %dma_wait3A_29 : memref<1x128x64xf32, #tpu.memory_space<hbm>> -> memref<128x64xf32, #tpu.memory_space<hbm>>
      %dma_wait3A_31 = arith.constant 0 : i32
      %dma_wait3A_32 = tpu.memref_slice %arg11[%add3A_20, %dma_wait3A_31] : memref<10240x64xf32, #tpu.memory_space<vmem_shared>> -> memref<128x64xf32, #tpu.memory_space<vmem_shared>>
      tpu.wait_dma2 semaphore(%run_scoped3A : memref<!tpu.dma_semaphore, #tpu.memory_space<semaphore_mem>>) src(%dma_wait3A_32 : memref<128x64xf32, #tpu.memory_space<vmem_shared>>) dst(%dma_wait3A_30 : memref<128x64xf32, #tpu.memory_space<hbm>>)
      tpu.yield
    }) : () -> ()
    %add3A_21 = arith.constant 384 : i32
    %add3A_22 = arith.addi %mul3A_0, %add3A_21 : i32
    "tpu.region"() ({
      %run_scoped3A = tpu.sem_alloc : memref<!tpu.dma_semaphore, #tpu.memory_space<semaphore_mem>>
      %dma_start3A = arith.constant 0 : i32
      %dma_start3A_25 = tpu.memref_slice %arg6[%arg0, %add3A_22, %dma_start3A] : memref<2x10240x64xf32, #tpu.memory_space<hbm>> -> memref<1x128x64xf32, #tpu.memory_space<hbm>>
      %dma_start3A_26 = tpu.memref_squeeze %dma_start3A_25 : memref<1x128x64xf32, #tpu.memory_space<hbm>> -> memref<128x64xf32, #tpu.memory_space<hbm>>
      %dma_start3A_27 = arith.constant 0 : i32
      %dma_start3A_28 = tpu.memref_slice %arg11[%add3A_22, %dma_start3A_27] : memref<10240x64xf32, #tpu.memory_space<vmem_shared>> -> memref<128x64xf32, #tpu.memory_space<vmem_shared>>
      tpu.enqueue_dma source(%dma_start3A_28 : memref<128x64xf32, #tpu.memory_space<vmem_shared>>) target(%dma_start3A_26 : memref<128x64xf32, #tpu.memory_space<hbm>>) target_semaphore(%run_scoped3A : memref<!tpu.dma_semaphore, #tpu.memory_space<semaphore_mem>>)
      %dma_wait3A = arith.constant 0 : i32
      %dma_wait3A_29 = tpu.memref_slice %arg6[%arg0, %add3A_22, %dma_wait3A] : memref<2x10240x64xf32, #tpu.memory_space<hbm>> -> memref<1x128x64xf32, #tpu.memory_space<hbm>>
      %dma_wait3A_30 = tpu.memref_squeeze %dma_wait3A_29 : memref<1x128x64xf32, #tpu.memory_space<hbm>> -> memref<128x64xf32, #tpu.memory_space<hbm>>
      %dma_wait3A_31 = arith.constant 0 : i32
      %dma_wait3A_32 = tpu.memref_slice %arg11[%add3A_22, %dma_wait3A_31] : memref<10240x64xf32, #tpu.memory_space<vmem_shared>> -> memref<128x64xf32, #tpu.memory_space<vmem_shared>>
      tpu.wait_dma2 semaphore(%run_scoped3A : memref<!tpu.dma_semaphore, #tpu.memory_space<semaphore_mem>>) src(%dma_wait3A_32 : memref<128x64xf32, #tpu.memory_space<vmem_shared>>) dst(%dma_wait3A_30 : memref<128x64xf32, #tpu.memory_space<hbm>>)
      tpu.yield
    }) : () -> ()
    %add3A_23 = arith.constant 512 : i32
    %add3A_24 = arith.addi %mul3A_0, %add3A_23 : i32
    "tpu.region"() ({
      %run_scoped3A = tpu.sem_alloc : memref<!tpu.dma_semaphore, #tpu.memory_space<semaphore_mem>>
      %dma_start3A = arith.constant 0 : i32
      %dma_start3A_25 = tpu.memref_slice %arg6[%arg0, %add3A_24, %dma_start3A] : memref<2x10240x64xf32, #tpu.memory_space<hbm>> -> memref<1x128x64xf32, #tpu.memory_space<hbm>>
      %dma_start3A_26 = tpu.memref_squeeze %dma_start3A_25 : memref<1x128x64xf32, #tpu.memory_space<hbm>> -> memref<128x64xf32, #tpu.memory_space<hbm>>
      %dma_start3A_27 = arith.constant 0 : i32
      %dma_start3A_28 = tpu.memref_slice %arg11[%add3A_24, %dma_start3A_27] : memref<10240x64xf32, #tpu.memory_space<vmem_shared>> -> memref<128x64xf32, #tpu.memory_space<vmem_shared>>
      tpu.enqueue_dma source(%dma_start3A_28 : memref<128x64xf32, #tpu.memory_space<vmem_shared>>) target(%dma_start3A_26 : memref<128x64xf32, #tpu.memory_space<hbm>>) target_semaphore(%run_scoped3A : memref<!tpu.dma_semaphore, #tpu.memory_space<semaphore_mem>>)
      %dma_wait3A = arith.constant 0 : i32
      %dma_wait3A_29 = tpu.memref_slice %arg6[%arg0, %add3A_24, %dma_wait3A] : memref<2x10240x64xf32, #tpu.memory_space<hbm>> -> memref<1x128x64xf32, #tpu.memory_space<hbm>>
      %dma_wait3A_30 = tpu.memref_squeeze %dma_wait3A_29 : memref<1x128x64xf32, #tpu.memory_space<hbm>> -> memref<128x64xf32, #tpu.memory_space<hbm>>
      %dma_wait3A_31 = arith.constant 0 : i32
      %dma_wait3A_32 = tpu.memref_slice %arg11[%add3A_24, %dma_wait3A_31] : memref<10240x64xf32, #tpu.memory_space<vmem_shared>> -> memref<128x64xf32, #tpu.memory_space<vmem_shared>>
      tpu.wait_dma2 semaphore(%run_scoped3A : memref<!tpu.dma_semaphore, #tpu.memory_space<semaphore_mem>>) src(%dma_wait3A_32 : memref<128x64xf32, #tpu.memory_space<vmem_shared>>) dst(%dma_wait3A_30 : memref<128x64xf32, #tpu.memory_space<hbm>>)
      tpu.yield
    }) : () -> ()
    return
  }
}

#map = affine_map<(d0, d1) -> (0, 0, 0)>
#map1 = affine_map<(d0, d1) -> (0, 0)>
module attributes {stable_mosaic.version = 14 : i64} {
  func.func @_sc_degree(%arg0: i32, %arg1: i32, %arg2: memref<32x80x128xi32, #tpu.memory_space<hbm>>, %arg3: memref<128x16xf32, #tpu.memory_space<hbm>>, %arg4: memref<128x16xf32, #tpu.memory_space<hbm>>, %arg5: memref<2x10240x16xf32, #tpu.memory_space<hbm>>, %arg6: memref<80x128xi32, #tpu.memory_space<vmem>>, %arg7: memref<128x16xf32, #tpu.memory_space<vmem>>, %arg8: memref<128x16xf32, #tpu.memory_space<vmem>>, %arg9: memref<10240x16xf32, #tpu.memory_space<vmem_shared>>, %arg10: memref<!tpu.dma_semaphore, #tpu.memory_space<semaphore_mem>>) attributes {dimension_semantics = [#tpu.dimension_semantics<core_parallel>, #tpu.dimension_semantics<subcore_parallel>], iteration_bounds = array<i64: 2, 16>, scalar_prefetch = 0 : i64, scratch_operands = 5 : i64, tpu.core_type = #tpu.core_type<sc_vector_subcore>, window_params = [{transform_indices = #map}, {transform_indices = #map1}, {transform_indices = #map1}, {transform_indices = #map}]} {
    %mul3A = arith.constant 16 : i32
    %mul3A_0 = arith.muli %arg0, %mul3A : i32
    %add3A = arith.addi %mul3A_0, %arg1 : i32
    "tpu.region"() ({
      %run_scoped3A = tpu.sem_alloc : memref<!tpu.dma_semaphore, #tpu.memory_space<semaphore_mem>>
      %dma_start3A = arith.constant 0 : i32
      %dma_start3A_28 = arith.constant 0 : i32
      %dma_start3A_29 = tpu.memref_slice %arg2[%add3A, %dma_start3A, %dma_start3A_28] : memref<32x80x128xi32, #tpu.memory_space<hbm>> -> memref<1x80x128xi32, #tpu.memory_space<hbm>>
      %dma_start3A_30 = tpu.memref_squeeze %dma_start3A_29 : memref<1x80x128xi32, #tpu.memory_space<hbm>> -> memref<80x128xi32, #tpu.memory_space<hbm>>
      %dma_start3A_31 = arith.constant 0 : i32
      %dma_start3A_32 = arith.constant 0 : i32
      %dma_start3A_33 = tpu.memref_slice %arg2[%add3A, %dma_start3A_31, %dma_start3A_32] : memref<32x80x128xi32, #tpu.memory_space<hbm>> -> memref<1x80x128xi32, #tpu.memory_space<hbm>>
      %dma_start3A_34 = tpu.memref_squeeze %dma_start3A_33 : memref<1x80x128xi32, #tpu.memory_space<hbm>> -> memref<80x128xi32, #tpu.memory_space<hbm>>
      tpu.enqueue_dma source(%dma_start3A_34 : memref<80x128xi32, #tpu.memory_space<hbm>>) target(%arg6 : memref<80x128xi32, #tpu.memory_space<vmem>>) target_semaphore(%run_scoped3A : memref<!tpu.dma_semaphore, #tpu.memory_space<semaphore_mem>>)
      %dma_wait3A = arith.constant 0 : i32
      %dma_wait3A_35 = arith.constant 0 : i32
      %dma_wait3A_36 = tpu.memref_slice %arg2[%add3A, %dma_wait3A, %dma_wait3A_35] : memref<32x80x128xi32, #tpu.memory_space<hbm>> -> memref<1x80x128xi32, #tpu.memory_space<hbm>>
      %dma_wait3A_37 = tpu.memref_squeeze %dma_wait3A_36 : memref<1x80x128xi32, #tpu.memory_space<hbm>> -> memref<80x128xi32, #tpu.memory_space<hbm>>
      %dma_wait3A_38 = arith.constant 0 : i32
      %dma_wait3A_39 = arith.constant 0 : i32
      %dma_wait3A_40 = tpu.memref_slice %arg2[%add3A, %dma_wait3A_38, %dma_wait3A_39] : memref<32x80x128xi32, #tpu.memory_space<hbm>> -> memref<1x80x128xi32, #tpu.memory_space<hbm>>
      %dma_wait3A_41 = tpu.memref_squeeze %dma_wait3A_40 : memref<1x80x128xi32, #tpu.memory_space<hbm>> -> memref<80x128xi32, #tpu.memory_space<hbm>>
      tpu.wait_dma2 semaphore(%run_scoped3A : memref<!tpu.dma_semaphore, #tpu.memory_space<semaphore_mem>>) src(%dma_wait3A_41 : memref<80x128xi32, #tpu.memory_space<hbm>>) dst(%arg6 : memref<80x128xi32, #tpu.memory_space<vmem>>)
      tpu.yield
    }) : () -> ()
    "tpu.region"() ({
      %run_scoped3A = tpu.sem_alloc : memref<!tpu.dma_semaphore, #tpu.memory_space<semaphore_mem>>
      tpu.enqueue_dma source(%arg3 : memref<128x16xf32, #tpu.memory_space<hbm>>) target(%arg7 : memref<128x16xf32, #tpu.memory_space<vmem>>) target_semaphore(%run_scoped3A : memref<!tpu.dma_semaphore, #tpu.memory_space<semaphore_mem>>)
      tpu.wait_dma2 semaphore(%run_scoped3A : memref<!tpu.dma_semaphore, #tpu.memory_space<semaphore_mem>>) src(%arg3 : memref<128x16xf32, #tpu.memory_space<hbm>>) dst(%arg7 : memref<128x16xf32, #tpu.memory_space<vmem>>)
      tpu.yield
    }) : () -> ()
    "tpu.region"() ({
      %run_scoped3A = tpu.sem_alloc : memref<!tpu.dma_semaphore, #tpu.memory_space<semaphore_mem>>
      tpu.enqueue_dma source(%arg4 : memref<128x16xf32, #tpu.memory_space<hbm>>) target(%arg8 : memref<128x16xf32, #tpu.memory_space<vmem>>) target_semaphore(%run_scoped3A : memref<!tpu.dma_semaphore, #tpu.memory_space<semaphore_mem>>)
      tpu.wait_dma2 semaphore(%run_scoped3A : memref<!tpu.dma_semaphore, #tpu.memory_space<semaphore_mem>>) src(%arg4 : memref<128x16xf32, #tpu.memory_space<hbm>>) dst(%arg8 : memref<128x16xf32, #tpu.memory_space<vmem>>)
      tpu.yield
    }) : () -> ()
    %mul3A_1 = arith.constant 640 : i32
    %mul3A_2 = arith.muli %arg1, %mul3A_1 : i32
    %add3A_3 = arith.constant 0 : i32
    %add3A_4 = arith.addi %mul3A_2, %add3A_3 : i32
    "tpu.region"() ({
      %run_scoped3A = tpu.sem_alloc : memref<!tpu.dma_semaphore, #tpu.memory_space<semaphore_mem>>
      %dma_start3A = arith.constant 0 : i32
      %dma_start3A_28 = tpu.memref_slice %arg9[%add3A_4, %dma_start3A] : memref<10240x16xf32, #tpu.memory_space<vmem_shared>> -> memref<128x16xf32, #tpu.memory_space<vmem_shared>>
      %dma_start3A_29 = arith.constant 0 : i32
      %dma_start3A_30 = tpu.memref_slice %arg9[%add3A_4, %dma_start3A_29] : memref<10240x16xf32, #tpu.memory_space<vmem_shared>> -> memref<128x16xf32, #tpu.memory_space<vmem_shared>>
      tpu.enqueue_dma source(%arg8 : memref<128x16xf32, #tpu.memory_space<vmem>>) target(%dma_start3A_30 : memref<128x16xf32, #tpu.memory_space<vmem_shared>>) target_semaphore(%run_scoped3A : memref<!tpu.dma_semaphore, #tpu.memory_space<semaphore_mem>>)
      %dma_wait3A = arith.constant 0 : i32
      %dma_wait3A_31 = tpu.memref_slice %arg9[%add3A_4, %dma_wait3A] : memref<10240x16xf32, #tpu.memory_space<vmem_shared>> -> memref<128x16xf32, #tpu.memory_space<vmem_shared>>
      %dma_wait3A_32 = arith.constant 0 : i32
      %dma_wait3A_33 = tpu.memref_slice %arg9[%add3A_4, %dma_wait3A_32] : memref<10240x16xf32, #tpu.memory_space<vmem_shared>> -> memref<128x16xf32, #tpu.memory_space<vmem_shared>>
      tpu.wait_dma2 semaphore(%run_scoped3A : memref<!tpu.dma_semaphore, #tpu.memory_space<semaphore_mem>>) src(%arg8 : memref<128x16xf32, #tpu.memory_space<vmem>>) dst(%dma_wait3A_33 : memref<128x16xf32, #tpu.memory_space<vmem_shared>>)
      tpu.yield
    }) : () -> ()
    %add3A_5 = arith.constant 128 : i32
    %add3A_6 = arith.addi %mul3A_2, %add3A_5 : i32
    "tpu.region"() ({
      %run_scoped3A = tpu.sem_alloc : memref<!tpu.dma_semaphore, #tpu.memory_space<semaphore_mem>>
      %dma_start3A = arith.constant 0 : i32
      %dma_start3A_28 = tpu.memref_slice %arg9[%add3A_6, %dma_start3A] : memref<10240x16xf32, #tpu.memory_space<vmem_shared>> -> memref<128x16xf32, #tpu.memory_space<vmem_shared>>
      %dma_start3A_29 = arith.constant 0 : i32
      %dma_start3A_30 = tpu.memref_slice %arg9[%add3A_6, %dma_start3A_29] : memref<10240x16xf32, #tpu.memory_space<vmem_shared>> -> memref<128x16xf32, #tpu.memory_space<vmem_shared>>
      tpu.enqueue_dma source(%arg8 : memref<128x16xf32, #tpu.memory_space<vmem>>) target(%dma_start3A_30 : memref<128x16xf32, #tpu.memory_space<vmem_shared>>) target_semaphore(%run_scoped3A : memref<!tpu.dma_semaphore, #tpu.memory_space<semaphore_mem>>)
      %dma_wait3A = arith.constant 0 : i32
      %dma_wait3A_31 = tpu.memref_slice %arg9[%add3A_6, %dma_wait3A] : memref<10240x16xf32, #tpu.memory_space<vmem_shared>> -> memref<128x16xf32, #tpu.memory_space<vmem_shared>>
      %dma_wait3A_32 = arith.constant 0 : i32
      %dma_wait3A_33 = tpu.memref_slice %arg9[%add3A_6, %dma_wait3A_32] : memref<10240x16xf32, #tpu.memory_space<vmem_shared>> -> memref<128x16xf32, #tpu.memory_space<vmem_shared>>
      tpu.wait_dma2 semaphore(%run_scoped3A : memref<!tpu.dma_semaphore, #tpu.memory_space<semaphore_mem>>) src(%arg8 : memref<128x16xf32, #tpu.memory_space<vmem>>) dst(%dma_wait3A_33 : memref<128x16xf32, #tpu.memory_space<vmem_shared>>)
      tpu.yield
    }) : () -> ()
    %add3A_7 = arith.constant 256 : i32
    %add3A_8 = arith.addi %mul3A_2, %add3A_7 : i32
    "tpu.region"() ({
      %run_scoped3A = tpu.sem_alloc : memref<!tpu.dma_semaphore, #tpu.memory_space<semaphore_mem>>
      %dma_start3A = arith.constant 0 : i32
      %dma_start3A_28 = tpu.memref_slice %arg9[%add3A_8, %dma_start3A] : memref<10240x16xf32, #tpu.memory_space<vmem_shared>> -> memref<128x16xf32, #tpu.memory_space<vmem_shared>>
      %dma_start3A_29 = arith.constant 0 : i32
      %dma_start3A_30 = tpu.memref_slice %arg9[%add3A_8, %dma_start3A_29] : memref<10240x16xf32, #tpu.memory_space<vmem_shared>> -> memref<128x16xf32, #tpu.memory_space<vmem_shared>>
      tpu.enqueue_dma source(%arg8 : memref<128x16xf32, #tpu.memory_space<vmem>>) target(%dma_start3A_30 : memref<128x16xf32, #tpu.memory_space<vmem_shared>>) target_semaphore(%run_scoped3A : memref<!tpu.dma_semaphore, #tpu.memory_space<semaphore_mem>>)
      %dma_wait3A = arith.constant 0 : i32
      %dma_wait3A_31 = tpu.memref_slice %arg9[%add3A_8, %dma_wait3A] : memref<10240x16xf32, #tpu.memory_space<vmem_shared>> -> memref<128x16xf32, #tpu.memory_space<vmem_shared>>
      %dma_wait3A_32 = arith.constant 0 : i32
      %dma_wait3A_33 = tpu.memref_slice %arg9[%add3A_8, %dma_wait3A_32] : memref<10240x16xf32, #tpu.memory_space<vmem_shared>> -> memref<128x16xf32, #tpu.memory_space<vmem_shared>>
      tpu.wait_dma2 semaphore(%run_scoped3A : memref<!tpu.dma_semaphore, #tpu.memory_space<semaphore_mem>>) src(%arg8 : memref<128x16xf32, #tpu.memory_space<vmem>>) dst(%dma_wait3A_33 : memref<128x16xf32, #tpu.memory_space<vmem_shared>>)
      tpu.yield
    }) : () -> ()
    %add3A_9 = arith.constant 384 : i32
    %add3A_10 = arith.addi %mul3A_2, %add3A_9 : i32
    "tpu.region"() ({
      %run_scoped3A = tpu.sem_alloc : memref<!tpu.dma_semaphore, #tpu.memory_space<semaphore_mem>>
      %dma_start3A = arith.constant 0 : i32
      %dma_start3A_28 = tpu.memref_slice %arg9[%add3A_10, %dma_start3A] : memref<10240x16xf32, #tpu.memory_space<vmem_shared>> -> memref<128x16xf32, #tpu.memory_space<vmem_shared>>
      %dma_start3A_29 = arith.constant 0 : i32
      %dma_start3A_30 = tpu.memref_slice %arg9[%add3A_10, %dma_start3A_29] : memref<10240x16xf32, #tpu.memory_space<vmem_shared>> -> memref<128x16xf32, #tpu.memory_space<vmem_shared>>
      tpu.enqueue_dma source(%arg8 : memref<128x16xf32, #tpu.memory_space<vmem>>) target(%dma_start3A_30 : memref<128x16xf32, #tpu.memory_space<vmem_shared>>) target_semaphore(%run_scoped3A : memref<!tpu.dma_semaphore, #tpu.memory_space<semaphore_mem>>)
      %dma_wait3A = arith.constant 0 : i32
      %dma_wait3A_31 = tpu.memref_slice %arg9[%add3A_10, %dma_wait3A] : memref<10240x16xf32, #tpu.memory_space<vmem_shared>> -> memref<128x16xf32, #tpu.memory_space<vmem_shared>>
      %dma_wait3A_32 = arith.constant 0 : i32
      %dma_wait3A_33 = tpu.memref_slice %arg9[%add3A_10, %dma_wait3A_32] : memref<10240x16xf32, #tpu.memory_space<vmem_shared>> -> memref<128x16xf32, #tpu.memory_space<vmem_shared>>
      tpu.wait_dma2 semaphore(%run_scoped3A : memref<!tpu.dma_semaphore, #tpu.memory_space<semaphore_mem>>) src(%arg8 : memref<128x16xf32, #tpu.memory_space<vmem>>) dst(%dma_wait3A_33 : memref<128x16xf32, #tpu.memory_space<vmem_shared>>)
      tpu.yield
    }) : () -> ()
    %add3A_11 = arith.constant 512 : i32
    %add3A_12 = arith.addi %mul3A_2, %add3A_11 : i32
    "tpu.region"() ({
      %run_scoped3A = tpu.sem_alloc : memref<!tpu.dma_semaphore, #tpu.memory_space<semaphore_mem>>
      %dma_start3A = arith.constant 0 : i32
      %dma_start3A_28 = tpu.memref_slice %arg9[%add3A_12, %dma_start3A] : memref<10240x16xf32, #tpu.memory_space<vmem_shared>> -> memref<128x16xf32, #tpu.memory_space<vmem_shared>>
      %dma_start3A_29 = arith.constant 0 : i32
      %dma_start3A_30 = tpu.memref_slice %arg9[%add3A_12, %dma_start3A_29] : memref<10240x16xf32, #tpu.memory_space<vmem_shared>> -> memref<128x16xf32, #tpu.memory_space<vmem_shared>>
      tpu.enqueue_dma source(%arg8 : memref<128x16xf32, #tpu.memory_space<vmem>>) target(%dma_start3A_30 : memref<128x16xf32, #tpu.memory_space<vmem_shared>>) target_semaphore(%run_scoped3A : memref<!tpu.dma_semaphore, #tpu.memory_space<semaphore_mem>>)
      %dma_wait3A = arith.constant 0 : i32
      %dma_wait3A_31 = tpu.memref_slice %arg9[%add3A_12, %dma_wait3A] : memref<10240x16xf32, #tpu.memory_space<vmem_shared>> -> memref<128x16xf32, #tpu.memory_space<vmem_shared>>
      %dma_wait3A_32 = arith.constant 0 : i32
      %dma_wait3A_33 = tpu.memref_slice %arg9[%add3A_12, %dma_wait3A_32] : memref<10240x16xf32, #tpu.memory_space<vmem_shared>> -> memref<128x16xf32, #tpu.memory_space<vmem_shared>>
      tpu.wait_dma2 semaphore(%run_scoped3A : memref<!tpu.dma_semaphore, #tpu.memory_space<semaphore_mem>>) src(%arg8 : memref<128x16xf32, #tpu.memory_space<vmem>>) dst(%dma_wait3A_33 : memref<128x16xf32, #tpu.memory_space<vmem_shared>>)
      tpu.yield
    }) : () -> ()
    %barrier3A = arith.constant 0 : index
    tpu.barrier barrier_id(%barrier3A)
    %scan3A = arith.constant 0 : i32
    %scan3A_13 = arith.constant 20 : i32
    %scan3A_14 = arith.addi %scan3A, %scan3A_13 : i32
    %scan3A_15 = arith.constant 1 : i32
    scf.for %scan3A_28 = %scan3A to %scan3A_14 step %scan3A_15  : i32 {
      %mul3A_29 = arith.constant 4 : i32
      %mul3A_30 = arith.muli %scan3A_28, %mul3A_29 : i32
      %add3A_31 = arith.constant 0 : i32
      %add3A_32 = arith.addi %add3A_31, %mul3A_30 : i32
      %add3A_33 = arith.constant 0 : i32
      %add3A_34 = arith.addi %add3A_32, %add3A_33 : i32
      %dma_start3A = arith.constant 0 : i32
      %dma_start3A_35 = tpu.memref_slice %arg6[%add3A_34, %dma_start3A] : memref<80x128xi32, #tpu.memory_space<vmem>> -> memref<1x128xi32, #tpu.memory_space<vmem>>
      %dma_start3A_36 = tpu.memref_squeeze %dma_start3A_35 : memref<1x128xi32, #tpu.memory_space<vmem>> -> memref<128xi32, #tpu.memory_space<vmem>>
      %dma_start3A_37 = arith.constant 0 : i32
      %dma_start3A_38 = arith.constant 0 : i32
      %dma_start3A_39 = tpu.memref_slice %arg9[%dma_start3A_37, %dma_start3A_38] : memref<10240x16xf32, #tpu.memory_space<vmem_shared>> -> memref<10240x16xf32, #tpu.memory_space<vmem_shared>>
      tpu.enqueue_indirect_dma source(%arg7 : memref<128x16xf32, #tpu.memory_space<vmem>>) target(%dma_start3A_39 : memref<10240x16xf32, #tpu.memory_space<vmem_shared>>) offsets(%dma_start3A_36 : memref<128xi32, #tpu.memory_space<vmem>>) semaphore(%arg10 : memref<!tpu.dma_semaphore, #tpu.memory_space<semaphore_mem>>) {add = true}
      %add3A_40 = arith.constant 1 : i32
      %add3A_41 = arith.addi %add3A_32, %add3A_40 : i32
      %dma_start3A_42 = arith.constant 0 : i32
      %dma_start3A_43 = tpu.memref_slice %arg6[%add3A_41, %dma_start3A_42] : memref<80x128xi32, #tpu.memory_space<vmem>> -> memref<1x128xi32, #tpu.memory_space<vmem>>
      %dma_start3A_44 = tpu.memref_squeeze %dma_start3A_43 : memref<1x128xi32, #tpu.memory_space<vmem>> -> memref<128xi32, #tpu.memory_space<vmem>>
      %dma_start3A_45 = arith.constant 0 : i32
      %dma_start3A_46 = arith.constant 0 : i32
      %dma_start3A_47 = tpu.memref_slice %arg9[%dma_start3A_45, %dma_start3A_46] : memref<10240x16xf32, #tpu.memory_space<vmem_shared>> -> memref<10240x16xf32, #tpu.memory_space<vmem_shared>>
      tpu.enqueue_indirect_dma source(%arg7 : memref<128x16xf32, #tpu.memory_space<vmem>>) target(%dma_start3A_47 : memref<10240x16xf32, #tpu.memory_space<vmem_shared>>) offsets(%dma_start3A_44 : memref<128xi32, #tpu.memory_space<vmem>>) semaphore(%arg10 : memref<!tpu.dma_semaphore, #tpu.memory_space<semaphore_mem>>) {add = true}
      %add3A_48 = arith.constant 2 : i32
      %add3A_49 = arith.addi %add3A_32, %add3A_48 : i32
      %dma_start3A_50 = arith.constant 0 : i32
      %dma_start3A_51 = tpu.memref_slice %arg6[%add3A_49, %dma_start3A_50] : memref<80x128xi32, #tpu.memory_space<vmem>> -> memref<1x128xi32, #tpu.memory_space<vmem>>
      %dma_start3A_52 = tpu.memref_squeeze %dma_start3A_51 : memref<1x128xi32, #tpu.memory_space<vmem>> -> memref<128xi32, #tpu.memory_space<vmem>>
      %dma_start3A_53 = arith.constant 0 : i32
      %dma_start3A_54 = arith.constant 0 : i32
      %dma_start3A_55 = tpu.memref_slice %arg9[%dma_start3A_53, %dma_start3A_54] : memref<10240x16xf32, #tpu.memory_space<vmem_shared>> -> memref<10240x16xf32, #tpu.memory_space<vmem_shared>>
      tpu.enqueue_indirect_dma source(%arg7 : memref<128x16xf32, #tpu.memory_space<vmem>>) target(%dma_start3A_55 : memref<10240x16xf32, #tpu.memory_space<vmem_shared>>) offsets(%dma_start3A_52 : memref<128xi32, #tpu.memory_space<vmem>>) semaphore(%arg10 : memref<!tpu.dma_semaphore, #tpu.memory_space<semaphore_mem>>) {add = true}
      %add3A_56 = arith.constant 3 : i32
      %add3A_57 = arith.addi %add3A_32, %add3A_56 : i32
      %dma_start3A_58 = arith.constant 0 : i32
      %dma_start3A_59 = tpu.memref_slice %arg6[%add3A_57, %dma_start3A_58] : memref<80x128xi32, #tpu.memory_space<vmem>> -> memref<1x128xi32, #tpu.memory_space<vmem>>
      %dma_start3A_60 = tpu.memref_squeeze %dma_start3A_59 : memref<1x128xi32, #tpu.memory_space<vmem>> -> memref<128xi32, #tpu.memory_space<vmem>>
      %dma_start3A_61 = arith.constant 0 : i32
      %dma_start3A_62 = arith.constant 0 : i32
      %dma_start3A_63 = tpu.memref_slice %arg9[%dma_start3A_61, %dma_start3A_62] : memref<10240x16xf32, #tpu.memory_space<vmem_shared>> -> memref<10240x16xf32, #tpu.memory_space<vmem_shared>>
      tpu.enqueue_indirect_dma source(%arg7 : memref<128x16xf32, #tpu.memory_space<vmem>>) target(%dma_start3A_63 : memref<10240x16xf32, #tpu.memory_space<vmem_shared>>) offsets(%dma_start3A_60 : memref<128xi32, #tpu.memory_space<vmem>>) semaphore(%arg10 : memref<!tpu.dma_semaphore, #tpu.memory_space<semaphore_mem>>) {add = true}
      %dma_wait3A = arith.constant 0 : i32
      %dma_wait3A_64 = tpu.memref_slice %arg6[%add3A_34, %dma_wait3A] : memref<80x128xi32, #tpu.memory_space<vmem>> -> memref<1x128xi32, #tpu.memory_space<vmem>>
      %dma_wait3A_65 = tpu.memref_squeeze %dma_wait3A_64 : memref<1x128xi32, #tpu.memory_space<vmem>> -> memref<128xi32, #tpu.memory_space<vmem>>
      %dma_wait3A_66 = arith.constant 0 : i32
      %dma_wait3A_67 = arith.constant 0 : i32
      %dma_wait3A_68 = tpu.memref_slice %arg9[%dma_wait3A_66, %dma_wait3A_67] : memref<10240x16xf32, #tpu.memory_space<vmem_shared>> -> memref<10240x16xf32, #tpu.memory_space<vmem_shared>>
      tpu.wait_indirect_dma semaphore(%arg10 : memref<!tpu.dma_semaphore, #tpu.memory_space<semaphore_mem>>) src(%arg7 : memref<128x16xf32, #tpu.memory_space<vmem>>) dst(%dma_wait3A_68 : memref<10240x16xf32, #tpu.memory_space<vmem_shared>>)
      %dma_wait3A_69 = arith.constant 0 : i32
      %dma_wait3A_70 = tpu.memref_slice %arg6[%add3A_41, %dma_wait3A_69] : memref<80x128xi32, #tpu.memory_space<vmem>> -> memref<1x128xi32, #tpu.memory_space<vmem>>
      %dma_wait3A_71 = tpu.memref_squeeze %dma_wait3A_70 : memref<1x128xi32, #tpu.memory_space<vmem>> -> memref<128xi32, #tpu.memory_space<vmem>>
      %dma_wait3A_72 = arith.constant 0 : i32
      %dma_wait3A_73 = arith.constant 0 : i32
      %dma_wait3A_74 = tpu.memref_slice %arg9[%dma_wait3A_72, %dma_wait3A_73] : memref<10240x16xf32, #tpu.memory_space<vmem_shared>> -> memref<10240x16xf32, #tpu.memory_space<vmem_shared>>
      tpu.wait_indirect_dma semaphore(%arg10 : memref<!tpu.dma_semaphore, #tpu.memory_space<semaphore_mem>>) src(%arg7 : memref<128x16xf32, #tpu.memory_space<vmem>>) dst(%dma_wait3A_74 : memref<10240x16xf32, #tpu.memory_space<vmem_shared>>)
      %dma_wait3A_75 = arith.constant 0 : i32
      %dma_wait3A_76 = tpu.memref_slice %arg6[%add3A_49, %dma_wait3A_75] : memref<80x128xi32, #tpu.memory_space<vmem>> -> memref<1x128xi32, #tpu.memory_space<vmem>>
      %dma_wait3A_77 = tpu.memref_squeeze %dma_wait3A_76 : memref<1x128xi32, #tpu.memory_space<vmem>> -> memref<128xi32, #tpu.memory_space<vmem>>
      %dma_wait3A_78 = arith.constant 0 : i32
      %dma_wait3A_79 = arith.constant 0 : i32
      %dma_wait3A_80 = tpu.memref_slice %arg9[%dma_wait3A_78, %dma_wait3A_79] : memref<10240x16xf32, #tpu.memory_space<vmem_shared>> -> memref<10240x16xf32, #tpu.memory_space<vmem_shared>>
      tpu.wait_indirect_dma semaphore(%arg10 : memref<!tpu.dma_semaphore, #tpu.memory_space<semaphore_mem>>) src(%arg7 : memref<128x16xf32, #tpu.memory_space<vmem>>) dst(%dma_wait3A_80 : memref<10240x16xf32, #tpu.memory_space<vmem_shared>>)
      %dma_wait3A_81 = arith.constant 0 : i32
      %dma_wait3A_82 = tpu.memref_slice %arg6[%add3A_57, %dma_wait3A_81] : memref<80x128xi32, #tpu.memory_space<vmem>> -> memref<1x128xi32, #tpu.memory_space<vmem>>
      %dma_wait3A_83 = tpu.memref_squeeze %dma_wait3A_82 : memref<1x128xi32, #tpu.memory_space<vmem>> -> memref<128xi32, #tpu.memory_space<vmem>>
      %dma_wait3A_84 = arith.constant 0 : i32
      %dma_wait3A_85 = arith.constant 0 : i32
      %dma_wait3A_86 = tpu.memref_slice %arg9[%dma_wait3A_84, %dma_wait3A_85] : memref<10240x16xf32, #tpu.memory_space<vmem_shared>> -> memref<10240x16xf32, #tpu.memory_space<vmem_shared>>
      tpu.wait_indirect_dma semaphore(%arg10 : memref<!tpu.dma_semaphore, #tpu.memory_space<semaphore_mem>>) src(%arg7 : memref<128x16xf32, #tpu.memory_space<vmem>>) dst(%dma_wait3A_86 : memref<10240x16xf32, #tpu.memory_space<vmem_shared>>)
    }
    %scan3A_16 = arith.constant 20 : i32
    %barrier3A_17 = arith.constant 0 : index
    tpu.barrier barrier_id(%barrier3A_17)
    %add3A_18 = arith.constant 0 : i32
    %add3A_19 = arith.addi %mul3A_2, %add3A_18 : i32
    "tpu.region"() ({
      %run_scoped3A = tpu.sem_alloc : memref<!tpu.dma_semaphore, #tpu.memory_space<semaphore_mem>>
      %dma_start3A = arith.constant 0 : i32
      %dma_start3A_28 = tpu.memref_slice %arg5[%arg0, %add3A_19, %dma_start3A] : memref<2x10240x16xf32, #tpu.memory_space<hbm>> -> memref<1x128x16xf32, #tpu.memory_space<hbm>>
      %dma_start3A_29 = tpu.memref_squeeze %dma_start3A_28 : memref<1x128x16xf32, #tpu.memory_space<hbm>> -> memref<128x16xf32, #tpu.memory_space<hbm>>
      %dma_start3A_30 = arith.constant 0 : i32
      %dma_start3A_31 = tpu.memref_slice %arg9[%add3A_19, %dma_start3A_30] : memref<10240x16xf32, #tpu.memory_space<vmem_shared>> -> memref<128x16xf32, #tpu.memory_space<vmem_shared>>
      tpu.enqueue_dma source(%dma_start3A_31 : memref<128x16xf32, #tpu.memory_space<vmem_shared>>) target(%dma_start3A_29 : memref<128x16xf32, #tpu.memory_space<hbm>>) target_semaphore(%run_scoped3A : memref<!tpu.dma_semaphore, #tpu.memory_space<semaphore_mem>>)
      %dma_wait3A = arith.constant 0 : i32
      %dma_wait3A_32 = tpu.memref_slice %arg5[%arg0, %add3A_19, %dma_wait3A] : memref<2x10240x16xf32, #tpu.memory_space<hbm>> -> memref<1x128x16xf32, #tpu.memory_space<hbm>>
      %dma_wait3A_33 = tpu.memref_squeeze %dma_wait3A_32 : memref<1x128x16xf32, #tpu.memory_space<hbm>> -> memref<128x16xf32, #tpu.memory_space<hbm>>
      %dma_wait3A_34 = arith.constant 0 : i32
      %dma_wait3A_35 = tpu.memref_slice %arg9[%add3A_19, %dma_wait3A_34] : memref<10240x16xf32, #tpu.memory_space<vmem_shared>> -> memref<128x16xf32, #tpu.memory_space<vmem_shared>>
      tpu.wait_dma2 semaphore(%run_scoped3A : memref<!tpu.dma_semaphore, #tpu.memory_space<semaphore_mem>>) src(%dma_wait3A_35 : memref<128x16xf32, #tpu.memory_space<vmem_shared>>) dst(%dma_wait3A_33 : memref<128x16xf32, #tpu.memory_space<hbm>>)
      tpu.yield
    }) : () -> ()
    %add3A_20 = arith.constant 128 : i32
    %add3A_21 = arith.addi %mul3A_2, %add3A_20 : i32
    "tpu.region"() ({
      %run_scoped3A = tpu.sem_alloc : memref<!tpu.dma_semaphore, #tpu.memory_space<semaphore_mem>>
      %dma_start3A = arith.constant 0 : i32
      %dma_start3A_28 = tpu.memref_slice %arg5[%arg0, %add3A_21, %dma_start3A] : memref<2x10240x16xf32, #tpu.memory_space<hbm>> -> memref<1x128x16xf32, #tpu.memory_space<hbm>>
      %dma_start3A_29 = tpu.memref_squeeze %dma_start3A_28 : memref<1x128x16xf32, #tpu.memory_space<hbm>> -> memref<128x16xf32, #tpu.memory_space<hbm>>
      %dma_start3A_30 = arith.constant 0 : i32
      %dma_start3A_31 = tpu.memref_slice %arg9[%add3A_21, %dma_start3A_30] : memref<10240x16xf32, #tpu.memory_space<vmem_shared>> -> memref<128x16xf32, #tpu.memory_space<vmem_shared>>
      tpu.enqueue_dma source(%dma_start3A_31 : memref<128x16xf32, #tpu.memory_space<vmem_shared>>) target(%dma_start3A_29 : memref<128x16xf32, #tpu.memory_space<hbm>>) target_semaphore(%run_scoped3A : memref<!tpu.dma_semaphore, #tpu.memory_space<semaphore_mem>>)
      %dma_wait3A = arith.constant 0 : i32
      %dma_wait3A_32 = tpu.memref_slice %arg5[%arg0, %add3A_21, %dma_wait3A] : memref<2x10240x16xf32, #tpu.memory_space<hbm>> -> memref<1x128x16xf32, #tpu.memory_space<hbm>>
      %dma_wait3A_33 = tpu.memref_squeeze %dma_wait3A_32 : memref<1x128x16xf32, #tpu.memory_space<hbm>> -> memref<128x16xf32, #tpu.memory_space<hbm>>
      %dma_wait3A_34 = arith.constant 0 : i32
      %dma_wait3A_35 = tpu.memref_slice %arg9[%add3A_21, %dma_wait3A_34] : memref<10240x16xf32, #tpu.memory_space<vmem_shared>> -> memref<128x16xf32, #tpu.memory_space<vmem_shared>>
      tpu.wait_dma2 semaphore(%run_scoped3A : memref<!tpu.dma_semaphore, #tpu.memory_space<semaphore_mem>>) src(%dma_wait3A_35 : memref<128x16xf32, #tpu.memory_space<vmem_shared>>) dst(%dma_wait3A_33 : memref<128x16xf32, #tpu.memory_space<hbm>>)
      tpu.yield
    }) : () -> ()
    %add3A_22 = arith.constant 256 : i32
    %add3A_23 = arith.addi %mul3A_2, %add3A_22 : i32
    "tpu.region"() ({
      %run_scoped3A = tpu.sem_alloc : memref<!tpu.dma_semaphore, #tpu.memory_space<semaphore_mem>>
      %dma_start3A = arith.constant 0 : i32
      %dma_start3A_28 = tpu.memref_slice %arg5[%arg0, %add3A_23, %dma_start3A] : memref<2x10240x16xf32, #tpu.memory_space<hbm>> -> memref<1x128x16xf32, #tpu.memory_space<hbm>>
      %dma_start3A_29 = tpu.memref_squeeze %dma_start3A_28 : memref<1x128x16xf32, #tpu.memory_space<hbm>> -> memref<128x16xf32, #tpu.memory_space<hbm>>
      %dma_start3A_30 = arith.constant 0 : i32
      %dma_start3A_31 = tpu.memref_slice %arg9[%add3A_23, %dma_start3A_30] : memref<10240x16xf32, #tpu.memory_space<vmem_shared>> -> memref<128x16xf32, #tpu.memory_space<vmem_shared>>
      tpu.enqueue_dma source(%dma_start3A_31 : memref<128x16xf32, #tpu.memory_space<vmem_shared>>) target(%dma_start3A_29 : memref<128x16xf32, #tpu.memory_space<hbm>>) target_semaphore(%run_scoped3A : memref<!tpu.dma_semaphore, #tpu.memory_space<semaphore_mem>>)
      %dma_wait3A = arith.constant 0 : i32
      %dma_wait3A_32 = tpu.memref_slice %arg5[%arg0, %add3A_23, %dma_wait3A] : memref<2x10240x16xf32, #tpu.memory_space<hbm>> -> memref<1x128x16xf32, #tpu.memory_space<hbm>>
      %dma_wait3A_33 = tpu.memref_squeeze %dma_wait3A_32 : memref<1x128x16xf32, #tpu.memory_space<hbm>> -> memref<128x16xf32, #tpu.memory_space<hbm>>
      %dma_wait3A_34 = arith.constant 0 : i32
      %dma_wait3A_35 = tpu.memref_slice %arg9[%add3A_23, %dma_wait3A_34] : memref<10240x16xf32, #tpu.memory_space<vmem_shared>> -> memref<128x16xf32, #tpu.memory_space<vmem_shared>>
      tpu.wait_dma2 semaphore(%run_scoped3A : memref<!tpu.dma_semaphore, #tpu.memory_space<semaphore_mem>>) src(%dma_wait3A_35 : memref<128x16xf32, #tpu.memory_space<vmem_shared>>) dst(%dma_wait3A_33 : memref<128x16xf32, #tpu.memory_space<hbm>>)
      tpu.yield
    }) : () -> ()
    %add3A_24 = arith.constant 384 : i32
    %add3A_25 = arith.addi %mul3A_2, %add3A_24 : i32
    "tpu.region"() ({
      %run_scoped3A = tpu.sem_alloc : memref<!tpu.dma_semaphore, #tpu.memory_space<semaphore_mem>>
      %dma_start3A = arith.constant 0 : i32
      %dma_start3A_28 = tpu.memref_slice %arg5[%arg0, %add3A_25, %dma_start3A] : memref<2x10240x16xf32, #tpu.memory_space<hbm>> -> memref<1x128x16xf32, #tpu.memory_space<hbm>>
      %dma_start3A_29 = tpu.memref_squeeze %dma_start3A_28 : memref<1x128x16xf32, #tpu.memory_space<hbm>> -> memref<128x16xf32, #tpu.memory_space<hbm>>
      %dma_start3A_30 = arith.constant 0 : i32
      %dma_start3A_31 = tpu.memref_slice %arg9[%add3A_25, %dma_start3A_30] : memref<10240x16xf32, #tpu.memory_space<vmem_shared>> -> memref<128x16xf32, #tpu.memory_space<vmem_shared>>
      tpu.enqueue_dma source(%dma_start3A_31 : memref<128x16xf32, #tpu.memory_space<vmem_shared>>) target(%dma_start3A_29 : memref<128x16xf32, #tpu.memory_space<hbm>>) target_semaphore(%run_scoped3A : memref<!tpu.dma_semaphore, #tpu.memory_space<semaphore_mem>>)
      %dma_wait3A = arith.constant 0 : i32
      %dma_wait3A_32 = tpu.memref_slice %arg5[%arg0, %add3A_25, %dma_wait3A] : memref<2x10240x16xf32, #tpu.memory_space<hbm>> -> memref<1x128x16xf32, #tpu.memory_space<hbm>>
      %dma_wait3A_33 = tpu.memref_squeeze %dma_wait3A_32 : memref<1x128x16xf32, #tpu.memory_space<hbm>> -> memref<128x16xf32, #tpu.memory_space<hbm>>
      %dma_wait3A_34 = arith.constant 0 : i32
      %dma_wait3A_35 = tpu.memref_slice %arg9[%add3A_25, %dma_wait3A_34] : memref<10240x16xf32, #tpu.memory_space<vmem_shared>> -> memref<128x16xf32, #tpu.memory_space<vmem_shared>>
      tpu.wait_dma2 semaphore(%run_scoped3A : memref<!tpu.dma_semaphore, #tpu.memory_space<semaphore_mem>>) src(%dma_wait3A_35 : memref<128x16xf32, #tpu.memory_space<vmem_shared>>) dst(%dma_wait3A_33 : memref<128x16xf32, #tpu.memory_space<hbm>>)
      tpu.yield
    }) : () -> ()
    %add3A_26 = arith.constant 512 : i32
    %add3A_27 = arith.addi %mul3A_2, %add3A_26 : i32
    "tpu.region"() ({
      %run_scoped3A = tpu.sem_alloc : memref<!tpu.dma_semaphore, #tpu.memory_space<semaphore_mem>>
      %dma_start3A = arith.constant 0 : i32
      %dma_start3A_28 = tpu.memref_slice %arg5[%arg0, %add3A_27, %dma_start3A] : memref<2x10240x16xf32, #tpu.memory_space<hbm>> -> memref<1x128x16xf32, #tpu.memory_space<hbm>>
      %dma_start3A_29 = tpu.memref_squeeze %dma_start3A_28 : memref<1x128x16xf32, #tpu.memory_space<hbm>> -> memref<128x16xf32, #tpu.memory_space<hbm>>
      %dma_start3A_30 = arith.constant 0 : i32
      %dma_start3A_31 = tpu.memref_slice %arg9[%add3A_27, %dma_start3A_30] : memref<10240x16xf32, #tpu.memory_space<vmem_shared>> -> memref<128x16xf32, #tpu.memory_space<vmem_shared>>
      tpu.enqueue_dma source(%dma_start3A_31 : memref<128x16xf32, #tpu.memory_space<vmem_shared>>) target(%dma_start3A_29 : memref<128x16xf32, #tpu.memory_space<hbm>>) target_semaphore(%run_scoped3A : memref<!tpu.dma_semaphore, #tpu.memory_space<semaphore_mem>>)
      %dma_wait3A = arith.constant 0 : i32
      %dma_wait3A_32 = tpu.memref_slice %arg5[%arg0, %add3A_27, %dma_wait3A] : memref<2x10240x16xf32, #tpu.memory_space<hbm>> -> memref<1x128x16xf32, #tpu.memory_space<hbm>>
      %dma_wait3A_33 = tpu.memref_squeeze %dma_wait3A_32 : memref<1x128x16xf32, #tpu.memory_space<hbm>> -> memref<128x16xf32, #tpu.memory_space<hbm>>
      %dma_wait3A_34 = arith.constant 0 : i32
      %dma_wait3A_35 = tpu.memref_slice %arg9[%add3A_27, %dma_wait3A_34] : memref<10240x16xf32, #tpu.memory_space<vmem_shared>> -> memref<128x16xf32, #tpu.memory_space<vmem_shared>>
      tpu.wait_dma2 semaphore(%run_scoped3A : memref<!tpu.dma_semaphore, #tpu.memory_space<semaphore_mem>>) src(%dma_wait3A_35 : memref<128x16xf32, #tpu.memory_space<vmem_shared>>) dst(%dma_wait3A_33 : memref<128x16xf32, #tpu.memory_space<hbm>>)
      tpu.yield
    }) : () -> ()
    return
  }
}

module attributes {stable_mosaic.version = 14 : i64} {
  func.func @_tc_first_body(%arg0: i32, %arg1: memref<2048x128xf32, #tpu.memory_space<vmem>>, %arg2: memref<128x128xf32, #tpu.memory_space<vmem>>, %arg3: memref<2x2048x16xf32, #tpu.memory_space<vmem>>, %arg4: memref<2048x128xf32, #tpu.memory_space<vmem>>) attributes {dimension_semantics = [#tpu.dimension_semantics<arbitrary>], iteration_bounds = array<i64: 5>, scalar_prefetch = 0 : i64, scratch_operands = 0 : i64, tpu.core_type = #tpu.core_type<tc>, window_params = [{transform_indices = @transform_0, window_bounds = array<i64: 2048, 128>}, {pipeline_mode = #tpu.pipeline_mode<synchronous>, transform_indices = @transform_1, window_bounds = array<i64: 128, 128>}, {transform_indices = @transform_2, window_bounds = array<i64: 2, 2048, 16>}, {transform_indices = @transform_3, window_bounds = array<i64: 2048, 128>}]} {
    %get3A = arith.constant 0 : index
    %get3A_0 = arith.constant 0 : index
    %get3A_1 = arith.constant 0 : index
    %get3A_2 = vector.load %arg3[%get3A, %get3A_0, %get3A_1] : memref<2x2048x16xf32, #tpu.memory_space<vmem>>, vector<2x2048x16xf32>
    %slice3A = vector.extract_strided_slice %get3A_2 {offsets = [0, 0, 0], sizes = [1, 2048, 1], strides = [1, 1, 1]} : vector<2x2048x16xf32> to vector<1x2048x1xf32>
    %squeeze3A = vector.shape_cast %slice3A : vector<1x2048x1xf32> to vector<2048x1xf32>
    %slice3A_3 = vector.extract_strided_slice %get3A_2 {offsets = [1, 0, 0], sizes = [1, 2048, 1], strides = [1, 1, 1]} : vector<2x2048x16xf32> to vector<1x2048x1xf32>
    %squeeze3A_4 = vector.shape_cast %slice3A_3 : vector<1x2048x1xf32> to vector<2048x1xf32>
    %add3A = arith.addf %squeeze3A, %squeeze3A_4 : vector<2048x1xf32>
    %gt3A = arith.constant 0.000000e+00 : f32
    %gt3A_5 = vector.broadcast %gt3A : f32 to vector<2048x1xf32>
    %gt3A_6 = arith.cmpf ogt, %add3A, %gt3A_5 : vector<2048x1xf32>
    %max3A = arith.constant 9.99999996E-13 : f32
    %max3A_7 = vector.broadcast %max3A : f32 to vector<2048x1xf32>
    %max3A_8 = arith.maximumf %add3A, %max3A_7 : vector<2048x1xf32>
    %rsqrt3A = math.rsqrt %max3A_8 : vector<2048x1xf32>
    %jit3A = arith.constant 0.000000e+00 : f32
    %broadcast_in_dim3A = vector.broadcast %jit3A : f32 to vector<2048x1xf32>
    %select_n3A = arith.select %gt3A_6, %rsqrt3A, %broadcast_in_dim3A : vector<2048x1xi1>, vector<2048x1xf32>
    %get3A_9 = arith.constant 0 : index
    %get3A_10 = arith.constant 0 : index
    %get3A_11 = vector.load %arg1[%get3A_9, %get3A_10] : memref<2048x128xf32, #tpu.memory_space<vmem>>, vector<2048x128xf32>
    %get3A_12 = arith.constant 0 : index
    %get3A_13 = arith.constant 0 : index
    %get3A_14 = vector.load %arg2[%get3A_12, %get3A_13] : memref<128x128xf32, #tpu.memory_space<vmem>>, vector<128x128xf32>
    %dot_general3A = arith.constant dense<0.000000e+00> : vector<2048x128xf32>
    %dot_general3A_15 = tpu.matmul %get3A_11, %get3A_14, %dot_general3A {dimension_numbers = #tpu.dot_dimension_numbers<[1], [0], [0], [1], [0, 0, 1, 1], [], []>, transpose_lhs_hint = false} : vector<2048x128xf32>, vector<128x128xf32>, vector<2048x128xf32> -> vector<2048x128xf32>
    %mul3A = vector.broadcast %select_n3A : vector<2048x1xf32> to vector<2048x128xf32>
    %mul3A_16 = arith.mulf %mul3A, %dot_general3A_15 : vector<2048x128xf32>
    %swap3A = arith.constant 0 : index
    %swap3A_17 = arith.constant 0 : index
    %swap3A_18 = vector.load %arg4[%swap3A, %swap3A_17] : memref<2048x128xf32, #tpu.memory_space<vmem>>, vector<2048x128xf32>
    tpu.vector_store %arg4[%swap3A, %swap3A_17], %mul3A_16 {strides = array<i32>} : memref<2048x128xf32, #tpu.memory_space<vmem>>, vector<2048x128xf32>,
    return
  }
  func.func @transform_0(%arg0: i32) -> (i32, i32) {
    %c0_i32 = arith.constant 0 : i32
    %c0_i32_0 = arith.constant 0 : i32
    return %arg0, %c0_i32 : i32, i32
  }
  func.func @transform_1(%arg0: i32) -> (i32, i32) {
    %c0_i32 = arith.constant 0 : i32
    %c0_i32_0 = arith.constant 0 : i32
    %c0_i32_1 = arith.constant 0 : i32
    return %c0_i32, %c0_i32_0 : i32, i32
  }
  func.func @transform_2(%arg0: i32) -> (i32, i32, i32) {
    %c0_i32 = arith.constant 0 : i32
    %c0_i32_0 = arith.constant 0 : i32
    %c0_i32_1 = arith.constant 0 : i32
    return %c0_i32, %arg0, %c0_i32_0 : i32, i32, i32
  }
  func.func @transform_3(%arg0: i32) -> (i32, i32) {
    %c0_i32 = arith.constant 0 : i32
    %c0_i32_0 = arith.constant 0 : i32
    return %arg0, %c0_i32 : i32, i32
  }
}

module attributes {stable_mosaic.version = 14 : i64} {
  func.func @_tc_mid_body(%arg0: i32, %arg1: memref<2x2048x64xf32, #tpu.memory_space<vmem>>, %arg2: memref<2x2048x16xf32, #tpu.memory_space<vmem>>, %arg3: memref<1x128xf32, #tpu.memory_space<vmem>>, %arg4: memref<128x128xf32, #tpu.memory_space<vmem>>, %arg5: memref<2048x128xf32, #tpu.memory_space<vmem>>) attributes {dimension_semantics = [#tpu.dimension_semantics<arbitrary>], iteration_bounds = array<i64: 5>, scalar_prefetch = 0 : i64, scratch_operands = 0 : i64, tpu.core_type = #tpu.core_type<tc>, window_params = [{transform_indices = @transform_0, window_bounds = array<i64: 2, 2048, 64>}, {transform_indices = @transform_1, window_bounds = array<i64: 2, 2048, 16>}, {pipeline_mode = #tpu.pipeline_mode<synchronous>, transform_indices = @transform_2, window_bounds = array<i64: 1, 128>}, {pipeline_mode = #tpu.pipeline_mode<synchronous>, transform_indices = @transform_3, window_bounds = array<i64: 128, 128>}, {transform_indices = @transform_4, window_bounds = array<i64: 2048, 128>}]} {
    %get3A = arith.constant 0 : index
    %get3A_0 = arith.constant 0 : index
    %get3A_1 = arith.constant 0 : index
    %get3A_2 = vector.load %arg2[%get3A, %get3A_0, %get3A_1] : memref<2x2048x16xf32, #tpu.memory_space<vmem>>, vector<2x2048x16xf32>
    %slice3A = vector.extract_strided_slice %get3A_2 {offsets = [0, 0, 0], sizes = [1, 2048, 1], strides = [1, 1, 1]} : vector<2x2048x16xf32> to vector<1x2048x1xf32>
    %squeeze3A = vector.shape_cast %slice3A : vector<1x2048x1xf32> to vector<2048x1xf32>
    %slice3A_3 = vector.extract_strided_slice %get3A_2 {offsets = [1, 0, 0], sizes = [1, 2048, 1], strides = [1, 1, 1]} : vector<2x2048x16xf32> to vector<1x2048x1xf32>
    %squeeze3A_4 = vector.shape_cast %slice3A_3 : vector<1x2048x1xf32> to vector<2048x1xf32>
    %add3A = arith.addf %squeeze3A, %squeeze3A_4 : vector<2048x1xf32>
    %gt3A = arith.constant 0.000000e+00 : f32
    %gt3A_5 = vector.broadcast %gt3A : f32 to vector<2048x1xf32>
    %gt3A_6 = arith.cmpf ogt, %add3A, %gt3A_5 : vector<2048x1xf32>
    %max3A = arith.constant 9.99999996E-13 : f32
    %max3A_7 = vector.broadcast %max3A : f32 to vector<2048x1xf32>
    %max3A_8 = arith.maximumf %add3A, %max3A_7 : vector<2048x1xf32>
    %rsqrt3A = math.rsqrt %max3A_8 : vector<2048x1xf32>
    %jit3A = arith.constant 0.000000e+00 : f32
    %broadcast_in_dim3A = vector.broadcast %jit3A : f32 to vector<2048x1xf32>
    %select_n3A = arith.select %gt3A_6, %rsqrt3A, %broadcast_in_dim3A : vector<2048x1xi1>, vector<2048x1xf32>
    %get3A_9 = arith.constant 0 : index
    %get3A_10 = arith.constant 0 : index
    %get3A_11 = arith.constant 0 : index
    %get3A_12 = vector.load %arg1[%get3A_9, %get3A_10, %get3A_11] : memref<2x2048x64xf32, #tpu.memory_space<vmem>>, vector<1x2048x64xf32>
    %get3A_13 = vector.shape_cast %get3A_12 : vector<1x2048x64xf32> to vector<2048x64xf32>
    %get3A_14 = arith.constant 1 : index
    %get3A_15 = arith.constant 0 : index
    %get3A_16 = arith.constant 0 : index
    %get3A_17 = vector.load %arg1[%get3A_14, %get3A_15, %get3A_16] : memref<2x2048x64xf32, #tpu.memory_space<vmem>>, vector<1x2048x64xf32>
    %get3A_18 = vector.shape_cast %get3A_17 : vector<1x2048x64xf32> to vector<2048x64xf32>
    %concatenate3A = tpu.concatenate %get3A_13, %get3A_18 in 1 : vector<2048x64xf32>, vector<2048x64xf32> -> vector<2048x128xf32>
    %mul3A = vector.broadcast %select_n3A : vector<2048x1xf32> to vector<2048x128xf32>
    %mul3A_19 = arith.mulf %mul3A, %concatenate3A : vector<2048x128xf32>
    %get3A_20 = arith.constant 0 : index
    %get3A_21 = arith.constant 0 : index
    %get3A_22 = vector.load %arg3[%get3A_20, %get3A_21] : memref<1x128xf32, #tpu.memory_space<vmem>>, vector<1x128xf32>
    %add3A_23 = vector.broadcast %get3A_22 : vector<1x128xf32> to vector<2048x128xf32>
    %add3A_24 = arith.addf %mul3A_19, %add3A_23 : vector<2048x128xf32>
    %max3A_25 = arith.constant 0.000000e+00 : f32
    %max3A_26 = vector.broadcast %max3A_25 : f32 to vector<2048x128xf32>
    %max3A_27 = arith.maximumf %add3A_24, %max3A_26 : vector<2048x128xf32>
    %get3A_28 = arith.constant 0 : index
    %get3A_29 = arith.constant 0 : index
    %get3A_30 = vector.load %arg4[%get3A_28, %get3A_29] : memref<128x128xf32, #tpu.memory_space<vmem>>, vector<128x128xf32>
    %dot_general3A = arith.constant dense<0.000000e+00> : vector<2048x128xf32>
    %dot_general3A_31 = tpu.matmul %max3A_27, %get3A_30, %dot_general3A {dimension_numbers = #tpu.dot_dimension_numbers<[1], [0], [0], [1], [0, 0, 1, 1], [], []>, transpose_lhs_hint = false} : vector<2048x128xf32>, vector<128x128xf32>, vector<2048x128xf32> -> vector<2048x128xf32>
    %mul3A_32 = vector.broadcast %select_n3A : vector<2048x1xf32> to vector<2048x128xf32>
    %mul3A_33 = arith.mulf %mul3A_32, %dot_general3A_31 : vector<2048x128xf32>
    %swap3A = arith.constant 0 : index
    %swap3A_34 = arith.constant 0 : index
    %swap3A_35 = vector.load %arg5[%swap3A, %swap3A_34] : memref<2048x128xf32, #tpu.memory_space<vmem>>, vector<2048x128xf32>
    tpu.vector_store %arg5[%swap3A, %swap3A_34], %mul3A_33 {strides = array<i32>} : memref<2048x128xf32, #tpu.memory_space<vmem>>, vector<2048x128xf32>,
    return
  }
  func.func @transform_0(%arg0: i32) -> (i32, i32, i32) {
    %c0_i32 = arith.constant 0 : i32
    %c0_i32_0 = arith.constant 0 : i32
    %c0_i32_1 = arith.constant 0 : i32
    return %c0_i32, %arg0, %c0_i32_0 : i32, i32, i32
  }
  func.func @transform_1(%arg0: i32) -> (i32, i32, i32) {
    %c0_i32 = arith.constant 0 : i32
    %c0_i32_0 = arith.constant 0 : i32
    %c0_i32_1 = arith.constant 0 : i32
    return %c0_i32, %arg0, %c0_i32_0 : i32, i32, i32
  }
  func.func @transform_2(%arg0: i32) -> (i32, i32) {
    %c0_i32 = arith.constant 0 : i32
    %c0_i32_0 = arith.constant 0 : i32
    %c0_i32_1 = arith.constant 0 : i32
    return %c0_i32, %c0_i32_0 : i32, i32
  }
  func.func @transform_3(%arg0: i32) -> (i32, i32) {
    %c0_i32 = arith.constant 0 : i32
    %c0_i32_0 = arith.constant 0 : i32
    %c0_i32_1 = arith.constant 0 : i32
    return %c0_i32, %c0_i32_0 : i32, i32
  }
  func.func @transform_4(%arg0: i32) -> (i32, i32) {
    %c0_i32 = arith.constant 0 : i32
    %c0_i32_0 = arith.constant 0 : i32
    return %arg0, %c0_i32 : i32, i32
  }
}

module attributes {stable_mosaic.version = 14 : i64} {
  func.func @_tc_last_body(%arg0: i32, %arg1: memref<2x2048x64xf32, #tpu.memory_space<vmem>>, %arg2: memref<2x2048x16xf32, #tpu.memory_space<vmem>>, %arg3: memref<1x128xf32, #tpu.memory_space<vmem>>, %arg4: memref<2048x128xf32, #tpu.memory_space<vmem>>) attributes {dimension_semantics = [#tpu.dimension_semantics<arbitrary>], iteration_bounds = array<i64: 5>, scalar_prefetch = 0 : i64, scratch_operands = 0 : i64, tpu.core_type = #tpu.core_type<tc>, window_params = [{transform_indices = @transform_0, window_bounds = array<i64: 2, 2048, 64>}, {transform_indices = @transform_1, window_bounds = array<i64: 2, 2048, 16>}, {pipeline_mode = #tpu.pipeline_mode<synchronous>, transform_indices = @transform_2, window_bounds = array<i64: 1, 128>}, {transform_indices = @transform_3, window_bounds = array<i64: 2048, 128>}]} {
    %get3A = arith.constant 0 : index
    %get3A_0 = arith.constant 0 : index
    %get3A_1 = arith.constant 0 : index
    %get3A_2 = vector.load %arg2[%get3A, %get3A_0, %get3A_1] : memref<2x2048x16xf32, #tpu.memory_space<vmem>>, vector<2x2048x16xf32>
    %slice3A = vector.extract_strided_slice %get3A_2 {offsets = [0, 0, 0], sizes = [1, 2048, 1], strides = [1, 1, 1]} : vector<2x2048x16xf32> to vector<1x2048x1xf32>
    %squeeze3A = vector.shape_cast %slice3A : vector<1x2048x1xf32> to vector<2048x1xf32>
    %slice3A_3 = vector.extract_strided_slice %get3A_2 {offsets = [1, 0, 0], sizes = [1, 2048, 1], strides = [1, 1, 1]} : vector<2x2048x16xf32> to vector<1x2048x1xf32>
    %squeeze3A_4 = vector.shape_cast %slice3A_3 : vector<1x2048x1xf32> to vector<2048x1xf32>
    %add3A = arith.addf %squeeze3A, %squeeze3A_4 : vector<2048x1xf32>
    %gt3A = arith.constant 0.000000e+00 : f32
    %gt3A_5 = vector.broadcast %gt3A : f32 to vector<2048x1xf32>
    %gt3A_6 = arith.cmpf ogt, %add3A, %gt3A_5 : vector<2048x1xf32>
    %max3A = arith.constant 9.99999996E-13 : f32
    %max3A_7 = vector.broadcast %max3A : f32 to vector<2048x1xf32>
    %max3A_8 = arith.maximumf %add3A, %max3A_7 : vector<2048x1xf32>
    %rsqrt3A = math.rsqrt %max3A_8 : vector<2048x1xf32>
    %jit3A = arith.constant 0.000000e+00 : f32
    %broadcast_in_dim3A = vector.broadcast %jit3A : f32 to vector<2048x1xf32>
    %select_n3A = arith.select %gt3A_6, %rsqrt3A, %broadcast_in_dim3A : vector<2048x1xi1>, vector<2048x1xf32>
    %get3A_9 = arith.constant 0 : index
    %get3A_10 = arith.constant 0 : index
    %get3A_11 = arith.constant 0 : index
    %get3A_12 = vector.load %arg1[%get3A_9, %get3A_10, %get3A_11] : memref<2x2048x64xf32, #tpu.memory_space<vmem>>, vector<1x2048x64xf32>
    %get3A_13 = vector.shape_cast %get3A_12 : vector<1x2048x64xf32> to vector<2048x64xf32>
    %get3A_14 = arith.constant 1 : index
    %get3A_15 = arith.constant 0 : index
    %get3A_16 = arith.constant 0 : index
    %get3A_17 = vector.load %arg1[%get3A_14, %get3A_15, %get3A_16] : memref<2x2048x64xf32, #tpu.memory_space<vmem>>, vector<1x2048x64xf32>
    %get3A_18 = vector.shape_cast %get3A_17 : vector<1x2048x64xf32> to vector<2048x64xf32>
    %concatenate3A = tpu.concatenate %get3A_13, %get3A_18 in 1 : vector<2048x64xf32>, vector<2048x64xf32> -> vector<2048x128xf32>
    %mul3A = vector.broadcast %select_n3A : vector<2048x1xf32> to vector<2048x128xf32>
    %mul3A_19 = arith.mulf %mul3A, %concatenate3A : vector<2048x128xf32>
    %get3A_20 = arith.constant 0 : index
    %get3A_21 = arith.constant 0 : index
    %get3A_22 = vector.load %arg3[%get3A_20, %get3A_21] : memref<1x128xf32, #tpu.memory_space<vmem>>, vector<1x128xf32>
    %add3A_23 = vector.broadcast %get3A_22 : vector<1x128xf32> to vector<2048x128xf32>
    %add3A_24 = arith.addf %mul3A_19, %add3A_23 : vector<2048x128xf32>
    %max3A_25 = arith.constant 0.000000e+00 : f32
    %max3A_26 = vector.broadcast %max3A_25 : f32 to vector<2048x128xf32>
    %max3A_27 = arith.maximumf %add3A_24, %max3A_26 : vector<2048x128xf32>
    %swap3A = arith.constant 0 : index
    %swap3A_28 = arith.constant 0 : index
    %swap3A_29 = vector.load %arg4[%swap3A, %swap3A_28] : memref<2048x128xf32, #tpu.memory_space<vmem>>, vector<2048x128xf32>
    tpu.vector_store %arg4[%swap3A, %swap3A_28], %max3A_27 {strides = array<i32>} : memref<2048x128xf32, #tpu.memory_space<vmem>>, vector<2048x128xf32>,
    return
  }
  func.func @transform_0(%arg0: i32) -> (i32, i32, i32) {
    %c0_i32 = arith.constant 0 : i32
    %c0_i32_0 = arith.constant 0 : i32
    %c0_i32_1 = arith.constant 0 : i32
    return %c0_i32, %arg0, %c0_i32_0 : i32, i32, i32
  }
  func.func @transform_1(%arg0: i32) -> (i32, i32, i32) {
    %c0_i32 = arith.constant 0 : i32
    %c0_i32_0 = arith.constant 0 : i32
    %c0_i32_1 = arith.constant 0 : i32
    return %c0_i32, %arg0, %c0_i32_0 : i32, i32, i32
  }
  func.func @transform_2(%arg0: i32) -> (i32, i32) {
    %c0_i32 = arith.constant 0 : i32
    %c0_i32_0 = arith.constant 0 : i32
    %c0_i32_1 = arith.constant 0 : i32
    return %c0_i32, %c0_i32_0 : i32, i32
  }
  func.func @transform_3(%arg0: i32) -> (i32, i32) {
    %c0_i32 = arith.constant 0 : i32
    %c0_i32_0 = arith.constant 0 : i32
    return %arg0, %c0_i32 : i32, i32
  }
}

</mosaic_0001>

<sc_bundles>
// kernel: _run.11.cloned.1.call-start
scs
__scs_entry_jumppad:
0x0: {  	(pc) =	sbr.rel $0x88, $3  }
0x1: {  	(tag) =	ssettag $0x0;
	lr =	simm.s32 $0x1  }
0x2: {  	[smem:$0x3F99] =	sst lr;
	_ =	strace $0xD0000000  }
0x3: {  	_ = 	snop  }
0x4: {  	_ = 	snop  }
0x5: {  	_ = 	snop  }
0x6: {  	_ = 	snop  }
0x7: {  	_ = 	snop  }
__scs_overlays_trampoline_lowered:
0x8: {  	[smem:$0x3FA8] =	sst s0  }
0x9: {  	[smem:$0x3FA9] =	sst s1  }
0xa: {  	[smem:$0x3FAA] =	sst s2  }
0xb: {  	[smem:$0x3FAB] =	sst s3  }
0xc: {  	[smem:$0x3FAC] =	sst s4  }
0xd: {  	[smem:$0x3FAD] =	sst s5  }
0xe: {  	[smem:$0x3FAE] =	sst s6  }
0xf: {  	[smem:$0x3FAF] =	sst s7  }
0x10: {  	[smem:$0x3FB0] =	sst s8  }
0x11: {  	[smem:$0x3FB1] =	sst s9;
	s0 =	simm.s32 @!p0 $0x0  }
0x12: {  	s1 =	sld [smem:$0x3F97];
	s0 =	simm.s32 @p0 $0x1  }
0x13: {  	[smem:$0x3FB2] =	sst s0;
	s0 =	simm.s32 @!p1 $0x0  }
0x14: {  	s2 =	sld [smem:$0x3F96];
	s0 =	simm.s32 @p1 $0x1  }
0x15: {  	[smem:$0x3FB3] =	sst s0;
	s0 =	simm.s32 @!p2 $0x0  }
0x16: {  	s3 =	sld [smem:$0x3FDB];
	s0 =	simm.s32 @p2 $0x1  }
0x17: {  	s4 =	simm.s32 $0x1BF5;
	[smem:$0x3FB5] =	sst s0  }
0x18: {  	s0 =	sld [smem:$0x3F98];
	_ =	swait.ge [sflag:s4], $0x0  }
0x19: {  	s7 =	sld [smem:$0x3F99]  }
0x1a: {  	s8 =	sadd.s32 $0xFFFFE003, lr  }
0x1b: {  	s9 =	sadd.s32 $0xFFFFFEF7, lr;
	s5 =	simm.s32 $0xFFFFFFFF;
	p2 =	slt.u32 s8, $0xFFFFF086  }
0x1c: {  	p1 =	slt.u32 s9, $0xF7A;
	s5 =	simm.s32 @!p2 $0x0  }
0x1d: {  	s5 =	simm.s32 @p1 $0x1;
	p0 =	seq.s32 s7, s2  }
0x1e: {  	s7 =	smul.u32 @!p0 $0xF7A, s2;
	p2 =	seq.s32 @!p0 s5, $0x0  }
0x1f: {  	s9 =	smul.u32 $0xF7A, s1;
	s8 =	simm.s32 @!p0 $0x1BF5;
	p2 =	por !p2, p0  }
0x20: {  	[sflag:s8] =	ssyncset.s32 @!p0 $0xFFFFF086;
	s6 =	sadd.s32 @!p0 s3, s7;
	s7 =	simm.s32 @!p0 $0x108  }
0x21: {  	s3 =	sadd.s32 s3, s9;
	s6 =	sadd.s32 @!p0 $0x88, s6;
	s7 =	simm.s32 @p2 $0x1082  }
0x22: {  	[simem:s7], [sflag:s8] =	dma.local @!p0 [hbm:s6], $0xF7A  }
0x23: {  	s9 =	sor.u32 $0xD0000000, s2;
	s6 =	simm.s32 $0x108;
	_ =	swait.ge @!p0 [sflag:s8], $0x0  }
0x24: {  	s3 =	sadd.s32 $0x88, s3;
	s6 =	simm.s32 @!p1 $0x1082;
	[sflag:s4] =	ssyncset.s32 $0xFFFFF086  }
0x25: {  	[simem:s6], [sflag:s4] =	dma.local [hbm:s3], $0xF7A  }
0x26: {  	[smem:$0x3F99] =	sst s1;
	(tag) =	ssettag s2;
	_ =	strace s9  }
0x27: {  	s1 =	sld [smem:$0x3FA9]  }
0x28: {  	s2 =	sld [smem:$0x3FAA]  }
0x29: {  	s4 =	sld [smem:$0x3FAC]  }
0x2a: {  	p0 =	seq.s32 s5, $0x0;
	s5 =	sld [smem:$0x3FAD]  }
0x2b: {  	s6 =	sld [smem:$0x3FAE]  }
0x2c: {  	s7 =	sld [smem:$0x3FAF]  }
0x2d: {  	s3 =	simm.s32 $0x108;
	s8 =	sld [smem:$0x3FB0]  }
0x2e: {  	s3 =	simm.s32 @!p0 $0x1082;
	s9 =	sld [smem:$0x3FB1]  }
0x2f: {  	lr =	sadd.s32 s0, s3;
	s0 =	sld [smem:$0x3FA8]  }
0x30: {  	s3 =	sld [smem:$0x3FAB]  }
0x31: {  	[smem:$0x3FB4] =	sst s10  }
0x32: {  	s10 =	sld [smem:$0x3FB2];
	_ =	sdelay $0x3  }
0x33: {  	p0 =	seq.s32 s10, $0x1;
	s10 =	sld [smem:$0x3FB4];
	_ =	sdelay $0x3  }
0x34: {  	[smem:$0x3FB4] =	sst s10  }
0x35: {  	s10 =	sld [smem:$0x3FB3];
	_ =	sdelay $0x3  }
0x36: {  	p1 =	seq.s32 s10, $0x1;
	s10 =	sld [smem:$0x3FB4];
	_ =	sdelay $0x3  }
0x37: {  	[smem:$0x3FB4] =	sst s10  }
0x38: {  	s10 =	sld [smem:$0x3FB5]  }
0x39: {  	_ = 	snop;
	(pc) =	sbr.ind lr, $3  }
0x3a: {  	_ = 	snop  }
0x3b: {  	_ = 	snop  }
0x3c: {  	p2 =	seq.s32 s10, $0x1;
	s10 =	sld [smem:$0x3FB4]  }
0x3d: {  	_ =	shalt  }
0x3e: {  	_ =	shalt  }
0x3f: {  	_ =	shalt  }
0x40: {  	_ =	shalt  }
0x41: {  	_ =	shalt  }
0x42: {  	_ =	shalt  }
0x43: {  	_ =	shalt  }
0x44: {  	_ =	shalt  }
0x45: {  	_ =	shalt  }
0x46: {  	_ =	shalt  }
0x47: {  	_ =	shalt  }
0x48: {  	_ =	shalt  }
0x49: {  	_ =	shalt  }
0x4a: {  	_ =	shalt  }
0x4b: {  	_ =	shalt  }
0x4c: {  	_ =	shalt  }
0x4d: {  	_ =	shalt  }
0x4e: {  	_ =	shalt  }
0x4f: {  	_ =	shalt  }
0x50: {  	_ =	shalt  }
0x51: {  	_ =	shalt  }
0x52: {  	_ =	shalt  }
0x53: {  	_ =	shalt  }
0x54: {  	_ =	shalt  }
0x55: {  	_ =	shalt  }
0x56: {  	_ =	shalt  }
0x57: {  	_ =	shalt  }
0x58: {  	_ =	shalt  }
0x59: {  	_ =	shalt  }
0x5a: {  	_ =	shalt  }
0x5b: {  	_ =	shalt  }
0x5c: {  	_ =	shalt  }
0x5d: {  	_ =	shalt  }
0x5e: {  	_ =	shalt  }
0x5f: {  	_ =	shalt  }
0x60: {  	_ =	shalt  }
0x61: {  	_ =	shalt  }
0x62: {  	_ =	shalt  }
0x63: {  	_ =	shalt  }
0x64: {  	_ =	shalt  }
0x65: {  	_ =	shalt  }
0x66: {  	_ =	shalt  }
0x67: {  	_ =	shalt  }
0x68: {  	_ =	shalt  }
0x69: {  	_ =	shalt  }
0x6a: {  	_ =	shalt  }
0x6b: {  	_ =	shalt  }
0x6c: {  	_ =	shalt  }
0x6d: {  	_ =	shalt  }
0x6e: {  	_ =	shalt  }
0x6f: {  	_ =	shalt  }
0x70: {  	_ =	shalt  }
0x71: {  	_ =	shalt  }
0x72: {  	_ =	shalt  }
0x73: {  	_ =	shalt  }
0x74: {  	_ =	shalt  }
0x75: {  	_ =	shalt  }
0x76: {  	_ =	shalt  }
0x77: {  	_ =	shalt  }
0x78: {  	_ =	shalt  }
0x79: {  	_ =	shalt  }
0x7a: {  	_ =	shalt  }
0x7b: {  	_ =	shalt  }
0x7c: {  	_ =	shalt  }
0x7d: {  	_ =	shalt  }
0x7e: {  	_ =	shalt  }
0x7f: {  	_ =	shalt  }
0x80: {  	_ =	shalt  }
0x81: {  	_ =	shalt  }
0x82: {  	_ =	shalt  }
0x83: {  	_ =	shalt  }
0x84: {  	_ =	shalt  }
0x85: {  	_ =	shalt  }
0x86: {  	_ =	shalt  }
0x87: {  	_ =	shalt  }
.Lfunc_end0:
.L_simem_size_0:
called_computation.1_lowered:
.L_overlay_start_0:
0x88: {  	s2 =	sld [smem:$0x3FD9]  }
0x89: {  	s3 =	sld [smem:$0x3FFE];
	_ =	sdelay $0x1  }
0x8a: {  	s1 =	srdreg.scid  }
0x8b: {  	s0 =	sand.u32 $0x1, s1  }
0x8c: {  	s17 =	sshll.u32 s0, $0xA;
	s2 =	sadd.s32 s3, s2  }
0x8d: {  	s2 =	sadd.s32 s2, s17  }
0x8e: {  	[smem:$0x3FC0] =	sst s2  }
0x8f: {  	_ = 	snop  }
0x90: {  	s2 =	sld [smem:$0x3FD0];
	(tm) =	ssettm $0x1  }
0x91: {  	s18 =	sld [smem:$0x3FFB];
	_ =	sdelay $0x3  }
0x92: {  	_ =	strace s18  }
0x93: {  	s3 =	sld [smem:$0x3FFC];
	_ =	sdelay $0x3  }
0x94: {  	_ =	strace s3  }
0x95: {  	s3 =	sld [smem:$0x3FFD];
	_ =	sdelay $0x3  }
0x96: {  	_ =	strace s3  }
0x97: {  	_ =	strace $0x8FFFFFFF  }
0x98: {  	s19 =	sld [smem:$0x3FDB];
	_ =	sdelay $0x1  }
0x99: {  	s4 =	simm.s32 $_scs_section_size  }
0x9a: {  	s5 =	simm.s32 $_size__tile_overlayer_lowered;
	s6 =	simm.s32 $_tile_overlayer_lowered  }
0x9b: {  	s22 =	simm.s32 $0x1BFF;
	s21 =	sshll.u32 s6, $0x1;
	s3 =	sadd.s32 s4, s19  }
0x9c: {  	s7 =	simm.s32 $0x0;
	s20 =	sshll.u32 s5, $0x1;
	s5 =	sadd.s32 s21, s3  }
0x9d: {  	[timem:s7], [sflag:s22] =	dma.local [hbm:s5], s20  }
0x9e: {  	_ =	swait.ge [sflag:s22], s20  }
0x9f: {  	s4 =	ssub.s32 $0x0, s20;
	[sflag:s22] =	ssyncset.done $0x0  }
0xa0: {  	[sflag:s22] =	ssyncadd.s32 s4;
	_ =	sdelay $0x1  }
0xa1: {  	s23 =	simm.s32 $0x1B8B  }
0xa2: {  	_ =	swait.ge [sflag:s23], $0x1  }
0xa3: {  	[sflag:s23] =	ssyncset.done $0x0  }
0xa4: {  	s25 =	simm.s32 $0x1B8E;
	s24 =	sld [smem:$0x3FFE];
	[sflag:s23] =	ssyncadd.s32 $0xFFFFFFFF  }
0xa5: {  	s26 =	simm.s32 $execute0_lowered;
	[smem:$0x3FD2] =	sst s25  }
0xa6: {  	s5 =	sshll.u32 s26, $0x1;
	_ =	strace $0x80000049;
	[dreg:$0x1] =	wrdreg $0xFFFFFFFF  }
0xa7: {  	s28 =	simm.s32 $_size_execute0_lowered;
	s3 =	sadd.s32 s3, s5;
	[dreg:$0x0] =	wrdreg $0x0  }
0xa8: {  	s5 =	sshll.u32 s28, $0x1;
	[dreg:$0x2] =	wrdreg s3  }
0xa9: {  	[dreg:$0x3] =	wrdreg s5  }
0xaa: {  	[dreg:$0x4] =	wrdreg $0xC0  }
0xab: {  	_ =	task [dreg:s7], $0x5FFFF  }
0xac: {  	[dreg:$0x1] =	wrdreg $0xFFFFFFFF  }
0xad: {  	[dreg:$0x0] =	wrdreg $0x60  }
0xae: {  	[dreg:$0x2] =	wrdreg s24  }
0xaf: {  	[dreg:$0x3] =	wrdreg s2  }
0xb0: {  	[dreg:$0x4] =	wrdreg $0x140000  }
0xb1: {  	[dreg:$0x5] =	wrdreg $0x9  }
0xb2: {  	_ =	task.clear_ibuf [dreg:s7], $0x6FFFF;
	_ =	strace $0x90000049  }
0xb3: {  	s29 =	simm.s32 $0x9;
	_ =	strace $0x8000004B  }
0xb4: {  	_ =	swait.ge [sflag:s29], $0x1  }
0xb5: {  	[sflag:s29] =	ssyncadd.s32 $0xFFFFFFFF  }
0xb6: {  	_ =	strace $0x9000004B  }
0xb7: {  	_ =	sfence  }
0xb8: {  	s30 =	sld [smem:$0x0];
	_ =	sdelay $0x2  }
0xb9: {  	s31 =	sshll.u32 s1, $0xD;
	s1 =	sshrl.u32 s1, $0x2  }
0xba: {  	s3 =	sand.u32 $0x4000, s31;
	s1 =	sadd.s32 s1, s30  }
0xbb: {  	s0 =	sor.u32 s3, s0;
	s1 =	sshll.u32 s1, $0x11  }
0xbc: {  	s0 =	sor.u32 s1, s0  }
0xbd: {  	s0 =	sadd.s32 $0x8F2B, s0  }
0xbe: {  	[sflag:s0] =	ssyncadd.remote.s32 $0x1  }
0xbf: {  	_ =	sfence.sel $0xFFFF  }
0xc0: {  	[dreg:$0x0] =	wrdreg $0xFFFFFFFF;
	(pc) =	sbr.abs _section_cstart, $3  }
0xc1: {  	[dreg:$0x1] =	wrdreg $0xFFFFFFFF  }
0xc2: {  	_ =	task.clear_ibuf [dreg:s7], $0x2FFFF;
	_ =	strace $0x9FFFFFFF  }
0xc3: {  	(tm) =	ssettm $0x7FFFFFFF  }
tec
execute0_lowered:
.L_overlay_start_1:
0x0: {  	(tag) =	ssettag $0x1  }
0x1: {  	s0 =	rddreg [dreg:$0x0]  }
0x2: {  	s1 =	rddreg [dreg:$0x1]  }
0x3: {  	s2 =	rddreg [dreg:$0x2]  }
0x4: {  	s3 =	simm.s32 $0x0;
	s12 =	stileid.u32;
	s4 =	srdreg.scid  }
0x5: {  	s21 =	simm.s32 $0x12000;
	s22 =	simm.s32 $0x80;
	s23 =	simm.s32 $0xA000  }
0x6: {  	s24 =	simm.s32 $0xC000;
	s28 =	simm.s32 $0x1;
	s29 =	simm.s32 $0x2  }
0x7: {  	s30 =	simm.s32 $0x0;
	[smem:$0x7FF] =	sst s3;
	s6 =	smul.u32 $0x5000, s12  }
0x8: {  	s9 =	sand.u32 $0x1, s4;
	s4 =	sadd.s32 $0x5C400, s0;
	s12 =	smul.u32 $0xA000, s12  }
0x9: {  	_ =	strace $0x8000004A;
	s7 =	smul.u32 $0x50000, s9;
	s10 =	ssub.s32 $0x2, s9  }
0xa: {  	s16 =	smul.u32 $0xA0000, s9;
	s5 =	sshrl.u32 s6, $0x3;
	s11 =	sshrl.u32 s10, $0x1  }
0xb: {  	s25 =	sadd.s32 $0x2000, s12;
	s15 =	sadd.s32 $0x4000, s12;
	s17 =	sadd.s32 $0x6000, s12  }
0xc: {  	s19 =	sadd.s32 $0x8000, s12;
	s8 =	sadd.s32 s5, s0;
	s5 =	sadd.s32 $0x84400, s0  }
0xd: {  	s6 =	sadd.s32 s6, s7;
	s0 =	sadd.s32 $0x84800, s0;
	s18 =	ssub.s32 s10, s11  }
0xe: {  	s9 =	sadd.s32 s25, s2;
	s10 =	sadd.s32 s15, s2;
	s11 =	sadd.s32 s17, s2  }
0xf: {  	s13 =	sadd.s32 s12, s16;
	s26 =	sadd.s32 s16, s15;
	s31 =	sadd.s32 s16, s17  }
0x10: {  	s6 =	sshrl.u32 s6, $0x3;
	s7 =	sadd.s32 $0x2400, s8;
	s8 =	sadd.s32 s12, s2  }
0x11: {  	s13 =	sshrl.u32 s13, $0x3;
	s12 =	sadd.s32 s19, s2;
	s17 =	sshrl.u32 s31, $0x3  }
0x12: {  	s18 =	smax.u32 s18, $0x1;
	s6 =	sadd.s32 s1, s6;
	s1 =	sadd.s32 s16, s25  }
0x13: {  	s13 =	sadd.s32 s0, s13;
	s16 =	sadd.s32 s16, s19;
	s25 =	simm.s32 $0xE000  }
0x14: {  	s1 =	sshrl.u32 s1, $0x3;
	s19 =	sshrl.u32 s16, $0x3;
	s16 =	sadd.s32 s0, s17  }
0x15: {  	s14 =	sadd.s32 s0, s1;
	s1 =	sshrl.u32 s26, $0x3;
	s17 =	sadd.s32 s0, s19  }
0x16: {  	s19 =	simm.s32 $0x3;
	s26 =	simm.s32 $0x10000;
	s15 =	sadd.s32 s0, s1  }
.LBB2_1:
0x17: {  	[tilespmem:s3], [sflag:$0x3] =	stream.linear.gather [hbm4b:s6+s3], $0x5000, $0x38;
	[tilespmem:$0x1E000] =	vst v63  }
0x18: {  	_ =	swait.ge [sflag:s19], $0x5000  }
0x19: {  	[sflag:s19] =	ssyncset.done $0x0  }
0x1a: {  	s0 =	simm.s32 $0x5000;
	[sflag:s19] =	ssyncadd.s32 $0xFFFFB000  }
0x1b: {  	[tilespmem:s0], [sflag:$0x3] =	stream.linear.gather [hbm4b:s7+s3], $0x5000, $0x38;
	[tilespmem:$0x1E000] =	vst v63  }
0x1c: {  	_ =	swait.ge [sflag:s19], $0x5000  }
0x1d: {  	[sflag:s19] =	ssyncset.done $0x0  }
0x1e: {  	[sflag:s19] =	ssyncadd.s32 $0xFFFFB000  }
0x1f: {  	[tilespmem:s21], [sflag:$0x3] =	stream.linear.gather [hbm4b:s5+s3], $0x2000, $0x38;
	[tilespmem:$0x1E000] =	vst v63  }
0x20: {  	_ =	swait.ge [sflag:s19], $0x2000  }
0x21: {  	[sflag:s19] =	ssyncset.done $0x0  }
0x22: {  	[sflag:s19] =	ssyncadd.s32 $0xFFFFE000  }
0x23: {  	[spmem:s8] =	stream.linear.scatter [tilespmem:s21], [sflag:$0x3], $0x2000, $0x38;
	[tilespmem:$0x1E000] =	vst v63  }
0x24: {  	_ =	swait.ge [sflag:s19], $0x2000  }
0x25: {  	[sflag:s19] =	ssyncset.done $0x0  }
0x26: {  	[sflag:s19] =	ssyncadd.s32 $0xFFFFE000  }
0x27: {  	[spmem:s9] =	stream.linear.scatter [tilespmem:s21], [sflag:$0x3], $0x2000, $0x38;
	[tilespmem:$0x1E000] =	vst v63  }
0x28: {  	_ =	swait.ge [sflag:s19], $0x2000  }
0x29: {  	[sflag:s19] =	ssyncset.done $0x0  }
0x2a: {  	[sflag:s19] =	ssyncadd.s32 $0xFFFFE000  }
0x2b: {  	[spmem:s10] =	stream.linear.scatter [tilespmem:s21], [sflag:$0x3], $0x2000, $0x38;
	[tilespmem:$0x1E000] =	vst v63  }
0x2c: {  	_ =	swait.ge [sflag:s19], $0x2000  }
0x2d: {  	[sflag:s19] =	ssyncset.done $0x0  }
0x2e: {  	[sflag:s19] =	ssyncadd.s32 $0xFFFFE000  }
0x2f: {  	[spmem:s11] =	stream.linear.scatter [tilespmem:s21], [sflag:$0x3], $0x2000, $0x38;
	[tilespmem:$0x1E000] =	vst v63  }
0x30: {  	_ =	swait.ge [sflag:s19], $0x2000  }
0x31: {  	[sflag:s19] =	ssyncset.done $0x0  }
0x32: {  	[sflag:s19] =	ssyncadd.s32 $0xFFFFE000  }
0x33: {  	[spmem:s12] =	stream.linear.scatter [tilespmem:s21], [sflag:$0x3], $0x2000, $0x38;
	[tilespmem:$0x1E000] =	vst v63  }
0x34: {  	_ =	swait.ge [sflag:s19], $0x2000  }
0x35: {  	[sflag:s19] =	ssyncset.done $0x0  }
0x36: {  	[sflag:s19] =	ssyncadd.s32 $0xFFFFE000  }
0x37: {  	s1 =	simm.s32 $0x0;
	[bflag:$0x0] =	sbarrier.arrive $0xFFFF  }
0x38: {  	[tilespmem:s23], [sflag:$0x1] =	stream.indirect.gather [hbm4b:s4+s22], $0x40, s1, s22, $0xb8;
	[tilespmem:$0x1E000] =	vst v63  }
0x39: {  	s20 =	simm.s32 $0x80  }
0x3a: {  	[tilespmem:s24], [sflag:$0x1] =	stream.indirect.gather [hbm4b:s4+s22], $0x40, s20, s22, $0xb8;
	[tilespmem:$0x1E000] =	vst v63  }
0x3b: {  	s1 =	simm.s32 $0x100  }
0x3c: {  	[tilespmem:s25], [sflag:$0x1] =	stream.indirect.gather [hbm4b:s4+s22], $0x40, s1, s22, $0xb8;
	[tilespmem:$0x1E000] =	vst v63  }
0x3d: {  	s20 =	simm.s32 $0x180  }
0x3e: {  	[tilespmem:s26], [sflag:$0x1] =	stream.indirect.gather [hbm4b:s4+s22], $0x40, s20, s22, $0xb8;
	[tilespmem:$0x1E000] =	vst v63  }
0x3f: {  	_ =	swait.ge [sflag:s28], $0x2000  }
0x40: {  	[sflag:s28] =	ssyncset.done $0x0  }
0x41: {  	s1 =	simm.s32 $0x5000;
	[sflag:s28] =	ssyncadd.s32 $0xFFFFE000  }
0x42: {  	[spmem:s2] =	stream.indirect.scatter.add.f32 [tilespmem:s23], [sflag:$0x2], $0x40, s1, s22, $0xb8;
	[tilespmem:$0x1E000] =	vst v63  }
0x43: {  	_ =	swait.ge [sflag:s28], $0x2000  }
0x44: {  	[sflag:s28] =	ssyncset.done $0x0  }
0x45: {  	s20 =	simm.s32 $0x5080;
	[sflag:s28] =	ssyncadd.s32 $0xFFFFE000  }
0x46: {  	[spmem:s2] =	stream.indirect.scatter.add.f32 [tilespmem:s24], [sflag:$0x2], $0x40, s20, s22, $0xb8;
	[tilespmem:$0x1E000] =	vst v63  }
0x47: {  	_ =	swait.ge [sflag:s28], $0x2000  }
0x48: {  	[sflag:s28] =	ssyncset.done $0x0  }
0x49: {  	s1 =	simm.s32 $0x5100;
	[sflag:s28] =	ssyncadd.s32 $0xFFFFE000  }
0x4a: {  	[spmem:s2] =	stream.indirect.scatter.add.f32 [tilespmem:s25], [sflag:$0x2], $0x40, s1, s22, $0xb8;
	[tilespmem:$0x1E000] =	vst v63  }
0x4b: {  	_ =	swait.ge [sflag:s28], $0x2000  }
0x4c: {  	[sflag:s28] =	ssyncset.done $0x0  }
0x4d: {  	s20 =	simm.s32 $0x5180;
	[sflag:s28] =	ssyncadd.s32 $0xFFFFE000  }
0x4e: {  	[spmem:s2] =	stream.indirect.scatter.add.f32 [tilespmem:s26], [sflag:$0x2], $0x40, s20, s22, $0xb8;
	[tilespmem:$0x1E000] =	vst v63  }
0x4f: {  	_ =	swait.ge [sflag:s29], $0x2000  }
0x50: {  	[sflag:s29] =	ssyncset.done $0x0  }
0x51: {  	[sflag:s29] =	ssyncadd.s32 $0xFFFFE000  }
0x52: {  	_ =	swait.ge [sflag:s29], $0x2000  }
0x53: {  	[sflag:s29] =	ssyncset.done $0x0  }
0x54: {  	[sflag:s29] =	ssyncadd.s32 $0xFFFFE000  }
0x55: {  	_ =	swait.ge [sflag:s29], $0x2000  }
0x56: {  	[sflag:s29] =	ssyncset.done $0x0  }
0x57: {  	[sflag:s29] =	ssyncadd.s32 $0xFFFFE000  }
0x58: {  	_ =	swait.ge [sflag:s29], $0x2000  }
0x59: {  	s31 =	simm.s32 $0x800;
	s0 =	simm.s32 $0x1000;
	[sflag:s29] =	ssyncset.done $0x0  }
.LBB2_2:
0x5a: {  	s20 =	sshra.s32 s31, $0x2  }
0x5b: {  	[sflag:s29] =	ssyncadd.s32 $0xFFFFE000;
	s31 =	smov.u32 s0;
	s1 =	sadd.s32 $0x800, s0  }
0x5c: {  	[tilespmem:s23], [sflag:$0x1] =	stream.indirect.gather [hbm4b:s4+s22], $0x40, s20, s22, $0xb8;
	[tilespmem:$0x1E000] =	vst v63  }
0x5d: {  	p0 =	sne.s32 s0, $0x13800;
	s0 =	sadd.s32 $0x80, s20  }
0x5e: {  	[tilespmem:s24], [sflag:$0x1] =	stream.indirect.gather [hbm4b:s4+s22], $0x40, s0, s22, $0xb8;
	[tilespmem:$0x1E000] =	vst v63  }
0x5f: {  	s0 =	sadd.s32 $0x100, s20  }
0x60: {  	[tilespmem:s25], [sflag:$0x1] =	stream.indirect.gather [hbm4b:s4+s22], $0x40, s0, s22, $0xb8;
	[tilespmem:$0x1E000] =	vst v63  }
0x61: {  	s0 =	sadd.s32 $0x180, s20  }
0x62: {  	[tilespmem:s26], [sflag:$0x1] =	stream.indirect.gather [hbm4b:s4+s22], $0x40, s0, s22, $0xb8;
	[tilespmem:$0x1E000] =	vst v63  }
0x63: {  	_ =	swait.ge [sflag:s28], $0x2000  }
0x64: {  	[sflag:s28] =	ssyncset.done $0x0  }
0x65: {  	s0 =	sadd.s32 $0x5000, s20;
	[sflag:s28] =	ssyncadd.s32 $0xFFFFE000  }
0x66: {  	[spmem:s2] =	stream.indirect.scatter.add.f32 [tilespmem:s23], [sflag:$0x2], $0x40, s0, s22, $0xb8;
	[tilespmem:$0x1E000] =	vst v63  }
0x67: {  	_ =	swait.ge [sflag:s28], $0x2000  }
0x68: {  	[sflag:s28] =	ssyncset.done $0x0  }
0x69: {  	s0 =	sadd.s32 $0x5080, s20;
	[sflag:s28] =	ssyncadd.s32 $0xFFFFE000  }
0x6a: {  	[spmem:s2] =	stream.indirect.scatter.add.f32 [tilespmem:s24], [sflag:$0x2], $0x40, s0, s22, $0xb8;
	[tilespmem:$0x1E000] =	vst v63  }
0x6b: {  	_ =	swait.ge [sflag:s28], $0x2000  }
0x6c: {  	[sflag:s28] =	ssyncset.done $0x0  }
0x6d: {  	s0 =	sadd.s32 $0x5100, s20;
	[sflag:s28] =	ssyncadd.s32 $0xFFFFE000  }
0x6e: {  	[spmem:s2] =	stream.indirect.scatter.add.f32 [tilespmem:s25], [sflag:$0x2], $0x40, s0, s22, $0xb8;
	[tilespmem:$0x1E000] =	vst v63  }
0x6f: {  	_ =	swait.ge [sflag:s28], $0x2000  }
0x70: {  	[sflag:s28] =	ssyncset.done $0x0  }
0x71: {  	s0 =	sadd.s32 $0x5180, s20;
	[sflag:s28] =	ssyncadd.s32 $0xFFFFE000  }
0x72: {  	[spmem:s2] =	stream.indirect.scatter.add.f32 [tilespmem:s26], [sflag:$0x2], $0x40, s0, s22, $0xb8;
	[tilespmem:$0x1E000] =	vst v63  }
0x73: {  	_ =	swait.ge [sflag:s29], $0x2000  }
0x74: {  	[sflag:s29] =	ssyncset.done $0x0  }
0x75: {  	[sflag:s29] =	ssyncadd.s32 $0xFFFFE000  }
0x76: {  	_ =	swait.ge [sflag:s29], $0x2000  }
0x77: {  	[sflag:s29] =	ssyncset.done $0x0  }
0x78: {  	[sflag:s29] =	ssyncadd.s32 $0xFFFFE000  }
.Ltmp0:
0x79: {  	_ =	swait.ge [sflag:s29], $0x2000;
	(pc) =	sbr.rel @p0 .LBB2_2-.Ltmp0, $4  }
0x7a: {  	[sflag:s29] =	ssyncset.done $0x0  }
0x7b: {  	[sflag:s29] =	ssyncadd.s32 $0xFFFFE000  }
0x7c: {  	_ =	swait.ge [sflag:s29], $0x2000  }
0x7d: {  	s0 =	smov.u32 s1;
	[sflag:s29] =	ssyncset.done $0x0  }
0x7e: {  	s0 =	sshra.s32 s31, $0x2;
	[sflag:s29] =	ssyncadd.s32 $0xFFFFE000  }
0x7f: {  	[tilespmem:s23], [sflag:$0x1] =	stream.indirect.gather [hbm4b:s4+s22], $0x40, s0, s22, $0xb8;
	[tilespmem:$0x1E000] =	vst v63  }
0x80: {  	s1 =	sadd.s32 $0x80, s0  }
0x81: {  	[tilespmem:s24], [sflag:$0x1] =	stream.indirect.gather [hbm4b:s4+s22], $0x40, s1, s22, $0xb8;
	[tilespmem:$0x1E000] =	vst v63  }
0x82: {  	s31 =	sadd.s32 $0x100, s0  }
0x83: {  	[tilespmem:s25], [sflag:$0x1] =	stream.indirect.gather [hbm4b:s4+s22], $0x40, s31, s22, $0xb8;
	[tilespmem:$0x1E000] =	vst v63  }
0x84: {  	s20 =	sadd.s32 $0x180, s0  }
0x85: {  	[tilespmem:s26], [sflag:$0x1] =	stream.indirect.gather [hbm4b:s4+s22], $0x40, s20, s22, $0xb8;
	[tilespmem:$0x1E000] =	vst v63  }
0x86: {  	_ =	swait.ge [sflag:s28], $0x2000  }
0x87: {  	[sflag:s28] =	ssyncset.done $0x0  }
0x88: {  	s31 =	sadd.s32 $0x5000, s0;
	[sflag:s28] =	ssyncadd.s32 $0xFFFFE000  }
0x89: {  	[spmem:s2] =	stream.indirect.scatter.add.f32 [tilespmem:s23], [sflag:$0x2], $0x40, s31, s22, $0xb8;
	[tilespmem:$0x1E000] =	vst v63  }
0x8a: {  	_ =	swait.ge [sflag:s28], $0x2000  }
0x8b: {  	[sflag:s28] =	ssyncset.done $0x0  }
0x8c: {  	s20 =	sadd.s32 $0x5080, s0;
	[sflag:s28] =	ssyncadd.s32 $0xFFFFE000  }
0x8d: {  	[spmem:s2] =	stream.indirect.scatter.add.f32 [tilespmem:s24], [sflag:$0x2], $0x40, s20, s22, $0xb8;
	[tilespmem:$0x1E000] =	vst v63  }
0x8e: {  	_ =	swait.ge [sflag:s28], $0x2000  }
0x8f: {  	[sflag:s28] =	ssyncset.done $0x0  }
0x90: {  	s31 =	sadd.s32 $0x5100, s0;
	[sflag:s28] =	ssyncadd.s32 $0xFFFFE000  }
0x91: {  	[spmem:s2] =	stream.indirect.scatter.add.f32 [tilespmem:s25], [sflag:$0x2], $0x40, s31, s22, $0xb8;
	[tilespmem:$0x1E000] =	vst v63  }
0x92: {  	_ =	swait.ge [sflag:s28], $0x2000  }
0x93: {  	[sflag:s28] =	ssyncset.done $0x0  }
0x94: {  	s0 =	sadd.s32 $0x5180, s0;
	[sflag:s28] =	ssyncadd.s32 $0xFFFFE000  }
0x95: {  	[spmem:s2] =	stream.indirect.scatter.add.f32 [tilespmem:s26], [sflag:$0x2], $0x40, s0, s22, $0xb8;
	[tilespmem:$0x1E000] =	vst v63  }
0x96: {  	_ =	swait.ge [sflag:s29], $0x2000  }
0x97: {  	[sflag:s29] =	ssyncset.done $0x0  }
0x98: {  	[sflag:s29] =	ssyncadd.s32 $0xFFFFE000  }
0x99: {  	_ =	swait.ge [sflag:s29], $0x2000  }
0x9a: {  	[sflag:s29] =	ssyncset.done $0x0  }
0x9b: {  	[sflag:s29] =	ssyncadd.s32 $0xFFFFE000  }
0x9c: {  	_ =	swait.ge [sflag:s29], $0x2000  }
0x9d: {  	[sflag:s29] =	ssyncset.done $0x0  }
0x9e: {  	[sflag:s29] =	ssyncadd.s32 $0xFFFFE000  }
0x9f: {  	_ =	swait.ge [sflag:s29], $0x2000  }
0xa0: {  	s20 =	stileid.u32;
	[sflag:s29] =	ssyncset.done $0x0  }
0xa1: {  	s0 =	sshll.u32 s20, $0x6;
	[sflag:s29] =	ssyncadd.s32 $0xFFFFE000  }
0xa2: {  	s31 =	sshrl.u32 s8, $0x3;
	s0 =	sor.u32 $0x1C03, s0;
	[bflag:$0x0] =	sbarrier.arrive $0xFFFF  }
0xa3: {  	[hbm:s13], [sflag:s0] =	dma.local [spmem:s31], $0x400  }
0xa4: {  	_ =	swait.ge [sflag:s19], $0x400  }
0xa5: {  	[sflag:s19] =	ssyncset.done $0x0  }
0xa6: {  	s20 =	sshrl.u32 s9, $0x3;
	[sflag:s19] =	ssyncadd.s32 $0xFFFFFC00  }
0xa7: {  	[hbm:s14], [sflag:s0] =	dma.local [spmem:s20], $0x400  }
0xa8: {  	_ =	swait.ge [sflag:s19], $0x400  }
0xa9: {  	[sflag:s19] =	ssyncset.done $0x0  }
0xaa: {  	s31 =	sshrl.u32 s10, $0x3;
	[sflag:s19] =	ssyncadd.s32 $0xFFFFFC00  }
0xab: {  	[hbm:s15], [sflag:s0] =	dma.local [spmem:s31], $0x400  }
0xac: {  	_ =	swait.ge [sflag:s19], $0x400  }
0xad: {  	[sflag:s19] =	ssyncset.done $0x0  }
0xae: {  	s20 =	sshrl.u32 s11, $0x3;
	[sflag:s19] =	ssyncadd.s32 $0xFFFFFC00  }
0xaf: {  	[hbm:s16], [sflag:s0] =	dma.local [spmem:s20], $0x400  }
0xb0: {  	s30 =	sadd.s32 $0x1, s30;
	_ =	swait.ge [sflag:s19], $0x400  }
0xb1: {  	p0 =	sne.s32 s30, s18;
	[sflag:s19] =	ssyncset.done $0x0  }
.Ltmp1:
0xb2: {  	s31 =	sshrl.u32 s12, $0x3;
	[sflag:s19] =	ssyncadd.s32 $0xFFFFFC00;
	(pc) =	sbr.rel @p0 .LBB2_1-.Ltmp1, $4  }
0xb3: {  	[hbm:s17], [sflag:s0] =	dma.local [spmem:s31], $0x400  }
0xb4: {  	_ =	swait.ge [sflag:s19], $0x400  }
0xb5: {  	[sflag:s19] =	ssyncset.done $0x0  }
0xb6: {  	[sflag:s19] =	ssyncadd.s32 $0xFFFFFC00  }
0xb7: {  	_ =	sfence.sel $0x180000  }
0xb8: {  	[bflag:$0x0] =	sbarrier.arrive $0xFFFF  }
0xb9: {  	_ =	strace $0x9000004A  }
0xba: {  	s0 =	stileid.u32;
	[bflag:$0x2] =	sbarrier.arrive $0xFFFF  }
0xbb: {  	p0 =	sne.s32 s0, $0x0;
	s0 =	rddreg [dreg:$0x3]  }
0xbc: {  	s0 =	sadd.s32 @!p0 $0x100000, s0  }
0xbd: {  	[sflag:s0] =	ssyncadd.tile.s32 @!p0 $0x1;
	_ =	shalt  }
.Lfunc_end2:
_tile_overlayer_lowered:
.L_overlay_start_2:
0xbe: {  	(tag) =	ssettag $0x2  }
0xbf: {  	s0 =	rddreg [dreg:$0x0];
	s2 =	stileid.u32  }
0xc0: {  	s1 =	rddreg [dreg:$0x1];
	p0 =	sne.s32 s2, $0x0  }
0xc1: {  	s3 =	rddreg [dreg:$0x2];
	[bflag:$0x3] =	sbarrier.arrive $0xFFFF;
	s2 =	simm.s32 @!p0 $0x1C03  }
0xc2: {  	[timem:s3], [sflag:s2] =	dma.local @!p0 [hbm:s0], s1  }
0xc3: {  	s0 =	simm.s32 @!p0 $0x3  }
0xc4: {  	_ =	swait.ge @!p0 [sflag:s0], s1  }
0xc5: {  	s1 =	ssub.s32 @!p0 $0x0, s1;
	[sflag:s0] =	ssyncset.done @!p0 $0x0  }
0xc6: {  	[sflag:s0] =	ssyncadd.s32 @!p0 s1  }
0xc7: {  	[bflag:$0x3] =	sbarrier.arrive $0xFFFF  }
0xc8: {  	_ =	shalt  }

// kernel: _run.14.cloned.1.call-start
scs
__scs_entry_jumppad:
0x0: {  	(pc) =	sbr.rel $0x88, $3  }
0x1: {  	(tag) =	ssettag $0x0;
	lr =	simm.s32 $0x1  }
0x2: {  	[smem:$0x3F99] =	sst lr;
	_ =	strace $0xD0000000  }
0x3: {  	_ = 	snop  }
0x4: {  	_ = 	snop  }
0x5: {  	_ = 	snop  }
0x6: {  	_ = 	snop  }
0x7: {  	_ = 	snop  }
__scs_overlays_trampoline_lowered:
0x8: {  	[smem:$0x3FA8] =	sst s0  }
0x9: {  	[smem:$0x3FA9] =	sst s1  }
0xa: {  	[smem:$0x3FAA] =	sst s2  }
0xb: {  	[smem:$0x3FAB] =	sst s3  }
0xc: {  	[smem:$0x3FAC] =	sst s4  }
0xd: {  	[smem:$0x3FAD] =	sst s5  }
0xe: {  	[smem:$0x3FAE] =	sst s6  }
0xf: {  	[smem:$0x3FAF] =	sst s7  }
0x10: {  	[smem:$0x3FB0] =	sst s8  }
0x11: {  	[smem:$0x3FB1] =	sst s9;
	s0 =	simm.s32 @!p0 $0x0  }
0x12: {  	s1 =	sld [smem:$0x3F97];
	s0 =	simm.s32 @p0 $0x1  }
0x13: {  	[smem:$0x3FB2] =	sst s0;
	s0 =	simm.s32 @!p1 $0x0  }
0x14: {  	s2 =	sld [smem:$0x3F96];
	s0 =	simm.s32 @p1 $0x1  }
0x15: {  	[smem:$0x3FB3] =	sst s0;
	s0 =	simm.s32 @!p2 $0x0  }
0x16: {  	s3 =	sld [smem:$0x3FDB];
	s0 =	simm.s32 @p2 $0x1  }
0x17: {  	s4 =	simm.s32 $0x1BF5;
	[smem:$0x3FB5] =	sst s0  }
0x18: {  	s0 =	sld [smem:$0x3F98];
	_ =	swait.ge [sflag:s4], $0x0  }
0x19: {  	s7 =	sld [smem:$0x3F99]  }
0x1a: {  	s8 =	sadd.s32 $0xFFFFE003, lr  }
0x1b: {  	s9 =	sadd.s32 $0xFFFFFEF7, lr;
	s5 =	simm.s32 $0xFFFFFFFF;
	p2 =	slt.u32 s8, $0xFFFFF086  }
0x1c: {  	p1 =	slt.u32 s9, $0xF7A;
	s5 =	simm.s32 @!p2 $0x0  }
0x1d: {  	s5 =	simm.s32 @p1 $0x1;
	p0 =	seq.s32 s7, s2  }
0x1e: {  	s7 =	smul.u32 @!p0 $0xF7A, s2;
	p2 =	seq.s32 @!p0 s5, $0x0  }
0x1f: {  	s9 =	smul.u32 $0xF7A, s1;
	s8 =	simm.s32 @!p0 $0x1BF5;
	p2 =	por !p2, p0  }
0x20: {  	[sflag:s8] =	ssyncset.s32 @!p0 $0xFFFFF086;
	s6 =	sadd.s32 @!p0 s3, s7;
	s7 =	simm.s32 @!p0 $0x108  }
0x21: {  	s3 =	sadd.s32 s3, s9;
	s6 =	sadd.s32 @!p0 $0x88, s6;
	s7 =	simm.s32 @p2 $0x1082  }
0x22: {  	[simem:s7], [sflag:s8] =	dma.local @!p0 [hbm:s6], $0xF7A  }
0x23: {  	s9 =	sor.u32 $0xD0000000, s2;
	s6 =	simm.s32 $0x108;
	_ =	swait.ge @!p0 [sflag:s8], $0x0  }
0x24: {  	s3 =	sadd.s32 $0x88, s3;
	s6 =	simm.s32 @!p1 $0x1082;
	[sflag:s4] =	ssyncset.s32 $0xFFFFF086  }
0x25: {  	[simem:s6], [sflag:s4] =	dma.local [hbm:s3], $0xF7A  }
0x26: {  	[smem:$0x3F99] =	sst s1;
	(tag) =	ssettag s2;
	_ =	strace s9  }
0x27: {  	s1 =	sld [smem:$0x3FA9]  }
0x28: {  	s2 =	sld [smem:$0x3FAA]  }
0x29: {  	s4 =	sld [smem:$0x3FAC]  }
0x2a: {  	p0 =	seq.s32 s5, $0x0;
	s5 =	sld [smem:$0x3FAD]  }
0x2b: {  	s6 =	sld [smem:$0x3FAE]  }
0x2c: {  	s7 =	sld [smem:$0x3FAF]  }
0x2d: {  	s3 =	simm.s32 $0x108;
	s8 =	sld [smem:$0x3FB0]  }
0x2e: {  	s3 =	simm.s32 @!p0 $0x1082;
	s9 =	sld [smem:$0x3FB1]  }
0x2f: {  	lr =	sadd.s32 s0, s3;
	s0 =	sld [smem:$0x3FA8]  }
0x30: {  	s3 =	sld [smem:$0x3FAB]  }
0x31: {  	[smem:$0x3FB4] =	sst s10  }
0x32: {  	s10 =	sld [smem:$0x3FB2];
	_ =	sdelay $0x3  }
0x33: {  	p0 =	seq.s32 s10, $0x1;
	s10 =	sld [smem:$0x3FB4];
	_ =	sdelay $0x3  }
0x34: {  	[smem:$0x3FB4] =	sst s10  }
0x35: {  	s10 =	sld [smem:$0x3FB3];
	_ =	sdelay $0x3  }
0x36: {  	p1 =	seq.s32 s10, $0x1;
	s10 =	sld [smem:$0x3FB4];
	_ =	sdelay $0x3  }
0x37: {  	[smem:$0x3FB4] =	sst s10  }
0x38: {  	s10 =	sld [smem:$0x3FB5]  }
0x39: {  	_ = 	snop;
	(pc) =	sbr.ind lr, $3  }
0x3a: {  	_ = 	snop  }
0x3b: {  	_ = 	snop  }
0x3c: {  	p2 =	seq.s32 s10, $0x1;
	s10 =	sld [smem:$0x3FB4]  }
0x3d: {  	_ =	shalt  }
0x3e: {  	_ =	shalt  }
0x3f: {  	_ =	shalt  }
0x40: {  	_ =	shalt  }
0x41: {  	_ =	shalt  }
0x42: {  	_ =	shalt  }
0x43: {  	_ =	shalt  }
0x44: {  	_ =	shalt  }
0x45: {  	_ =	shalt  }
0x46: {  	_ =	shalt  }
0x47: {  	_ =	shalt  }
0x48: {  	_ =	shalt  }
0x49: {  	_ =	shalt  }
0x4a: {  	_ =	shalt  }
0x4b: {  	_ =	shalt  }
0x4c: {  	_ =	shalt  }
0x4d: {  	_ =	shalt  }
0x4e: {  	_ =	shalt  }
0x4f: {  	_ =	shalt  }
0x50: {  	_ =	shalt  }
0x51: {  	_ =	shalt  }
0x52: {  	_ =	shalt  }
0x53: {  	_ =	shalt  }
0x54: {  	_ =	shalt  }
0x55: {  	_ =	shalt  }
0x56: {  	_ =	shalt  }
0x57: {  	_ =	shalt  }
0x58: {  	_ =	shalt  }
0x59: {  	_ =	shalt  }
0x5a: {  	_ =	shalt  }
0x5b: {  	_ =	shalt  }
0x5c: {  	_ =	shalt  }
0x5d: {  	_ =	shalt  }
0x5e: {  	_ =	shalt  }
0x5f: {  	_ =	shalt  }
0x60: {  	_ =	shalt  }
0x61: {  	_ =	shalt  }
0x62: {  	_ =	shalt  }
0x63: {  	_ =	shalt  }
0x64: {  	_ =	shalt  }
0x65: {  	_ =	shalt  }
0x66: {  	_ =	shalt  }
0x67: {  	_ =	shalt  }
0x68: {  	_ =	shalt  }
0x69: {  	_ =	shalt  }
0x6a: {  	_ =	shalt  }
0x6b: {  	_ =	shalt  }
0x6c: {  	_ =	shalt  }
0x6d: {  	_ =	shalt  }
0x6e: {  	_ =	shalt  }
0x6f: {  	_ =	shalt  }
0x70: {  	_ =	shalt  }
0x71: {  	_ =	shalt  }
0x72: {  	_ =	shalt  }
0x73: {  	_ =	shalt  }
0x74: {  	_ =	shalt  }
0x75: {  	_ =	shalt  }
0x76: {  	_ =	shalt  }
0x77: {  	_ =	shalt  }
0x78: {  	_ =	shalt  }
0x79: {  	_ =	shalt  }
0x7a: {  	_ =	shalt  }
0x7b: {  	_ =	shalt  }
0x7c: {  	_ =	shalt  }
0x7d: {  	_ =	shalt  }
0x7e: {  	_ =	shalt  }
0x7f: {  	_ =	shalt  }
0x80: {  	_ =	shalt  }
0x81: {  	_ =	shalt  }
0x82: {  	_ =	shalt  }
0x83: {  	_ =	shalt  }
0x84: {  	_ =	shalt  }
0x85: {  	_ =	shalt  }
0x86: {  	_ =	shalt  }
0x87: {  	_ =	shalt  }
.Lfunc_end0:
.L_simem_size_0:
called_computation.2_lowered:
.L_overlay_start_0:
0x88: {  	s2 =	sld [smem:$0x3FD9]  }
0x89: {  	s3 =	sld [smem:$0x3FFE];
	_ =	sdelay $0x1  }
0x8a: {  	s1 =	srdreg.scid  }
0x8b: {  	s0 =	sand.u32 $0x1, s1  }
0x8c: {  	s17 =	sshll.u32 s0, $0xA;
	s2 =	sadd.s32 s3, s2  }
0x8d: {  	s2 =	sadd.s32 s2, s17  }
0x8e: {  	[smem:$0x3FC0] =	sst s2  }
0x8f: {  	_ = 	snop  }
0x90: {  	s2 =	sld [smem:$0x3FD0];
	(tm) =	ssettm $0x1  }
0x91: {  	s18 =	sld [smem:$0x3FFB];
	_ =	sdelay $0x3  }
0x92: {  	_ =	strace s18  }
0x93: {  	s3 =	sld [smem:$0x3FFC];
	_ =	sdelay $0x3  }
0x94: {  	_ =	strace s3  }
0x95: {  	s3 =	sld [smem:$0x3FFD];
	_ =	sdelay $0x3  }
0x96: {  	_ =	strace s3  }
0x97: {  	_ =	strace $0x8FFFFFFF  }
0x98: {  	s19 =	sld [smem:$0x3FDB];
	_ =	sdelay $0x1  }
0x99: {  	s4 =	simm.s32 $_scs_section_size  }
0x9a: {  	s5 =	simm.s32 $_size__tile_overlayer_lowered;
	s6 =	simm.s32 $_tile_overlayer_lowered  }
0x9b: {  	s22 =	simm.s32 $0x1BFF;
	s21 =	sshll.u32 s6, $0x1;
	s3 =	sadd.s32 s4, s19  }
0x9c: {  	s7 =	simm.s32 $0x0;
	s20 =	sshll.u32 s5, $0x1;
	s5 =	sadd.s32 s21, s3  }
0x9d: {  	[timem:s7], [sflag:s22] =	dma.local [hbm:s5], s20  }
0x9e: {  	_ =	swait.ge [sflag:s22], s20  }
0x9f: {  	s4 =	ssub.s32 $0x0, s20;
	[sflag:s22] =	ssyncset.done $0x0  }
0xa0: {  	[sflag:s22] =	ssyncadd.s32 s4;
	_ =	sdelay $0x1  }
0xa1: {  	s23 =	simm.s32 $0x1B8B  }
0xa2: {  	_ =	swait.ge [sflag:s23], $0x1  }
0xa3: {  	[sflag:s23] =	ssyncset.done $0x0  }
0xa4: {  	s25 =	simm.s32 $0x1B8E;
	s24 =	sld [smem:$0x3FFE];
	[sflag:s23] =	ssyncadd.s32 $0xFFFFFFFF  }
0xa5: {  	s26 =	simm.s32 $execute0_lowered;
	[smem:$0x3FD2] =	sst s25  }
0xa6: {  	s5 =	sshll.u32 s26, $0x1;
	_ =	strace $0x8000004C;
	[dreg:$0x1] =	wrdreg $0xFFFFFFFF  }
0xa7: {  	s28 =	simm.s32 $_size_execute0_lowered;
	s3 =	sadd.s32 s3, s5;
	[dreg:$0x0] =	wrdreg $0x0  }
0xa8: {  	s5 =	sshll.u32 s28, $0x1;
	[dreg:$0x2] =	wrdreg s3  }
0xa9: {  	[dreg:$0x3] =	wrdreg s5  }
0xaa: {  	[dreg:$0x4] =	wrdreg $0xC0  }
0xab: {  	_ =	task [dreg:s7], $0x5FFFF  }
0xac: {  	[dreg:$0x1] =	wrdreg $0xFFFFFFFF  }
0xad: {  	[dreg:$0x0] =	wrdreg $0x60  }
0xae: {  	[dreg:$0x2] =	wrdreg s24  }
0xaf: {  	[dreg:$0x3] =	wrdreg s2  }
0xb0: {  	[dreg:$0x4] =	wrdreg $0x140000  }
0xb1: {  	[dreg:$0x5] =	wrdreg $0x9  }
0xb2: {  	_ =	task.clear_ibuf [dreg:s7], $0x6FFFF;
	_ =	strace $0x9000004C  }
0xb3: {  	s29 =	simm.s32 $0x9;
	_ =	strace $0x8000004E  }
0xb4: {  	_ =	swait.ge [sflag:s29], $0x1  }
0xb5: {  	[sflag:s29] =	ssyncadd.s32 $0xFFFFFFFF  }
0xb6: {  	_ =	strace $0x9000004E  }
0xb7: {  	_ =	sfence  }
0xb8: {  	s30 =	sld [smem:$0x0];
	_ =	sdelay $0x2  }
0xb9: {  	s31 =	sshll.u32 s1, $0xD;
	s1 =	sshrl.u32 s1, $0x2  }
0xba: {  	s3 =	sand.u32 $0x4000, s31;
	s1 =	sadd.s32 s1, s30  }
0xbb: {  	s0 =	sor.u32 s3, s0;
	s1 =	sshll.u32 s1, $0x11  }
0xbc: {  	s0 =	sor.u32 s1, s0  }
0xbd: {  	s0 =	sadd.s32 $0x8F2B, s0  }
0xbe: {  	[sflag:s0] =	ssyncadd.remote.s32 $0x1  }
0xbf: {  	_ =	sfence.sel $0xFFFF  }
0xc0: {  	[dreg:$0x0] =	wrdreg $0xFFFFFFFF;
	(pc) =	sbr.abs _section_cstart, $3  }
0xc1: {  	[dreg:$0x1] =	wrdreg $0xFFFFFFFF  }
0xc2: {  	_ =	task.clear_ibuf [dreg:s7], $0x2FFFF;
	_ =	strace $0x9FFFFFFF  }
0xc3: {  	(tm) =	ssettm $0x7FFFFFFF  }
tec
execute0_lowered:
.L_overlay_start_1:
0x0: {  	(tag) =	ssettag $0x1  }
0x1: {  	s0 =	rddreg [dreg:$0x0]  }
0x2: {  	s1 =	rddreg [dreg:$0x1]  }
0x3: {  	s2 =	rddreg [dreg:$0x2]  }
0x4: {  	s3 =	simm.s32 $0x0;
	s12 =	stileid.u32;
	s4 =	srdreg.scid  }
0x5: {  	s21 =	simm.s32 $0x12000;
	s22 =	simm.s32 $0x80;
	s23 =	simm.s32 $0xA000  }
0x6: {  	s24 =	simm.s32 $0xC000;
	s28 =	simm.s32 $0x1;
	s29 =	simm.s32 $0x2  }
0x7: {  	s30 =	simm.s32 $0x0;
	[smem:$0x7FF] =	sst s3;
	s6 =	smul.u32 $0x5000, s12  }
0x8: {  	s9 =	sand.u32 $0x1, s4;
	s4 =	sadd.s32 $0x5C400, s0;
	s12 =	smul.u32 $0xA000, s12  }
0x9: {  	_ =	strace $0x8000004D;
	s7 =	smul.u32 $0x50000, s9;
	s10 =	ssub.s32 $0x2, s9  }
0xa: {  	s16 =	smul.u32 $0xA0000, s9;
	s5 =	sshrl.u32 s6, $0x3;
	s11 =	sshrl.u32 s10, $0x1  }
0xb: {  	s25 =	sadd.s32 $0x2000, s12;
	s15 =	sadd.s32 $0x4000, s12;
	s17 =	sadd.s32 $0x6000, s12  }
0xc: {  	s19 =	sadd.s32 $0x8000, s12;
	s8 =	sadd.s32 s5, s0;
	s5 =	sadd.s32 $0x84400, s0  }
0xd: {  	s6 =	sadd.s32 s6, s7;
	s0 =	sadd.s32 $0x84800, s0;
	s18 =	ssub.s32 s10, s11  }
0xe: {  	s9 =	sadd.s32 s25, s2;
	s10 =	sadd.s32 s15, s2;
	s11 =	sadd.s32 s17, s2  }
0xf: {  	s13 =	sadd.s32 s12, s16;
	s26 =	sadd.s32 s16, s15;
	s31 =	sadd.s32 s16, s17  }
0x10: {  	s6 =	sshrl.u32 s6, $0x3;
	s7 =	sadd.s32 $0x2400, s8;
	s8 =	sadd.s32 s12, s2  }
0x11: {  	s13 =	sshrl.u32 s13, $0x3;
	s12 =	sadd.s32 s19, s2;
	s17 =	sshrl.u32 s31, $0x3  }
0x12: {  	s18 =	smax.u32 s18, $0x1;
	s6 =	sadd.s32 s1, s6;
	s1 =	sadd.s32 s16, s25  }
0x13: {  	s13 =	sadd.s32 s0, s13;
	s16 =	sadd.s32 s16, s19;
	s25 =	simm.s32 $0xE000  }
0x14: {  	s1 =	sshrl.u32 s1, $0x3;
	s19 =	sshrl.u32 s16, $0x3;
	s16 =	sadd.s32 s0, s17  }
0x15: {  	s14 =	sadd.s32 s0, s1;
	s1 =	sshrl.u32 s26, $0x3;
	s17 =	sadd.s32 s0, s19  }
0x16: {  	s19 =	simm.s32 $0x3;
	s26 =	simm.s32 $0x10000;
	s15 =	sadd.s32 s0, s1  }
.LBB2_1:
0x17: {  	[tilespmem:s3], [sflag:$0x3] =	stream.linear.gather [hbm4b:s6+s3], $0x5000, $0x38;
	[tilespmem:$0x1E000] =	vst v63  }
0x18: {  	_ =	swait.ge [sflag:s19], $0x5000  }
0x19: {  	[sflag:s19] =	ssyncset.done $0x0  }
0x1a: {  	s0 =	simm.s32 $0x5000;
	[sflag:s19] =	ssyncadd.s32 $0xFFFFB000  }
0x1b: {  	[tilespmem:s0], [sflag:$0x3] =	stream.linear.gather [hbm4b:s7+s3], $0x5000, $0x38;
	[tilespmem:$0x1E000] =	vst v63  }
0x1c: {  	_ =	swait.ge [sflag:s19], $0x5000  }
0x1d: {  	[sflag:s19] =	ssyncset.done $0x0  }
0x1e: {  	[sflag:s19] =	ssyncadd.s32 $0xFFFFB000  }
0x1f: {  	[tilespmem:s21], [sflag:$0x3] =	stream.linear.gather [hbm4b:s5+s3], $0x2000, $0x38;
	[tilespmem:$0x1E000] =	vst v63  }
0x20: {  	_ =	swait.ge [sflag:s19], $0x2000  }
0x21: {  	[sflag:s19] =	ssyncset.done $0x0  }
0x22: {  	[sflag:s19] =	ssyncadd.s32 $0xFFFFE000  }
0x23: {  	[spmem:s8] =	stream.linear.scatter [tilespmem:s21], [sflag:$0x3], $0x2000, $0x38;
	[tilespmem:$0x1E000] =	vst v63  }
0x24: {  	_ =	swait.ge [sflag:s19], $0x2000  }
0x25: {  	[sflag:s19] =	ssyncset.done $0x0  }
0x26: {  	[sflag:s19] =	ssyncadd.s32 $0xFFFFE000  }
0x27: {  	[spmem:s9] =	stream.linear.scatter [tilespmem:s21], [sflag:$0x3], $0x2000, $0x38;
	[tilespmem:$0x1E000] =	vst v63  }
0x28: {  	_ =	swait.ge [sflag:s19], $0x2000  }
0x29: {  	[sflag:s19] =	ssyncset.done $0x0  }
0x2a: {  	[sflag:s19] =	ssyncadd.s32 $0xFFFFE000  }
0x2b: {  	[spmem:s10] =	stream.linear.scatter [tilespmem:s21], [sflag:$0x3], $0x2000, $0x38;
	[tilespmem:$0x1E000] =	vst v63  }
0x2c: {  	_ =	swait.ge [sflag:s19], $0x2000  }
0x2d: {  	[sflag:s19] =	ssyncset.done $0x0  }
0x2e: {  	[sflag:s19] =	ssyncadd.s32 $0xFFFFE000  }
0x2f: {  	[spmem:s11] =	stream.linear.scatter [tilespmem:s21], [sflag:$0x3], $0x2000, $0x38;
	[tilespmem:$0x1E000] =	vst v63  }
0x30: {  	_ =	swait.ge [sflag:s19], $0x2000  }
0x31: {  	[sflag:s19] =	ssyncset.done $0x0  }
0x32: {  	[sflag:s19] =	ssyncadd.s32 $0xFFFFE000  }
0x33: {  	[spmem:s12] =	stream.linear.scatter [tilespmem:s21], [sflag:$0x3], $0x2000, $0x38;
	[tilespmem:$0x1E000] =	vst v63  }
0x34: {  	_ =	swait.ge [sflag:s19], $0x2000  }
0x35: {  	[sflag:s19] =	ssyncset.done $0x0  }
0x36: {  	[sflag:s19] =	ssyncadd.s32 $0xFFFFE000  }
0x37: {  	s1 =	simm.s32 $0x0;
	[bflag:$0x0] =	sbarrier.arrive $0xFFFF  }
0x38: {  	[tilespmem:s23], [sflag:$0x1] =	stream.indirect.gather [hbm4b:s4+s22], $0x40, s1, s22, $0xb8;
	[tilespmem:$0x1E000] =	vst v63  }
0x39: {  	s20 =	simm.s32 $0x80  }
0x3a: {  	[tilespmem:s24], [sflag:$0x1] =	stream.indirect.gather [hbm4b:s4+s22], $0x40, s20, s22, $0xb8;
	[tilespmem:$0x1E000] =	vst v63  }
0x3b: {  	s1 =	simm.s32 $0x100  }
0x3c: {  	[tilespmem:s25], [sflag:$0x1] =	stream.indirect.gather [hbm4b:s4+s22], $0x40, s1, s22, $0xb8;
	[tilespmem:$0x1E000] =	vst v63  }
0x3d: {  	s20 =	simm.s32 $0x180  }
0x3e: {  	[tilespmem:s26], [sflag:$0x1] =	stream.indirect.gather [hbm4b:s4+s22], $0x40, s20, s22, $0xb8;
	[tilespmem:$0x1E000] =	vst v63  }
0x3f: {  	_ =	swait.ge [sflag:s28], $0x2000  }
0x40: {  	[sflag:s28] =	ssyncset.done $0x0  }
0x41: {  	s1 =	simm.s32 $0x5000;
	[sflag:s28] =	ssyncadd.s32 $0xFFFFE000  }
0x42: {  	[spmem:s2] =	stream.indirect.scatter.add.f32 [tilespmem:s23], [sflag:$0x2], $0x40, s1, s22, $0xb8;
	[tilespmem:$0x1E000] =	vst v63  }
0x43: {  	_ =	swait.ge [sflag:s28], $0x2000  }
0x44: {  	[sflag:s28] =	ssyncset.done $0x0  }
0x45: {  	s20 =	simm.s32 $0x5080;
	[sflag:s28] =	ssyncadd.s32 $0xFFFFE000  }
0x46: {  	[spmem:s2] =	stream.indirect.scatter.add.f32 [tilespmem:s24], [sflag:$0x2], $0x40, s20, s22, $0xb8;
	[tilespmem:$0x1E000] =	vst v63  }
0x47: {  	_ =	swait.ge [sflag:s28], $0x2000  }
0x48: {  	[sflag:s28] =	ssyncset.done $0x0  }
0x49: {  	s1 =	simm.s32 $0x5100;
	[sflag:s28] =	ssyncadd.s32 $0xFFFFE000  }
0x4a: {  	[spmem:s2] =	stream.indirect.scatter.add.f32 [tilespmem:s25], [sflag:$0x2], $0x40, s1, s22, $0xb8;
	[tilespmem:$0x1E000] =	vst v63  }
0x4b: {  	_ =	swait.ge [sflag:s28], $0x2000  }
0x4c: {  	[sflag:s28] =	ssyncset.done $0x0  }
0x4d: {  	s20 =	simm.s32 $0x5180;
	[sflag:s28] =	ssyncadd.s32 $0xFFFFE000  }
0x4e: {  	[spmem:s2] =	stream.indirect.scatter.add.f32 [tilespmem:s26], [sflag:$0x2], $0x40, s20, s22, $0xb8;
	[tilespmem:$0x1E000] =	vst v63  }
0x4f: {  	_ =	swait.ge [sflag:s29], $0x2000  }
0x50: {  	[sflag:s29] =	ssyncset.done $0x0  }
0x51: {  	[sflag:s29] =	ssyncadd.s32 $0xFFFFE000  }
0x52: {  	_ =	swait.ge [sflag:s29], $0x2000  }
0x53: {  	[sflag:s29] =	ssyncset.done $0x0  }
0x54: {  	[sflag:s29] =	ssyncadd.s32 $0xFFFFE000  }
0x55: {  	_ =	swait.ge [sflag:s29], $0x2000  }
0x56: {  	[sflag:s29] =	ssyncset.done $0x0  }
0x57: {  	[sflag:s29] =	ssyncadd.s32 $0xFFFFE000  }
0x58: {  	_ =	swait.ge [sflag:s29], $0x2000  }
0x59: {  	s31 =	simm.s32 $0x800;
	s0 =	simm.s32 $0x1000;
	[sflag:s29] =	ssyncset.done $0x0  }
.LBB2_2:
0x5a: {  	s20 =	sshra.s32 s31, $0x2  }
0x5b: {  	[sflag:s29] =	ssyncadd.s32 $0xFFFFE000;
	s31 =	smov.u32 s0;
	s1 =	sadd.s32 $0x800, s0  }
0x5c: {  	[tilespmem:s23], [sflag:$0x1] =	stream.indirect.gather [hbm4b:s4+s22], $0x40, s20, s22, $0xb8;
	[tilespmem:$0x1E000] =	vst v63  }
0x5d: {  	p0 =	sne.s32 s0, $0x13800;
	s0 =	sadd.s32 $0x80, s20  }
0x5e: {  	[tilespmem:s24], [sflag:$0x1] =	stream.indirect.gather [hbm4b:s4+s22], $0x40, s0, s22, $0xb8;
	[tilespmem:$0x1E000] =	vst v63  }
0x5f: {  	s0 =	sadd.s32 $0x100, s20  }
0x60: {  	[tilespmem:s25], [sflag:$0x1] =	stream.indirect.gather [hbm4b:s4+s22], $0x40, s0, s22, $0xb8;
	[tilespmem:$0x1E000] =	vst v63  }
0x61: {  	s0 =	sadd.s32 $0x180, s20  }
0x62: {  	[tilespmem:s26], [sflag:$0x1] =	stream.indirect.gather [hbm4b:s4+s22], $0x40, s0, s22, $0xb8;
	[tilespmem:$0x1E000] =	vst v63  }
0x63: {  	_ =	swait.ge [sflag:s28], $0x2000  }
0x64: {  	[sflag:s28] =	ssyncset.done $0x0  }
0x65: {  	s0 =	sadd.s32 $0x5000, s20;
	[sflag:s28] =	ssyncadd.s32 $0xFFFFE000  }
0x66: {  	[spmem:s2] =	stream.indirect.scatter.add.f32 [tilespmem:s23], [sflag:$0x2], $0x40, s0, s22, $0xb8;
	[tilespmem:$0x1E000] =	vst v63  }
0x67: {  	_ =	swait.ge [sflag:s28], $0x2000  }
0x68: {  	[sflag:s28] =	ssyncset.done $0x0  }
0x69: {  	s0 =	sadd.s32 $0x5080, s20;
	[sflag:s28] =	ssyncadd.s32 $0xFFFFE000  }
0x6a: {  	[spmem:s2] =	stream.indirect.scatter.add.f32 [tilespmem:s24], [sflag:$0x2], $0x40, s0, s22, $0xb8;
	[tilespmem:$0x1E000] =	vst v63  }
0x6b: {  	_ =	swait.ge [sflag:s28], $0x2000  }
0x6c: {  	[sflag:s28] =	ssyncset.done $0x0  }
0x6d: {  	s0 =	sadd.s32 $0x5100, s20;
	[sflag:s28] =	ssyncadd.s32 $0xFFFFE000  }
0x6e: {  	[spmem:s2] =	stream.indirect.scatter.add.f32 [tilespmem:s25], [sflag:$0x2], $0x40, s0, s22, $0xb8;
	[tilespmem:$0x1E000] =	vst v63  }
0x6f: {  	_ =	swait.ge [sflag:s28], $0x2000  }
0x70: {  	[sflag:s28] =	ssyncset.done $0x0  }
0x71: {  	s0 =	sadd.s32 $0x5180, s20;
	[sflag:s28] =	ssyncadd.s32 $0xFFFFE000  }
0x72: {  	[spmem:s2] =	stream.indirect.scatter.add.f32 [tilespmem:s26], [sflag:$0x2], $0x40, s0, s22, $0xb8;
	[tilespmem:$0x1E000] =	vst v63  }
0x73: {  	_ =	swait.ge [sflag:s29], $0x2000  }
0x74: {  	[sflag:s29] =	ssyncset.done $0x0  }
0x75: {  	[sflag:s29] =	ssyncadd.s32 $0xFFFFE000  }
0x76: {  	_ =	swait.ge [sflag:s29], $0x2000  }
0x77: {  	[sflag:s29] =	ssyncset.done $0x0  }
0x78: {  	[sflag:s29] =	ssyncadd.s32 $0xFFFFE000  }
.Ltmp0:
0x79: {  	_ =	swait.ge [sflag:s29], $0x2000;
	(pc) =	sbr.rel @p0 .LBB2_2-.Ltmp0, $4  }
0x7a: {  	[sflag:s29] =	ssyncset.done $0x0  }
0x7b: {  	[sflag:s29] =	ssyncadd.s32 $0xFFFFE000  }
0x7c: {  	_ =	swait.ge [sflag:s29], $0x2000  }
0x7d: {  	s0 =	smov.u32 s1;
	[sflag:s29] =	ssyncset.done $0x0  }
0x7e: {  	s0 =	sshra.s32 s31, $0x2;
	[sflag:s29] =	ssyncadd.s32 $0xFFFFE000  }
0x7f: {  	[tilespmem:s23], [sflag:$0x1] =	stream.indirect.gather [hbm4b:s4+s22], $0x40, s0, s22, $0xb8;
	[tilespmem:$0x1E000] =	vst v63  }
0x80: {  	s1 =	sadd.s32 $0x80, s0  }
0x81: {  	[tilespmem:s24], [sflag:$0x1] =	stream.indirect.gather [hbm4b:s4+s22], $0x40, s1, s22, $0xb8;
	[tilespmem:$0x1E000] =	vst v63  }
0x82: {  	s31 =	sadd.s32 $0x100, s0  }
0x83: {  	[tilespmem:s25], [sflag:$0x1] =	stream.indirect.gather [hbm4b:s4+s22], $0x40, s31, s22, $0xb8;
	[tilespmem:$0x1E000] =	vst v63  }
0x84: {  	s20 =	sadd.s32 $0x180, s0  }
0x85: {  	[tilespmem:s26], [sflag:$0x1] =	stream.indirect.gather [hbm4b:s4+s22], $0x40, s20, s22, $0xb8;
	[tilespmem:$0x1E000] =	vst v63  }
0x86: {  	_ =	swait.ge [sflag:s28], $0x2000  }
0x87: {  	[sflag:s28] =	ssyncset.done $0x0  }
0x88: {  	s31 =	sadd.s32 $0x5000, s0;
	[sflag:s28] =	ssyncadd.s32 $0xFFFFE000  }
0x89: {  	[spmem:s2] =	stream.indirect.scatter.add.f32 [tilespmem:s23], [sflag:$0x2], $0x40, s31, s22, $0xb8;
	[tilespmem:$0x1E000] =	vst v63  }
0x8a: {  	_ =	swait.ge [sflag:s28], $0x2000  }
0x8b: {  	[sflag:s28] =	ssyncset.done $0x0  }
0x8c: {  	s20 =	sadd.s32 $0x5080, s0;
	[sflag:s28] =	ssyncadd.s32 $0xFFFFE000  }
0x8d: {  	[spmem:s2] =	stream.indirect.scatter.add.f32 [tilespmem:s24], [sflag:$0x2], $0x40, s20, s22, $0xb8;
	[tilespmem:$0x1E000] =	vst v63  }
0x8e: {  	_ =	swait.ge [sflag:s28], $0x2000  }
0x8f: {  	[sflag:s28] =	ssyncset.done $0x0  }
0x90: {  	s31 =	sadd.s32 $0x5100, s0;
	[sflag:s28] =	ssyncadd.s32 $0xFFFFE000  }
0x91: {  	[spmem:s2] =	stream.indirect.scatter.add.f32 [tilespmem:s25], [sflag:$0x2], $0x40, s31, s22, $0xb8;
	[tilespmem:$0x1E000] =	vst v63  }
0x92: {  	_ =	swait.ge [sflag:s28], $0x2000  }
0x93: {  	[sflag:s28] =	ssyncset.done $0x0  }
0x94: {  	s0 =	sadd.s32 $0x5180, s0;
	[sflag:s28] =	ssyncadd.s32 $0xFFFFE000  }
0x95: {  	[spmem:s2] =	stream.indirect.scatter.add.f32 [tilespmem:s26], [sflag:$0x2], $0x40, s0, s22, $0xb8;
	[tilespmem:$0x1E000] =	vst v63  }
0x96: {  	_ =	swait.ge [sflag:s29], $0x2000  }
0x97: {  	[sflag:s29] =	ssyncset.done $0x0  }
0x98: {  	[sflag:s29] =	ssyncadd.s32 $0xFFFFE000  }
0x99: {  	_ =	swait.ge [sflag:s29], $0x2000  }
0x9a: {  	[sflag:s29] =	ssyncset.done $0x0  }
0x9b: {  	[sflag:s29] =	ssyncadd.s32 $0xFFFFE000  }
0x9c: {  	_ =	swait.ge [sflag:s29], $0x2000  }
0x9d: {  	[sflag:s29] =	ssyncset.done $0x0  }
0x9e: {  	[sflag:s29] =	ssyncadd.s32 $0xFFFFE000  }
0x9f: {  	_ =	swait.ge [sflag:s29], $0x2000  }
0xa0: {  	s20 =	stileid.u32;
	[sflag:s29] =	ssyncset.done $0x0  }
0xa1: {  	s0 =	sshll.u32 s20, $0x6;
	[sflag:s29] =	ssyncadd.s32 $0xFFFFE000  }
0xa2: {  	s31 =	sshrl.u32 s8, $0x3;
	s0 =	sor.u32 $0x1C03, s0;
	[bflag:$0x0] =	sbarrier.arrive $0xFFFF  }
0xa3: {  	[hbm:s13], [sflag:s0] =	dma.local [spmem:s31], $0x400  }
0xa4: {  	_ =	swait.ge [sflag:s19], $0x400  }
0xa5: {  	[sflag:s19] =	ssyncset.done $0x0  }
0xa6: {  	s20 =	sshrl.u32 s9, $0x3;
	[sflag:s19] =	ssyncadd.s32 $0xFFFFFC00  }
0xa7: {  	[hbm:s14], [sflag:s0] =	dma.local [spmem:s20], $0x400  }
0xa8: {  	_ =	swait.ge [sflag:s19], $0x400  }
0xa9: {  	[sflag:s19] =	ssyncset.done $0x0  }
0xaa: {  	s31 =	sshrl.u32 s10, $0x3;
	[sflag:s19] =	ssyncadd.s32 $0xFFFFFC00  }
0xab: {  	[hbm:s15], [sflag:s0] =	dma.local [spmem:s31], $0x400  }
0xac: {  	_ =	swait.ge [sflag:s19], $0x400  }
0xad: {  	[sflag:s19] =	ssyncset.done $0x0  }
0xae: {  	s20 =	sshrl.u32 s11, $0x3;
	[sflag:s19] =	ssyncadd.s32 $0xFFFFFC00  }
0xaf: {  	[hbm:s16], [sflag:s0] =	dma.local [spmem:s20], $0x400  }
0xb0: {  	s30 =	sadd.s32 $0x1, s30;
	_ =	swait.ge [sflag:s19], $0x400  }
0xb1: {  	p0 =	sne.s32 s30, s18;
	[sflag:s19] =	ssyncset.done $0x0  }
.Ltmp1:
0xb2: {  	s31 =	sshrl.u32 s12, $0x3;
	[sflag:s19] =	ssyncadd.s32 $0xFFFFFC00;
	(pc) =	sbr.rel @p0 .LBB2_1-.Ltmp1, $4  }
0xb3: {  	[hbm:s17], [sflag:s0] =	dma.local [spmem:s31], $0x400  }
0xb4: {  	_ =	swait.ge [sflag:s19], $0x400  }
0xb5: {  	[sflag:s19] =	ssyncset.done $0x0  }
0xb6: {  	[sflag:s19] =	ssyncadd.s32 $0xFFFFFC00  }
0xb7: {  	_ =	sfence.sel $0x180000  }
0xb8: {  	[bflag:$0x0] =	sbarrier.arrive $0xFFFF  }
0xb9: {  	_ =	strace $0x9000004D  }
0xba: {  	s0 =	stileid.u32;
	[bflag:$0x2] =	sbarrier.arrive $0xFFFF  }
0xbb: {  	p0 =	sne.s32 s0, $0x0;
	s0 =	rddreg [dreg:$0x3]  }
0xbc: {  	s0 =	sadd.s32 @!p0 $0x100000, s0  }
0xbd: {  	[sflag:s0] =	ssyncadd.tile.s32 @!p0 $0x1;
	_ =	shalt  }
.Lfunc_end2:
_tile_overlayer_lowered:
.L_overlay_start_2:
0xbe: {  	(tag) =	ssettag $0x2  }
0xbf: {  	s0 =	rddreg [dreg:$0x0];
	s2 =	stileid.u32  }
0xc0: {  	s1 =	rddreg [dreg:$0x1];
	p0 =	sne.s32 s2, $0x0  }
0xc1: {  	s3 =	rddreg [dreg:$0x2];
	[bflag:$0x3] =	sbarrier.arrive $0xFFFF;
	s2 =	simm.s32 @!p0 $0x1C03  }
0xc2: {  	[timem:s3], [sflag:s2] =	dma.local @!p0 [hbm:s0], s1  }
0xc3: {  	s0 =	simm.s32 @!p0 $0x3  }
0xc4: {  	_ =	swait.ge @!p0 [sflag:s0], s1  }
0xc5: {  	s1 =	ssub.s32 @!p0 $0x0, s1;
	[sflag:s0] =	ssyncset.done @!p0 $0x0  }
0xc6: {  	[sflag:s0] =	ssyncadd.s32 @!p0 s1  }
0xc7: {  	[bflag:$0x3] =	sbarrier.arrive $0xFFFF  }
0xc8: {  	_ =	shalt  }

// kernel: _run.8.cloned.1.call-start
scs
__scs_entry_jumppad:
0x0: {  	(pc) =	sbr.rel $0x88, $3  }
0x1: {  	(tag) =	ssettag $0x0;
	lr =	simm.s32 $0x1  }
0x2: {  	[smem:$0x3F99] =	sst lr;
	_ =	strace $0xD0000000  }
0x3: {  	_ = 	snop  }
0x4: {  	_ = 	snop  }
0x5: {  	_ = 	snop  }
0x6: {  	_ = 	snop  }
0x7: {  	_ = 	snop  }
__scs_overlays_trampoline_lowered:
0x8: {  	[smem:$0x3FA8] =	sst s0  }
0x9: {  	[smem:$0x3FA9] =	sst s1  }
0xa: {  	[smem:$0x3FAA] =	sst s2  }
0xb: {  	[smem:$0x3FAB] =	sst s3  }
0xc: {  	[smem:$0x3FAC] =	sst s4  }
0xd: {  	[smem:$0x3FAD] =	sst s5  }
0xe: {  	[smem:$0x3FAE] =	sst s6  }
0xf: {  	[smem:$0x3FAF] =	sst s7  }
0x10: {  	[smem:$0x3FB0] =	sst s8  }
0x11: {  	[smem:$0x3FB1] =	sst s9;
	s0 =	simm.s32 @!p0 $0x0  }
0x12: {  	s1 =	sld [smem:$0x3F97];
	s0 =	simm.s32 @p0 $0x1  }
0x13: {  	[smem:$0x3FB2] =	sst s0;
	s0 =	simm.s32 @!p1 $0x0  }
0x14: {  	s2 =	sld [smem:$0x3F96];
	s0 =	simm.s32 @p1 $0x1  }
0x15: {  	[smem:$0x3FB3] =	sst s0;
	s0 =	simm.s32 @!p2 $0x0  }
0x16: {  	s3 =	sld [smem:$0x3FDB];
	s0 =	simm.s32 @p2 $0x1  }
0x17: {  	s4 =	simm.s32 $0x1BF5;
	[smem:$0x3FB5] =	sst s0  }
0x18: {  	s0 =	sld [smem:$0x3F98];
	_ =	swait.ge [sflag:s4], $0x0  }
0x19: {  	s7 =	sld [smem:$0x3F99]  }
0x1a: {  	s8 =	sadd.s32 $0xFFFFE003, lr  }
0x1b: {  	s9 =	sadd.s32 $0xFFFFFEF7, lr;
	s5 =	simm.s32 $0xFFFFFFFF;
	p2 =	slt.u32 s8, $0xFFFFF086  }
0x1c: {  	p1 =	slt.u32 s9, $0xF7A;
	s5 =	simm.s32 @!p2 $0x0  }
0x1d: {  	s5 =	simm.s32 @p1 $0x1;
	p0 =	seq.s32 s7, s2  }
0x1e: {  	s7 =	smul.u32 @!p0 $0xF7A, s2;
	p2 =	seq.s32 @!p0 s5, $0x0  }
0x1f: {  	s9 =	smul.u32 $0xF7A, s1;
	s8 =	simm.s32 @!p0 $0x1BF5;
	p2 =	por !p2, p0  }
0x20: {  	[sflag:s8] =	ssyncset.s32 @!p0 $0xFFFFF086;
	s6 =	sadd.s32 @!p0 s3, s7;
	s7 =	simm.s32 @!p0 $0x108  }
0x21: {  	s3 =	sadd.s32 s3, s9;
	s6 =	sadd.s32 @!p0 $0x88, s6;
	s7 =	simm.s32 @p2 $0x1082  }
0x22: {  	[simem:s7], [sflag:s8] =	dma.local @!p0 [hbm:s6], $0xF7A  }
0x23: {  	s9 =	sor.u32 $0xD0000000, s2;
	s6 =	simm.s32 $0x108;
	_ =	swait.ge @!p0 [sflag:s8], $0x0  }
0x24: {  	s3 =	sadd.s32 $0x88, s3;
	s6 =	simm.s32 @!p1 $0x1082;
	[sflag:s4] =	ssyncset.s32 $0xFFFFF086  }
0x25: {  	[simem:s6], [sflag:s4] =	dma.local [hbm:s3], $0xF7A  }
0x26: {  	[smem:$0x3F99] =	sst s1;
	(tag) =	ssettag s2;
	_ =	strace s9  }
0x27: {  	s1 =	sld [smem:$0x3FA9]  }
0x28: {  	s2 =	sld [smem:$0x3FAA]  }
0x29: {  	s4 =	sld [smem:$0x3FAC]  }
0x2a: {  	p0 =	seq.s32 s5, $0x0;
	s5 =	sld [smem:$0x3FAD]  }
0x2b: {  	s6 =	sld [smem:$0x3FAE]  }
0x2c: {  	s7 =	sld [smem:$0x3FAF]  }
0x2d: {  	s3 =	simm.s32 $0x108;
	s8 =	sld [smem:$0x3FB0]  }
0x2e: {  	s3 =	simm.s32 @!p0 $0x1082;
	s9 =	sld [smem:$0x3FB1]  }
0x2f: {  	lr =	sadd.s32 s0, s3;
	s0 =	sld [smem:$0x3FA8]  }
0x30: {  	s3 =	sld [smem:$0x3FAB]  }
0x31: {  	[smem:$0x3FB4] =	sst s10  }
0x32: {  	s10 =	sld [smem:$0x3FB2];
	_ =	sdelay $0x3  }
0x33: {  	p0 =	seq.s32 s10, $0x1;
	s10 =	sld [smem:$0x3FB4];
	_ =	sdelay $0x3  }
0x34: {  	[smem:$0x3FB4] =	sst s10  }
0x35: {  	s10 =	sld [smem:$0x3FB3];
	_ =	sdelay $0x3  }
0x36: {  	p1 =	seq.s32 s10, $0x1;
	s10 =	sld [smem:$0x3FB4];
	_ =	sdelay $0x3  }
0x37: {  	[smem:$0x3FB4] =	sst s10  }
0x38: {  	s10 =	sld [smem:$0x3FB5]  }
0x39: {  	_ = 	snop;
	(pc) =	sbr.ind lr, $3  }
0x3a: {  	_ = 	snop  }
0x3b: {  	_ = 	snop  }
0x3c: {  	p2 =	seq.s32 s10, $0x1;
	s10 =	sld [smem:$0x3FB4]  }
0x3d: {  	_ =	shalt  }
0x3e: {  	_ =	shalt  }
0x3f: {  	_ =	shalt  }
0x40: {  	_ =	shalt  }
0x41: {  	_ =	shalt  }
0x42: {  	_ =	shalt  }
0x43: {  	_ =	shalt  }
0x44: {  	_ =	shalt  }
0x45: {  	_ =	shalt  }
0x46: {  	_ =	shalt  }
0x47: {  	_ =	shalt  }
0x48: {  	_ =	shalt  }
0x49: {  	_ =	shalt  }
0x4a: {  	_ =	shalt  }
0x4b: {  	_ =	shalt  }
0x4c: {  	_ =	shalt  }
0x4d: {  	_ =	shalt  }
0x4e: {  	_ =	shalt  }
0x4f: {  	_ =	shalt  }
0x50: {  	_ =	shalt  }
0x51: {  	_ =	shalt  }
0x52: {  	_ =	shalt  }
0x53: {  	_ =	shalt  }
0x54: {  	_ =	shalt  }
0x55: {  	_ =	shalt  }
0x56: {  	_ =	shalt  }
0x57: {  	_ =	shalt  }
0x58: {  	_ =	shalt  }
0x59: {  	_ =	shalt  }
0x5a: {  	_ =	shalt  }
0x5b: {  	_ =	shalt  }
0x5c: {  	_ =	shalt  }
0x5d: {  	_ =	shalt  }
0x5e: {  	_ =	shalt  }
0x5f: {  	_ =	shalt  }
0x60: {  	_ =	shalt  }
0x61: {  	_ =	shalt  }
0x62: {  	_ =	shalt  }
0x63: {  	_ =	shalt  }
0x64: {  	_ =	shalt  }
0x65: {  	_ =	shalt  }
0x66: {  	_ =	shalt  }
0x67: {  	_ =	shalt  }
0x68: {  	_ =	shalt  }
0x69: {  	_ =	shalt  }
0x6a: {  	_ =	shalt  }
0x6b: {  	_ =	shalt  }
0x6c: {  	_ =	shalt  }
0x6d: {  	_ =	shalt  }
0x6e: {  	_ =	shalt  }
0x6f: {  	_ =	shalt  }
0x70: {  	_ =	shalt  }
0x71: {  	_ =	shalt  }
0x72: {  	_ =	shalt  }
0x73: {  	_ =	shalt  }
0x74: {  	_ =	shalt  }
0x75: {  	_ =	shalt  }
0x76: {  	_ =	shalt  }
0x77: {  	_ =	shalt  }
0x78: {  	_ =	shalt  }
0x79: {  	_ =	shalt  }
0x7a: {  	_ =	shalt  }
0x7b: {  	_ =	shalt  }
0x7c: {  	_ =	shalt  }
0x7d: {  	_ =	shalt  }
0x7e: {  	_ =	shalt  }
0x7f: {  	_ =	shalt  }
0x80: {  	_ =	shalt  }
0x81: {  	_ =	shalt  }
0x82: {  	_ =	shalt  }
0x83: {  	_ =	shalt  }
0x84: {  	_ =	shalt  }
0x85: {  	_ =	shalt  }
0x86: {  	_ =	shalt  }
0x87: {  	_ =	shalt  }
.Lfunc_end0:
.L_simem_size_0:
called_computation_lowered:
.L_overlay_start_0:
0x88: {  	s2 =	sld [smem:$0x3FD9]  }
0x89: {  	s3 =	sld [smem:$0x3FFE];
	_ =	sdelay $0x1  }
0x8a: {  	s1 =	srdreg.scid  }
0x8b: {  	s0 =	sand.u32 $0x1, s1  }
0x8c: {  	s16 =	sshll.u32 s0, $0xA;
	s2 =	sadd.s32 s3, s2  }
0x8d: {  	s2 =	sadd.s32 s2, s16  }
0x8e: {  	[smem:$0x3FC0] =	sst s2  }
0x8f: {  	_ = 	snop  }
0x90: {  	(tm) =	ssettm $0x1  }
0x91: {  	s17 =	sld [smem:$0x3FFB];
	_ =	sdelay $0x3  }
0x92: {  	_ =	strace s17  }
0x93: {  	s2 =	sld [smem:$0x3FFC];
	_ =	sdelay $0x3  }
0x94: {  	_ =	strace s2  }
0x95: {  	s2 =	sld [smem:$0x3FFD];
	_ =	sdelay $0x3  }
0x96: {  	_ =	strace s2  }
0x97: {  	_ =	strace $0x8FFFFFFF  }
0x98: {  	s18 =	sld [smem:$0x3FDB];
	_ =	sdelay $0x1  }
0x99: {  	s19 =	simm.s32 $_scs_section_size  }
0x9a: {  	s4 =	simm.s32 $_size__tile_overlayer_lowered;
	s5 =	simm.s32 $_tile_overlayer_lowered  }
0x9b: {  	s22 =	simm.s32 $0x1BFF;
	s21 =	sshll.u32 s5, $0x1;
	s2 =	sadd.s32 s19, s18  }
0x9c: {  	s6 =	simm.s32 $0x0;
	s20 =	sshll.u32 s4, $0x1;
	s4 =	sadd.s32 s21, s2  }
0x9d: {  	[timem:s6], [sflag:s22] =	dma.local [hbm:s4], s20  }
0x9e: {  	_ =	swait.ge [sflag:s22], s20  }
0x9f: {  	s3 =	ssub.s32 $0x0, s20;
	[sflag:s22] =	ssyncset.done $0x0  }
0xa0: {  	[sflag:s22] =	ssyncadd.s32 s3;
	_ =	sdelay $0x1  }
0xa1: {  	s23 =	simm.s32 $0x1B8B  }
0xa2: {  	_ =	swait.ge [sflag:s23], $0x1  }
0xa3: {  	[sflag:s23] =	ssyncset.done $0x0  }
0xa4: {  	s25 =	simm.s32 $0x1B8E;
	s24 =	sld [smem:$0x3FFE];
	[sflag:s23] =	ssyncadd.s32 $0xFFFFFFFF  }
0xa5: {  	s26 =	simm.s32 $execute0_lowered;
	[smem:$0x3FD2] =	sst s25  }
0xa6: {  	s4 =	sshll.u32 s26, $0x1;
	_ =	strace $0x80000046;
	[dreg:$0x1] =	wrdreg $0xFFFFFFFF  }
0xa7: {  	s28 =	simm.s32 $_size_execute0_lowered;
	s2 =	sadd.s32 s2, s4;
	[dreg:$0x0] =	wrdreg $0x0  }
0xa8: {  	s4 =	sshll.u32 s28, $0x1;
	[dreg:$0x2] =	wrdreg s2  }
0xa9: {  	[dreg:$0x3] =	wrdreg s4  }
0xaa: {  	[dreg:$0x4] =	wrdreg $0xC0  }
0xab: {  	_ =	task [dreg:s6], $0x5FFFF  }
0xac: {  	[dreg:$0x1] =	wrdreg $0xFFFFFFFF  }
0xad: {  	[dreg:$0x0] =	wrdreg $0x60  }
0xae: {  	[dreg:$0x2] =	wrdreg s24  }
0xaf: {  	[dreg:$0x3] =	wrdreg $0x38000  }
0xb0: {  	[dreg:$0x4] =	wrdreg $0x9  }
0xb1: {  	_ =	task.clear_ibuf [dreg:s6], $0x5FFFF;
	_ =	strace $0x90000046  }
0xb2: {  	s29 =	simm.s32 $0x9;
	_ =	strace $0x80000048  }
0xb3: {  	_ =	swait.ge [sflag:s29], $0x1  }
0xb4: {  	[sflag:s29] =	ssyncadd.s32 $0xFFFFFFFF  }
0xb5: {  	_ =	strace $0x90000048  }
0xb6: {  	_ =	sfence  }
0xb7: {  	s30 =	sld [smem:$0x0];
	_ =	sdelay $0x2  }
0xb8: {  	s31 =	sshll.u32 s1, $0xD;
	s1 =	sshrl.u32 s1, $0x2  }
0xb9: {  	s3 =	sand.u32 $0x4000, s31;
	s1 =	sadd.s32 s1, s30  }
0xba: {  	s0 =	sor.u32 s3, s0;
	s1 =	sshll.u32 s1, $0x11  }
0xbb: {  	s0 =	sor.u32 s1, s0  }
0xbc: {  	s0 =	sadd.s32 $0x8F2B, s0  }
0xbd: {  	[sflag:s0] =	ssyncadd.remote.s32 $0x1  }
0xbe: {  	_ =	sfence.sel $0xFFFF  }
0xbf: {  	[dreg:$0x0] =	wrdreg $0xFFFFFFFF;
	(pc) =	sbr.abs _section_cstart, $3  }
0xc0: {  	[dreg:$0x1] =	wrdreg $0xFFFFFFFF  }
0xc1: {  	_ =	task.clear_ibuf [dreg:s6], $0x2FFFF;
	_ =	strace $0x9FFFFFFF  }
0xc2: {  	(tm) =	ssettm $0x7FFFFFFF  }
0xc3: {  	_ =	shalt  }
tec
execute0_lowered:
.L_overlay_start_1:
0x0: {  	(tag) =	ssettag $0x1  }
0x1: {  	s0 =	srdreg.scid;
	s6 =	rddreg [dreg:$0x0]  }
0x2: {  	s2 =	rddreg [dreg:$0x1];
	s3 =	simm.s32 $0x0;
	s21 =	simm.s32 $0x80  }
0x3: {  	s22 =	simm.s32 $0x1;
	s23 =	simm.s32 $0x0;
	s8 =	sand.u32 $0x1, s0  }
0x4: {  	s0 =	stileid.u32;
	[smem:$0x7FF] =	sst s3;
	s5 =	sadd.s32 $0xC400, s6  }
0x5: {  	s16 =	sadd.s32 $0xC800, s6;
	s1 =	sshll.u32 s8, $0x4;
	s11 =	smul.u32 $0x2800, s0  }
0x6: {  	s9 =	ssub.s32 $0x2, s8;
	s18 =	smul.u32 $0x28000, s8;
	s4 =	sor.u32 s0, s1  }
0x7: {  	s1 =	rddreg [dreg:$0x2];
	_ =	strace $0x80000047;
	s10 =	sshrl.u32 s9, $0x1  }
0x8: {  	s4 =	smul.u32 $0x500, s4;
	s17 =	ssub.s32 s9, s10;
	s12 =	sadd.s32 $0x800, s11  }
0x9: {  	s14 =	sadd.s32 $0x1000, s11;
	s15 =	sadd.s32 $0x1800, s11;
	s19 =	sadd.s32 $0x2000, s11  }
0xa: {  	s13 =	sadd.s32 s11, s18;
	s8 =	sadd.s32 s12, s2;
	s9 =	sadd.s32 s14, s2  }
0xb: {  	s10 =	sadd.s32 s15, s2;
	s12 =	sadd.s32 s18, s12;
	s13 =	sshrl.u32 s13, $0x3  }
0xc: {  	s14 =	sadd.s32 s18, s14;
	s15 =	sadd.s32 s18, s15;
	s18 =	sadd.s32 s18, s19  }
0xd: {  	s17 =	smax.u32 s17, $0x1;
	s7 =	sadd.s32 s4, s6;
	s4 =	sadd.s32 $0xC600, s6  }
0xe: {  	s20 =	sshrl.u32 s12, $0x3;
	s12 =	sadd.s32 s16, s13;
	s14 =	sshrl.u32 s14, $0x3  }
0xf: {  	s15 =	sshrl.u32 s15, $0x3;
	s18 =	sshrl.u32 s18, $0x3;
	s6 =	sadd.s32 $0x2400, s7  }
0x10: {  	s7 =	sadd.s32 s11, s2;
	s11 =	sadd.s32 s19, s2;
	s13 =	sadd.s32 s16, s20  }
0x11: {  	s14 =	sadd.s32 s16, s14;
	s15 =	sadd.s32 s16, s15;
	s16 =	sadd.s32 s16, s18  }
0x12: {  	s18 =	simm.s32 $0x2;
	s19 =	simm.s32 $0x2800;
	s20 =	simm.s32 $0x3000  }
.LBB2_1:
0x13: {  	[tilespmem:s3], [sflag:$0x2] =	stream.linear.gather [hbm4b:s6+s3], $0x2800, $0x38;
	[tilespmem:$0x6000] =	vst v63  }
0x14: {  	_ =	swait.ge [sflag:s18], $0x2800  }
0x15: {  	[sflag:s18] =	ssyncset.done $0x0  }
0x16: {  	[sflag:s18] =	ssyncadd.s32 $0xFFFFD800  }
0x17: {  	[tilespmem:s19], [sflag:$0x2] =	stream.linear.gather [hbm4b:s4+s3], $0x800, $0x38;
	[tilespmem:$0x6000] =	vst v63  }
0x18: {  	_ =	swait.ge [sflag:s18], $0x800  }
0x19: {  	[sflag:s18] =	ssyncset.done $0x0  }
0x1a: {  	[sflag:s18] =	ssyncadd.s32 $0xFFFFF800  }
0x1b: {  	[tilespmem:s20], [sflag:$0x2] =	stream.linear.gather [hbm4b:s5+s3], $0x800, $0x38;
	[tilespmem:$0x6000] =	vst v63  }
0x1c: {  	_ =	swait.ge [sflag:s18], $0x800  }
0x1d: {  	[sflag:s18] =	ssyncset.done $0x0  }
0x1e: {  	[sflag:s18] =	ssyncadd.s32 $0xFFFFF800  }
0x1f: {  	[spmem:s7] =	stream.linear.scatter [tilespmem:s20], [sflag:$0x2], $0x800, $0x38;
	[tilespmem:$0x6000] =	vst v63  }
0x20: {  	_ =	swait.ge [sflag:s18], $0x800  }
0x21: {  	[sflag:s18] =	ssyncset.done $0x0  }
0x22: {  	[sflag:s18] =	ssyncadd.s32 $0xFFFFF800  }
0x23: {  	[spmem:s8] =	stream.linear.scatter [tilespmem:s20], [sflag:$0x2], $0x800, $0x38;
	[tilespmem:$0x6000] =	vst v63  }
0x24: {  	_ =	swait.ge [sflag:s18], $0x800  }
0x25: {  	[sflag:s18] =	ssyncset.done $0x0  }
0x26: {  	[sflag:s18] =	ssyncadd.s32 $0xFFFFF800  }
0x27: {  	[spmem:s9] =	stream.linear.scatter [tilespmem:s20], [sflag:$0x2], $0x800, $0x38;
	[tilespmem:$0x6000] =	vst v63  }
0x28: {  	_ =	swait.ge [sflag:s18], $0x800  }
0x29: {  	[sflag:s18] =	ssyncset.done $0x0  }
0x2a: {  	[sflag:s18] =	ssyncadd.s32 $0xFFFFF800  }
0x2b: {  	[spmem:s10] =	stream.linear.scatter [tilespmem:s20], [sflag:$0x2], $0x800, $0x38;
	[tilespmem:$0x6000] =	vst v63  }
0x2c: {  	_ =	swait.ge [sflag:s18], $0x800  }
0x2d: {  	[sflag:s18] =	ssyncset.done $0x0  }
0x2e: {  	[sflag:s18] =	ssyncadd.s32 $0xFFFFF800  }
0x2f: {  	[spmem:s11] =	stream.linear.scatter [tilespmem:s20], [sflag:$0x2], $0x800, $0x38;
	[tilespmem:$0x6000] =	vst v63  }
0x30: {  	_ =	swait.ge [sflag:s18], $0x800  }
0x31: {  	[sflag:s18] =	ssyncset.done $0x0  }
0x32: {  	[sflag:s18] =	ssyncadd.s32 $0xFFFFF800  }
0x33: {  	s24 =	simm.s32 $0x0;
	[bflag:$0x0] =	sbarrier.arrive $0xFFFF  }
0x34: {  	[spmem:s2] =	stream.indirect.scatter.add.f32 [tilespmem:s19], [sflag:$0x1], $0x10, s24, s21, $0xb8;
	[tilespmem:$0x6000] =	vst v63  }
0x35: {  	s29 =	simm.s32 $0x80  }
0x36: {  	[spmem:s2] =	stream.indirect.scatter.add.f32 [tilespmem:s19], [sflag:$0x1], $0x10, s29, s21, $0xb8;
	[tilespmem:$0x6000] =	vst v63  }
0x37: {  	s30 =	simm.s32 $0x100  }
0x38: {  	[spmem:s2] =	stream.indirect.scatter.add.f32 [tilespmem:s19], [sflag:$0x1], $0x10, s30, s21, $0xb8;
	[tilespmem:$0x6000] =	vst v63  }
0x39: {  	s31 =	simm.s32 $0x180  }
0x3a: {  	[spmem:s2] =	stream.indirect.scatter.add.f32 [tilespmem:s19], [sflag:$0x1], $0x10, s31, s21, $0xb8;
	[tilespmem:$0x6000] =	vst v63  }
0x3b: {  	_ =	swait.ge [sflag:s22], $0x800  }
0x3c: {  	[sflag:s22] =	ssyncset.done $0x0  }
0x3d: {  	[sflag:s22] =	ssyncadd.s32 $0xFFFFF800  }
0x3e: {  	_ =	swait.ge [sflag:s22], $0x800  }
0x3f: {  	[sflag:s22] =	ssyncset.done $0x0  }
0x40: {  	[sflag:s22] =	ssyncadd.s32 $0xFFFFF800  }
0x41: {  	_ =	swait.ge [sflag:s22], $0x800  }
0x42: {  	[sflag:s22] =	ssyncset.done $0x0  }
0x43: {  	[sflag:s22] =	ssyncadd.s32 $0xFFFFF800  }
0x44: {  	_ =	swait.ge [sflag:s22], $0x800  }
0x45: {  	s25 =	simm.s32 $0x1000;
	s24 =	simm.s32 $0x800;
	[sflag:s22] =	ssyncset.done $0x0  }
.LBB2_2:
0x46: {  	s26 =	sshra.s32 s24, $0x2  }
0x47: {  	[sflag:s22] =	ssyncadd.s32 $0xFFFFF800;
	s24 =	smov.u32 s25;
	s28 =	sadd.s32 $0x800, s25  }
0x48: {  	[spmem:s2] =	stream.indirect.scatter.add.f32 [tilespmem:s19], [sflag:$0x1], $0x10, s26, s21, $0xb8;
	[tilespmem:$0x6000] =	vst v63  }
0x49: {  	p0 =	sne.s32 s25, $0x9800;
	s25 =	sadd.s32 $0x80, s26  }
0x4a: {  	[spmem:s2] =	stream.indirect.scatter.add.f32 [tilespmem:s19], [sflag:$0x1], $0x10, s25, s21, $0xb8;
	[tilespmem:$0x6000] =	vst v63  }
0x4b: {  	s25 =	sadd.s32 $0x100, s26  }
0x4c: {  	[spmem:s2] =	stream.indirect.scatter.add.f32 [tilespmem:s19], [sflag:$0x1], $0x10, s25, s21, $0xb8;
	[tilespmem:$0x6000] =	vst v63  }
0x4d: {  	s25 =	sadd.s32 $0x180, s26  }
0x4e: {  	[spmem:s2] =	stream.indirect.scatter.add.f32 [tilespmem:s19], [sflag:$0x1], $0x10, s25, s21, $0xb8;
	[tilespmem:$0x6000] =	vst v63  }
0x4f: {  	_ =	swait.ge [sflag:s22], $0x800  }
0x50: {  	[sflag:s22] =	ssyncset.done $0x0  }
0x51: {  	[sflag:s22] =	ssyncadd.s32 $0xFFFFF800  }
0x52: {  	_ =	swait.ge [sflag:s22], $0x800  }
0x53: {  	[sflag:s22] =	ssyncset.done $0x0  }
0x54: {  	[sflag:s22] =	ssyncadd.s32 $0xFFFFF800  }
.Ltmp0:
0x55: {  	_ =	swait.ge [sflag:s22], $0x800;
	(pc) =	sbr.rel @p0 .LBB2_2-.Ltmp0, $4  }
0x56: {  	[sflag:s22] =	ssyncset.done $0x0  }
0x57: {  	[sflag:s22] =	ssyncadd.s32 $0xFFFFF800  }
0x58: {  	_ =	swait.ge [sflag:s22], $0x800  }
0x59: {  	s25 =	smov.u32 s28;
	[sflag:s22] =	ssyncset.done $0x0  }
0x5a: {  	s24 =	sshra.s32 s24, $0x2;
	[sflag:s22] =	ssyncadd.s32 $0xFFFFF800  }
0x5b: {  	[spmem:s2] =	stream.indirect.scatter.add.f32 [tilespmem:s19], [sflag:$0x1], $0x10, s24, s21, $0xb8;
	[tilespmem:$0x6000] =	vst v63  }
0x5c: {  	s25 =	sadd.s32 $0x80, s24  }
0x5d: {  	[spmem:s2] =	stream.indirect.scatter.add.f32 [tilespmem:s19], [sflag:$0x1], $0x10, s25, s21, $0xb8;
	[tilespmem:$0x6000] =	vst v63  }
0x5e: {  	s31 =	sadd.s32 $0x100, s24  }
0x5f: {  	[spmem:s2] =	stream.indirect.scatter.add.f32 [tilespmem:s19], [sflag:$0x1], $0x10, s31, s21, $0xb8;
	[tilespmem:$0x6000] =	vst v63  }
0x60: {  	s24 =	sadd.s32 $0x180, s24  }
0x61: {  	[spmem:s2] =	stream.indirect.scatter.add.f32 [tilespmem:s19], [sflag:$0x1], $0x10, s24, s21, $0xb8;
	[tilespmem:$0x6000] =	vst v63  }
0x62: {  	_ =	swait.ge [sflag:s22], $0x800  }
0x63: {  	[sflag:s22] =	ssyncset.done $0x0  }
0x64: {  	[sflag:s22] =	ssyncadd.s32 $0xFFFFF800  }
0x65: {  	_ =	swait.ge [sflag:s22], $0x800  }
0x66: {  	[sflag:s22] =	ssyncset.done $0x0  }
0x67: {  	[sflag:s22] =	ssyncadd.s32 $0xFFFFF800  }
0x68: {  	_ =	swait.ge [sflag:s22], $0x800  }
0x69: {  	[sflag:s22] =	ssyncset.done $0x0  }
0x6a: {  	[sflag:s22] =	ssyncadd.s32 $0xFFFFF800  }
0x6b: {  	_ =	swait.ge [sflag:s22], $0x800  }
0x6c: {  	[sflag:s22] =	ssyncset.done $0x0  }
0x6d: {  	s25 =	sshll.u32 s0, $0x6;
	[sflag:s22] =	ssyncadd.s32 $0xFFFFF800  }
0x6e: {  	s26 =	sshrl.u32 s7, $0x3;
	s24 =	sor.u32 $0x1C02, s25;
	[bflag:$0x0] =	sbarrier.arrive $0xFFFF  }
0x6f: {  	[hbm:s12], [sflag:s24] =	dma.local [spmem:s26], $0x100  }
0x70: {  	_ =	swait.ge [sflag:s18], $0x100  }
0x71: {  	[sflag:s18] =	ssyncset.done $0x0  }
0x72: {  	s28 =	sshrl.u32 s8, $0x3;
	[sflag:s18] =	ssyncadd.s32 $0xFFFFFF00  }
0x73: {  	[hbm:s13], [sflag:s24] =	dma.local [spmem:s28], $0x100  }
0x74: {  	_ =	swait.ge [sflag:s18], $0x100  }
0x75: {  	[sflag:s18] =	ssyncset.done $0x0  }
0x76: {  	s29 =	sshrl.u32 s9, $0x3;
	[sflag:s18] =	ssyncadd.s32 $0xFFFFFF00  }
0x77: {  	[hbm:s14], [sflag:s24] =	dma.local [spmem:s29], $0x100  }
0x78: {  	_ =	swait.ge [sflag:s18], $0x100  }
0x79: {  	[sflag:s18] =	ssyncset.done $0x0  }
0x7a: {  	s30 =	sshrl.u32 s10, $0x3;
	[sflag:s18] =	ssyncadd.s32 $0xFFFFFF00  }
0x7b: {  	[hbm:s15], [sflag:s24] =	dma.local [spmem:s30], $0x100  }
0x7c: {  	s23 =	sadd.s32 $0x1, s23;
	_ =	swait.ge [sflag:s18], $0x100  }
0x7d: {  	p0 =	sne.s32 s23, s17;
	[sflag:s18] =	ssyncset.done $0x0  }
.Ltmp1:
0x7e: {  	s31 =	sshrl.u32 s11, $0x3;
	[sflag:s18] =	ssyncadd.s32 $0xFFFFFF00;
	(pc) =	sbr.rel @p0 .LBB2_1-.Ltmp1, $4  }
0x7f: {  	[hbm:s16], [sflag:s24] =	dma.local [spmem:s31], $0x100  }
0x80: {  	_ =	swait.ge [sflag:s18], $0x100  }
0x81: {  	[sflag:s18] =	ssyncset.done $0x0  }
0x82: {  	[sflag:s18] =	ssyncadd.s32 $0xFFFFFF00  }
0x83: {  	_ =	sfence.sel $0x180000  }
0x84: {  	[bflag:$0x0] =	sbarrier.arrive $0xFFFF  }
0x85: {  	p0 =	sne.s32 s0, $0x0;
	_ =	strace $0x90000047  }
0x86: {  	s0 =	sadd.s32 @!p0 $0x100000, s1;
	[bflag:$0x2] =	sbarrier.arrive $0xFFFF  }
0x87: {  	[sflag:s0] =	ssyncadd.tile.s32 @!p0 $0x1;
	_ =	shalt  }
.Lfunc_end2:
_tile_overlayer_lowered:
.L_overlay_start_2:
0x88: {  	(tag) =	ssettag $0x2  }
0x89: {  	s0 =	rddreg [dreg:$0x0];
	s2 =	stileid.u32  }
0x8a: {  	s1 =	rddreg [dreg:$0x1];
	p0 =	sne.s32 s2, $0x0  }
0x8b: {  	s3 =	rddreg [dreg:$0x2];
	[bflag:$0x3] =	sbarrier.arrive $0xFFFF;
	s2 =	simm.s32 @!p0 $0x1C02  }
0x8c: {  	[timem:s3], [sflag:s2] =	dma.local @!p0 [hbm:s0], s1  }
0x8d: {  	s0 =	simm.s32 @!p0 $0x2  }
0x8e: {  	_ =	swait.ge @!p0 [sflag:s0], s1  }
0x8f: {  	s1 =	ssub.s32 @!p0 $0x0, s1;
	[sflag:s0] =	ssyncset.done @!p0 $0x0  }
0x90: {  	[sflag:s0] =	ssyncadd.s32 @!p0 s1  }
0x91: {  	[bflag:$0x3] =	sbarrier.arrive $0xFFFF  }
0x92: {  	_ =	shalt  }

</sc_bundles>
